<compile_context>
chip_gen: v7x
topology: tpu7x:2x2x1
jax: 0.10.2.dev20260603
libtpu: 0.0.44.dev20260713+nightly
codegen_flags: <defaults>
</compile_context>

<pallas_src>
import numpy as np
import jax
import jax.numpy as jnp
from jax import lax
from jax.experimental import pallas as pl
from jax.experimental.pallas import tpu as pltpu, tpu_sc as plsc

S = 2048
D = 1024
H = 16
HD = 64
F = 256
K = 10
SCALE = 0.125
BF = jnp.bfloat16



def _proj_body(xbf_ref, w_ref, b_ref, xf_ref, wg_ref, bg_ref,
               y_ref, g_ref, xs_ref):
    jstep = pl.program_id(0)
    y_ref[...] = (
        jnp.dot(xbf_ref[...], w_ref[...], preferred_element_type=jnp.float32)
        + b_ref[...]
    ).astype(BF)

    @pl.when(jstep == 0)
    def _prep():
        x = xf_ref[...]
        g = jnp.dot(x, wg_ref[...], preferred_element_type=jnp.float32)
        g = g + bg_ref[...]
        g_ref[...] = g
        xsum = jnp.sum(x, axis=0, keepdims=True)
        xs_ref[...] = jnp.concatenate(
            [xsum, jnp.zeros((7, D), jnp.float32)], axis=0
        )


def _proj(xbf, wcat, bcat, x2d, wg, bg, bn=512):
    n = wcat.shape[1]
    return pl.pallas_call(
        _proj_body,
        grid=(n // bn,),
        in_specs=[
            pl.BlockSpec((S, D), lambda j: (0, 0)),
            pl.BlockSpec((D, bn), lambda j: (0, j)),
            pl.BlockSpec((1, bn), lambda j: (0, j)),
            pl.BlockSpec((S, D), lambda j: (0, 0)),
            pl.BlockSpec((D, 128), lambda j: (0, 0)),
            pl.BlockSpec((1, 128), lambda j: (0, 0)),
        ],
        out_specs=[
            pl.BlockSpec((S, bn), lambda j: (0, j)),
            pl.BlockSpec((S, 128), lambda j: (0, 0)),
            pl.BlockSpec((8, D), lambda j: (0, 0)),
        ],
        out_shape=[
            jax.ShapeDtypeStruct((S, n), BF),
            jax.ShapeDtypeStruct((S, 128), jnp.float32),
            jax.ShapeDtypeStruct((8, D), jnp.float32),
        ],
    )(xbf, wcat, bcat.reshape(1, n), x2d, wg, bg.reshape(1, 128))





def _sc_route_body(imp_hbm, x_hbm, out_hbm, imp_v, idx_v, rows_v, sem):
    wid = lax.axis_index("s") * 2 + lax.axis_index("c")

    @pl.when(wid == 0)
    def _():
        pltpu.sync_copy(imp_hbm, imp_v)
        lanes = lax.iota(jnp.int32, 16)
        neg = jnp.float32(-3.0e38)
        big = jnp.int32(1 << 30)

        def allmax(v):
            for sh in (1, 2, 4, 8):
                perm = jnp.bitwise_xor(lanes, sh)
                v = jnp.maximum(v, v.at[perm].get(mode="promise_in_bounds"))
            return v

        def allmin(v):
            for sh in (1, 2, 4, 8):
                perm = jnp.bitwise_xor(lanes, sh)
                v = jnp.minimum(v, v.at[perm].get(mode="promise_in_bounds"))
            return v

        idx_acc = jnp.zeros((16,), jnp.int32)
        for kstep in range(K):
            def body_max(i, vm):
                return jnp.maximum(vm, imp_v[pl.ds(i * 16, 16)])
            vm = lax.fori_loop(
                0, S // 16, body_max, jnp.full((16,), neg, jnp.float32)
            )
            mv = allmax(vm)

            def body_idx(i, cur):
                v = imp_v[pl.ds(i * 16, 16)]
                cand = jnp.where(v == mv, lanes + i * 16, big)
                return jnp.minimum(cur, cand)
            cvec = lax.fori_loop(
                0, S // 16, body_idx, jnp.full((16,), big, jnp.int32)
            )
            idxv = allmin(cvec)

            def body_mask(i, carry):
                v = imp_v[pl.ds(i * 16, 16)]
                lin = lanes + i * 16
                imp_v[pl.ds(i * 16, 16)] = jnp.where(lin == idxv, neg, v)
                return carry
            lax.fori_loop(0, S // 16, body_mask, jnp.int32(0))
            idx_acc = jnp.where(lanes == kstep, idxv, idx_acc)
        idx_v[...] = idx_acc
        pltpu.async_copy(x_hbm.at[idx_v], rows_v, sem).wait()
        pltpu.sync_copy(rows_v, out_hbm)


def _scroute(imp, x2d):
    mesh = plsc.VectorSubcoreMesh(core_axis_name="c", subcore_axis_name="s")
    run = pl.kernel(
        _sc_route_body,
        mesh=mesh,
        out_type=jax.ShapeDtypeStruct((16, D), jnp.float32),
        scratch_types=[
            pltpu.VMEM((S,), jnp.float32),
            pltpu.VMEM((16,), jnp.int32),
            pltpu.VMEM((16, D), jnp.float32),
            pltpu.SemaphoreType.DMA,
        ],
    )
    return run(imp, x2d)



def _attn_body(q_ref, k_ref, v_ref, o_ref):
    q = q_ref[...] * BF(SCALE)
    k = k_ref[...]
    v = v_ref[...]
    outs = []
    for h in (0, 1):
        sl = slice(HD * h, HD * (h + 1))
        s = jax.lax.dot_general(
            q[:, sl], k[:, sl], (((1,), (1,)), ((), ())),
            preferred_element_type=jnp.float32,
        )
        p = jnp.exp(s)
        l = jnp.sum(p, axis=1, keepdims=True)
        pv = jnp.dot(p.astype(BF), v[:, sl], preferred_element_type=jnp.float32)
        outs.append(pv / l)
    o_ref[...] = jnp.concatenate(outs, axis=1).astype(BF)


def _attn03(y, bq=512):
    qm = lambda j, i: (i, jnp.where(j < 8, j, 16 + j))
    km = lambda j, i: (0, jnp.where(j < 8, 8 + j, 24 + j))
    vm = lambda j, i: (0, jnp.where(j < 8, 16 + j, 32 + j))
    return pl.pallas_call(
        _attn_body,
        grid=(H, S // bq),
        in_specs=[
            pl.BlockSpec((bq, 128), qm),
            pl.BlockSpec((S, 128), km),
            pl.BlockSpec((S, 128), vm),
        ],
        out_specs=pl.BlockSpec((bq, 128), lambda j, i: (i, j)),
        out_shape=jax.ShapeDtypeStruct((S, 2 * D), BF),
    )(y, y, y)



def _pec_body(q2_ref, k2_ref, v2_ref, wphi_ref, bphi_ref, wpsi_ref, bpsi_ref,
              q1_ref, xsel_ref, xsum_ref, wk_ref, wv_ref, bkv_ref,
              xbf_ref, wdw_ref, bdw_ref, wpw_ref, bpw_ref,
              o2_ref, o1_ref, oc_ref, kv_scr):
    jstep = pl.program_id(0)

    @pl.when(jstep == 0)
    def _e1kv():
        r16c = jax.lax.broadcasted_iota(jnp.int32, (16, 1), 0)
        a = jnp.where(r16c == K, xsum_ref[0:1, :], xsel_ref[...])
        bscale = jnp.where(
            r16c < K, 1.0, jnp.where(r16c == K, np.float32(S), 0.0)
        )
        bkv = bkv_ref[...]
        kv_scr[:, 0:D] = (
            jnp.dot(a, wk_ref[...], preferred_element_type=jnp.float32)
            + bscale * bkv[:, 0:D]
        )
        kv_scr[:, D:2 * D] = (
            jnp.dot(a, wv_ref[...], preferred_element_type=jnp.float32)
            + bscale * bkv[:, D:2 * D]
        )

    q = q2_ref[...]
    k = k2_ref[...]
    v = v2_ref[...]
    wphi = wphi_ref[...].astype(BF)
    bphi = bphi_ref[...]
    wpsi = wpsi_ref[...].astype(BF)
    bpsi = bpsi_ref[...]
    outs = []
    for h in (0, 1):
        sl = slice(HD * h, HD * (h + 1))
        qf = jnp.dot(q[:, sl], wphi, preferred_element_type=jnp.float32) + bphi
        qf = jnp.where(qf > 0, qf + 1.0, jnp.exp(qf))
        kf = jnp.dot(k[:, sl], wpsi, preferred_element_type=jnp.float32) + bpsi
        kf = jnp.where(kf > 0, kf + 1.0, jnp.exp(kf))
        kv = jax.lax.dot_general(
            kf.astype(BF), v[:, sl], (((0,), (0,)), ((), ())),
            preferred_element_type=jnp.float32,
        )
        ks = jnp.sum(kf, axis=0, keepdims=True)
        qkv = jnp.dot(
            qf.astype(BF), kv.astype(BF), preferred_element_type=jnp.float32
        )
        norm = jnp.sum(qf * ks, axis=1, keepdims=True)
        outs.append(qkv / (norm + 1e-8))
    o2_ref[...] = jnp.concatenate(outs, axis=1).astype(BF)

    q1 = q1_ref[...]
    ksp = kv_scr[:, pl.ds(jstep * 128, 128)]
    vsp = kv_scr[:, pl.ds(D + jstep * 128, 128)]
    colio = jax.lax.broadcasted_iota(jnp.int32, (1, 16), 1)
    valid = colio < K
    rmask = jax.lax.broadcasted_iota(jnp.int32, (16, 1), 0) < K
    outs1 = []
    for h in (0, 1):
        sl = slice(HD * h, HD * (h + 1))
        ks1 = ksp[:, sl]
        vs1 = vsp[:, sl]
        s = jax.lax.dot_general(
            q1[:, sl], ks1.astype(BF), (((1,), (1,)), ((), ())),
            preferred_element_type=jnp.float32,
        ) * np.float32(SCALE)
        s = jnp.where(valid, s, -jnp.inf)
        m = jnp.maximum(jnp.max(s, axis=1, keepdims=True), 0.0)
        p = jnp.where(valid, jnp.exp(s - m), 0.0)
        sump = jnp.sum(p, axis=1, keepdims=True)
        em = jnp.exp(-m)
        vselsum = jnp.sum(jnp.where(rmask, vs1, 0.0), axis=0, keepdims=True)
        vtot = vs1[K:K + 1, :]
        numer = (
            jnp.dot(p.astype(BF), vs1.astype(BF),
                    preferred_element_type=jnp.float32)
            + em * (vtot - vselsum)
        )
        denom = sump + em * np.float32(S - K)
        outs1.append(numer / denom)
    o1_ref[...] = jnp.concatenate(outs1, axis=1).astype(BF)

    @pl.when(jstep == 0)
    def _conv():
        x = xbf_ref[...].astype(jnp.float32)
        z = jnp.zeros((1, D), jnp.float32)
        xm = jnp.concatenate([z, x[:-1, :]], axis=0)
        xp = jnp.concatenate([x[1:, :], z], axis=0)
        w = wdw_ref[...]
        dw = xm * w[0:1, :] + x * w[1:2, :] + xp * w[2:3, :] + bdw_ref[...]
        acc = jnp.dot(dw.astype(BF), wpw_ref[...],
                      preferred_element_type=jnp.float32)
        acc = acc + bpw_ref[...]
        acc = 0.5 * acc * (
            1.0 + jax.lax.erf(acc * np.float32(1.0 / np.sqrt(2.0)))
        )
        oc_ref[...] = acc.astype(BF)


def _pec(y, wphi, bphi, wpsi, bpsi, xsel, xsum8, wk, wv, bkv,
         xbf, wdw3, bdw, wpwt_bf, bpw):
    base = 6144 // 128
    qbase = 9216 // 128
    return pl.pallas_call(
        _pec_body,
        grid=(H // 2,),
        in_specs=[
            pl.BlockSpec((S, 128), lambda j: (0, base + j)),
            pl.BlockSpec((S, 128), lambda j: (0, base + 8 + j)),
            pl.BlockSpec((S, 128), lambda j: (0, base + 16 + j)),
            pl.BlockSpec((HD, F), lambda j: (0, 0)),
            pl.BlockSpec((1, F), lambda j: (0, 0)),
            pl.BlockSpec((HD, F), lambda j: (0, 0)),
            pl.BlockSpec((1, F), lambda j: (0, 0)),
            pl.BlockSpec((S, 128), lambda j: (0, qbase + j)),
            pl.BlockSpec((16, D), lambda j: (0, 0)),
            pl.BlockSpec((8, D), lambda j: (0, 0)),
            pl.BlockSpec((D, D), lambda j: (0, 0)),
            pl.BlockSpec((D, D), lambda j: (0, 0)),
            pl.BlockSpec((1, 2 * D), lambda j: (0, 0)),
            pl.BlockSpec((S, D), lambda j: (0, 0)),
            pl.BlockSpec((3, D), lambda j: (0, 0)),
            pl.BlockSpec((1, D), lambda j: (0, 0)),
            pl.BlockSpec((D, D), lambda j: (0, 0)),
            pl.BlockSpec((1, D), lambda j: (0, 0)),
        ],
        out_specs=[
            pl.BlockSpec((S, 128), lambda j: (0, j)),
            pl.BlockSpec((S, 128), lambda j: (0, j)),
            pl.BlockSpec((S, D), lambda j: (0, 0)),
        ],
        out_shape=[
            jax.ShapeDtypeStruct((S, D), BF),
            jax.ShapeDtypeStruct((S, D), BF),
            jax.ShapeDtypeStruct((S, D), BF),
        ],
        scratch_shapes=[pltpu.VMEM((16, 2 * D), jnp.float32)],
    )(y, y, y, wphi, bphi.reshape(1, F), wpsi, bpsi.reshape(1, F), y,
      xsel, xsum8, wk, wv, bkv.reshape(1, 2 * D),
      xbf, wdw3, bdw.reshape(1, D), wpwt_bf, bpw.reshape(1, D))



def _fold_body(a_ref, w_ref, o_ref):
    o_ref[...] = jnp.dot(a_ref[...], w_ref[...],
                         preferred_element_type=jnp.float32)


def _fold(abf, wftop_bf, bn=512):
    m = abf.shape[0]
    return pl.pallas_call(
        _fold_body,
        grid=(D // bn,),
        in_specs=[
            pl.BlockSpec((m, D), lambda j: (0, 0)),
            pl.BlockSpec((D, bn), lambda j: (0, j)),
        ],
        out_specs=pl.BlockSpec((m, bn), lambda j: (0, j)),
        out_shape=jax.ShapeDtypeStruct((m, D), jnp.float32),
    )(abf, wftop_bf)



def _out_body(g_ref, c03_ref0, c03_ref3, c1_ref, c2_ref, cv_ref,
              w0_ref, w1_ref, w2_ref, w3_ref, wf_ref, bias_ref, o_ref):
    g = g_ref[...]

    def sm2(a, b):
        m = jnp.maximum(a, b)
        ea = jnp.exp(a - m)
        eb = jnp.exp(b - m)
        s = ea + eb
        return ea / s, eb / s

    g10, g11 = sm2(g[:, 0:1], g[:, 1:2])
    g2a0, g2a1 = sm2(g[:, 2:3], g[:, 3:4])
    g2b0, g2b1 = sm2(g[:, 4:5], g[:, 5:6])
    w0 = g10 * g2a0
    w1 = g10 * g2a1
    w2 = g11 * g2b0
    w3 = g11 * g2b1

    def term(wtok, c, wref):
        cb = (wtok.astype(BF) * c).astype(BF)
        return jnp.dot(cb, wref[...], preferred_element_type=jnp.float32)

    acc = term(w0, c03_ref0[...], w0_ref)
    acc += term(w1, c1_ref[...], w1_ref)
    acc += term(w2, c2_ref[...], w2_ref)
    acc += term(w3, c03_ref3[...], w3_ref)
    acc += term(w3, cv_ref[...], wf_ref)
    b = bias_ref[...]
    acc += w0 * b[0:1, :] + w1 * b[1:2, :] + w2 * b[2:3, :] + w3 * b[3:4, :]
    o_ref[...] = acc


def _outmm(g, ctx03, ctx1, ctx2, conv3, wo0, wo1, wo2, wo3f, wfbot, bias8, bm=512):
    return pl.pallas_call(
        _out_body,
        grid=(S // bm,),
        in_specs=[
            pl.BlockSpec((bm, 128), lambda i: (i, 0)),
            pl.BlockSpec((bm, D), lambda i: (i, 0)),
            pl.BlockSpec((bm, D), lambda i: (i, 1)),
            pl.BlockSpec((bm, D), lambda i: (i, 0)),
            pl.BlockSpec((bm, D), lambda i: (i, 0)),
            pl.BlockSpec((bm, D), lambda i: (i, 0)),
            pl.BlockSpec((D, D), lambda i: (0, 0)),
            pl.BlockSpec((D, D), lambda i: (0, 0)),
            pl.BlockSpec((D, D), lambda i: (0, 0)),
            pl.BlockSpec((D, D), lambda i: (0, 0)),
            pl.BlockSpec((D, D), lambda i: (0, 0)),
            pl.BlockSpec((8, D), lambda i: (0, 0)),
        ],
        out_specs=pl.BlockSpec((bm, D), lambda i: (i, 0)),
        out_shape=jax.ShapeDtypeStruct((S, D), jnp.float32),
    )(g, ctx03, ctx03, ctx1, ctx2, conv3, wo0, wo1, wo2, wo3f, wfbot, bias8)



def kernel(x, params):
    p = params
    x2d = x[0]
    xbf = x2d.astype(BF)

    wcat = jnp.concatenate(
        [
            p['e0_Wq'], p['e0_Wk'], p['e0_Wv'],
            p['e3_Wq'], p['e3_Wk'], p['e3_Wv'],
            p['e2_Wq'], p['e2_Wk'], p['e2_Wv'],
            p['e1_Wq'],
        ],
        axis=1,
    ).astype(BF)
    bcat = jnp.concatenate(
        [
            p['e0_bq'], p['e0_bk'], p['e0_bv'],
            p['e3_bq'], p['e3_bk'], p['e3_bv'],
            p['e2_bq'], p['e2_bk'], p['e2_bv'],
            p['e1_bq'],
        ]
    )
    wg = jnp.concatenate([p['Wg1'], p['Wg2a'], p['Wg2b'], p['e1_Ws']], axis=1)
    wg = jnp.pad(wg, ((0, 0), (0, 121)))
    bg = jnp.pad(
        jnp.concatenate([p['bg1'], p['bg2a'], p['bg2b'], p['e1_bs']]), (0, 121)
    )
    bkv = jnp.concatenate([p['e1_bk'], p['e1_bv']])
    y, g, xsum8 = _proj(xbf, wcat, bcat, x2d, wg, bg)

    xsel = _scroute(g[:, 6], x2d)

    ctx03 = _attn03(y)

    wdw3 = p['e3_Wdw'].reshape(D, 3).T
    wpwt_bf = p['e3_Wpw'][:, :, 0].T.astype(BF)
    ctx2, ctx1, conv3 = _pec(
        y, p['e2_Wphi'], p['e2_bphi'], p['e2_Wpsi'], p['e2_bpsi'],
        xsel, xsum8, p['e1_Wk'], p['e1_Wv'], bkv,
        xbf, wdw3, p['e3_bdw'], wpwt_bf, p['e3_bpw'],
    )

    wf_top = p['e3_Wf'][:D]
    wf_bot = p['e3_Wf'][D:]
    a8 = jnp.zeros((8, D), jnp.float32).at[0].set(p['e3_bo'])
    afold = jnp.concatenate([p['e3_Wo'], a8], axis=0).astype(BF)
    wr = _fold(afold, wf_top.astype(BF))
    wo3f = wr[:D]
    bias8 = (
        jnp.zeros((8, D), jnp.float32)
        .at[0].set(p['e0_bo'])
        .at[1].set(p['e1_bo'])
        .at[2].set(p['e2_bo'])
        .at[3].set(wr[D] + p['e3_bf'])
    )

    out = _outmm(
        g, ctx03, ctx1, ctx2, conv3,
        p['e0_Wo'].astype(BF), p['e1_Wo'].astype(BF), p['e2_Wo'].astype(BF),
        wo3f.astype(BF), wf_bot.astype(BF), bias8,
    )
    return out[None]

# --- scband reference (transcript-rebuilt; emitter-appended) ---
"""Pipeline reference for scband-hierarchical-mo-eattention-57690000720290 (READ-ONLY COPY).

The authoritative reference and input builder live on the scoring server;
editing this copy changes nothing except your own understanding.
"""

import jax, jax.numpy as jnp
import numpy as np

EMBED_DIM = 1024
NUM_HEADS = 16
KERNEL_DIM = 256
K_TOP = 10
KERNEL_SIZE = 3


def _xavier(key, shape):
    std = np.float32(np.sqrt(2.0 / (shape[0] + shape[-1])))
    return jax.random.normal(key, shape, dtype=jnp.float32) * std


def setup_inputs(seed: int = 0):
    key = jax.random.key(seed)
    D, H = EMBED_DIM, NUM_HEADS
    hd = D // H
    x = jax.random.normal(jax.random.fold_in(key, 0), (1, 2048, D), dtype=jnp.float32)
    params = {}
    c = [1]
    def nk():
        k = jax.random.fold_in(key, c[0]); c[0] += 1; return k
    for e in ('e0', 'e1', 'e2', 'e3'):
        for nm in ('q', 'k', 'v', 'o'):
            params[e + '_W' + nm] = _xavier(nk(), (D, D))
            params[e + '_b' + nm] = jnp.zeros((D,), jnp.float32)
    params['e1_Ws'] = _xavier(nk(), (D, 1))
    params['e1_bs'] = jnp.zeros((1,), jnp.float32)
    params['e2_Wphi'] = _xavier(nk(), (hd, KERNEL_DIM))
    params['e2_bphi'] = jnp.zeros((KERNEL_DIM,), jnp.float32)
    params['e2_Wpsi'] = _xavier(nk(), (hd, KERNEL_DIM))
    params['e2_bpsi'] = jnp.zeros((KERNEL_DIM,), jnp.float32)
    params['e3_Wdw'] = jax.random.normal(nk(), (D, 1, KERNEL_SIZE), jnp.float32) * 0.1
    params['e3_bdw'] = jnp.zeros((D,), jnp.float32)
    params['e3_Wpw'] = jax.random.normal(nk(), (D, D, 1), jnp.float32) * np.float32(np.sqrt(1.0 / D))
    params['e3_bpw'] = jnp.zeros((D,), jnp.float32)
    params['e3_Wf'] = _xavier(nk(), (2 * D, D))
    params['e3_bf'] = jnp.zeros((D,), jnp.float32)
    params['Wg1'] = _xavier(nk(), (D, 2)); params['bg1'] = jnp.zeros((2,), jnp.float32)
    params['Wg2a'] = _xavier(nk(), (D, 2)); params['bg2a'] = jnp.zeros((2,), jnp.float32)
    params['Wg2b'] = _xavier(nk(), (D, 2)); params['bg2b'] = jnp.zeros((2,), jnp.float32)
    return {'x': x, 'params': params}


def _heads(t, H):
    B, S, D = t.shape
    return t.reshape(B, S, H, D // H).transpose(0, 2, 1, 3)


def _merge(t):
    B, H, S, hd = t.shape
    return t.transpose(0, 2, 1, 3).reshape(B, S, H * hd)


def _qkv(x, p, e, H):
    q = _heads(x @ p[e + '_Wq'] + p[e + '_bq'], H)
    k = _heads(x @ p[e + '_Wk'] + p[e + '_bk'], H)
    v = _heads(x @ p[e + '_Wv'] + p[e + '_bv'], H)
    return q, k, v


def _base_expert(x, p, e, H):
    q, k, v = _qkv(x, p, e, H)
    hd = q.shape[-1]
    s = jnp.einsum('bhqd,bhkd->bhqk', q, k) / np.float32(np.sqrt(hd))
    a = jax.nn.softmax(s, axis=-1)
    o = _merge(jnp.einsum('bhqk,bhkd->bhqd', a, v))
    return o @ p[e + '_Wo'] + p[e + '_bo']


def _sparse_expert(x, p, e, H):
    B, S, D = x.shape
    q, k, v = _qkv(x, p, e, H)
    hd = q.shape[-1]
    s = jnp.einsum('bhqd,bhkd->bhqk', q, k) / np.float32(np.sqrt(hd))
    imp = (x @ p[e + '_Ws'] + p[e + '_bs'])[..., 0]
    _, idx = jax.lax.top_k(imp, min(K_TOP, S))
    mask = jnp.zeros((B, S), jnp.float32).at[jnp.arange(B)[:, None], idx].set(1.0)
    s = s * mask[:, None, None, :]
    a = jax.nn.softmax(s, axis=-1)
    o = _merge(jnp.einsum('bhqk,bhkd->bhqd', a, v))
    return o @ p[e + '_Wo'] + p[e + '_bo']


def _performer_expert(x, p, e, H):
    q, k, v = _qkv(x, p, e, H)
    q_phi = jax.nn.elu(q @ p[e + '_Wphi'] + p[e + '_bphi']) + 1.0
    k_psi = jax.nn.elu(k @ p[e + '_Wpsi'] + p[e + '_bpsi']) + 1.0
    kv = jnp.einsum('bhld,bhlm->bhdm', k_psi, v)
    qkv = jnp.einsum('bhld,bhdm->bhlm', q_phi, kv)
    norm = jnp.einsum('bhld,bhd->bhl', q_phi, k_psi.sum(axis=2))[..., None]
    o = _merge(qkv / (norm + 1e-8))
    return o @ p[e + '_Wo'] + p[e + '_bo']


def _conv_expert(x, p, e, H):
    B, S, D = x.shape
    xc = x.transpose(0, 2, 1)
    pad = (KERNEL_SIZE - 1) // 2
    xc = jax.lax.conv_general_dilated(xc, p[e + '_Wdw'], (1,), ((pad, pad),), dimension_numbers=('NCH', 'OIH', 'NCH'), feature_group_count=D) + p[e + '_bdw'][None, :, None]
    xc = jax.lax.conv_general_dilated(xc, p[e + '_Wpw'], (1,), ((0, 0),), dimension_numbers=('NCH', 'OIH', 'NCH')) + p[e + '_bpw'][None, :, None]
    xc = jax.nn.gelu(xc, approximate=False)
    x_conv = xc.transpose(0, 2, 1)
    attn = _base_expert(x, p, e, H)
    return jnp.concatenate([attn, x_conv], axis=-1) @ p[e + '_Wf'] + p[e + '_bf']


def _forward(x, params):
    H = NUM_HEADS
    e0 = _base_expert(x, params, 'e0', H)
    e1 = _sparse_expert(x, params, 'e1', H)
    e2 = _performer_expert(x, params, 'e2', H)
    e3 = _conv_expert(x, params, 'e3', H)
    g1 = jax.nn.softmax(x @ params['Wg1'] + params['bg1'], axis=-1)
    g2a = jax.nn.softmax(x @ params['Wg2a'] + params['bg2a'], axis=-1)
    g2b = jax.nn.softmax(x @ params['Wg2b'] + params['bg2b'], axis=-1)
    out = g1[..., 0:1] * (g2a[..., 0:1] * e0 + g2a[..., 1:2] * e1) + g1[..., 1:2] * (g2b[..., 0:1] * e2 + g2b[..., 1:2] * e3)
    return out


def reference(x, params):
    return _forward(x, params)

if __name__ == "__main__":
    import jax
    _d = setup_inputs()
    print(jax.jit(kernel)(*tuple(_d.values())))

</pallas_src>

<mosaic_0001>
#map = affine_map<(d0, d1) -> (0)>
#map1 = affine_map<(d0, d1) -> (0, 0)>
module attributes {stable_mosaic.version = 14 : i64} {
  func.func @_sc_route_body(%arg0: i32, %arg1: i32, %arg2: memref<2048xf32, #tpu.memory_space<hbm>>, %arg3: memref<2048x1024xf32, #tpu.memory_space<hbm>>, %arg4: memref<16x1024xf32, #tpu.memory_space<hbm>>, %arg5: memref<2048xf32, #tpu.memory_space<vmem>>, %arg6: memref<16xi32, #tpu.memory_space<vmem>>, %arg7: memref<16x1024xf32, #tpu.memory_space<vmem>>, %arg8: memref<!tpu.dma_semaphore, #tpu.memory_space<semaphore_mem>>) attributes {dimension_semantics = [#tpu.dimension_semantics<core_parallel>, #tpu.dimension_semantics<subcore_parallel>], iteration_bounds = array<i64: 2, 16>, scalar_prefetch = 0 : i64, scratch_operands = 4 : i64, tpu.core_type = #tpu.core_type<sc_vector_subcore>, window_params = [{transform_indices = #map}, {transform_indices = #map1}, {transform_indices = #map1}]} {
    %mul3A = arith.constant 2 : i32
    %mul3A_0 = arith.muli %arg1, %mul3A : i32
    %add3A = arith.addi %mul3A_0, %arg0 : i32
    %eq3A = arith.constant 0 : i32
    %eq3A_1 = arith.cmpi eq, %add3A, %eq3A : i32
    %convert_element_type3A = arith.extui %eq3A_1 : i1 to i32
    %cond3A = arith.constant 0 : i32
    %cond3A_2 = arith.cmpi ne, %convert_element_type3A, %cond3A : i32
    scf.if %cond3A_2 {
      "tpu.region"() ({
        %run_scoped3A = tpu.sem_alloc : memref<!tpu.dma_semaphore, #tpu.memory_space<semaphore_mem>>
        tpu.enqueue_dma source(%arg2 : memref<2048xf32, #tpu.memory_space<hbm>>) target(%arg5 : memref<2048xf32, #tpu.memory_space<vmem>>) target_semaphore(%run_scoped3A : memref<!tpu.dma_semaphore, #tpu.memory_space<semaphore_mem>>)
        tpu.wait_dma2 semaphore(%run_scoped3A : memref<!tpu.dma_semaphore, #tpu.memory_space<semaphore_mem>>) src(%arg2 : memref<2048xf32, #tpu.memory_space<hbm>>) dst(%arg5 : memref<2048xf32, #tpu.memory_space<vmem>>)
        tpu.yield
      }) : () -> ()
      %iota3A = tpu.iota {dimensions = array<i32: 0>} : vector<16xi32>
      %broadcast_in_dim3A = arith.constant 0 : i32
      %broadcast_in_dim3A_3 = vector.broadcast %broadcast_in_dim3A : i32 to vector<16xi32>
      %broadcast_in_dim3A_4 = arith.constant -3.000000e+38 : f32
      %broadcast_in_dim3A_5 = vector.broadcast %broadcast_in_dim3A_4 : f32 to vector<16xf32>
      %scan3A = arith.constant 0 : i32
      %scan3A_6 = arith.constant 128 : i32
      %scan3A_7 = arith.addi %scan3A, %scan3A_6 : i32
      %scan3A_8 = arith.constant 1 : i32
      %scan3A_9 = scf.for %scan3A_1404 = %scan3A to %scan3A_7 step %scan3A_8 iter_args(%scan3A_1405 = %broadcast_in_dim3A_5) -> (vector<16xf32>)  : i32 {
        %mul3A_1406 = arith.constant 16 : i32
        %mul3A_1407 = arith.muli %scan3A_1404, %mul3A_1406 : i32
        %get3A = arith.index_cast %mul3A_1407 : i32 to index
        %get3A_1408 = tpu.vector_load %arg5[%get3A] {strides = array<i32>} : memref<2048xf32, #tpu.memory_space<vmem>>, vector<16xf32>,
        %get3A_1409 = vector.shape_cast %get3A_1408 : vector<16xf32> to vector<16xf32>
        %max3A_1410 = arith.maximumf %scan3A_1405, %get3A_1409 : vector<16xf32>
        scf.yield %max3A_1410 : vector<16xf32>
      }
      %scan3A_10 = arith.constant 128 : i32
      %xor3A = arith.constant 1 : i32
      %xor3A_11 = vector.broadcast %xor3A : i32 to vector<16xi32>
      %xor3A_12 = arith.xori %iota3A, %xor3A_11 : vector<16xi32>
      %lt3A = arith.constant 0 : i32
      %lt3A_13 = vector.broadcast %lt3A : i32 to vector<16xi32>
      %lt3A_14 = arith.cmpi slt, %xor3A_12, %lt3A_13 : vector<16xi32>
      %add3A_15 = arith.constant 16 : i32
      %add3A_16 = vector.broadcast %add3A_15 : i32 to vector<16xi32>
      %add3A_17 = arith.addi %xor3A_12, %add3A_16 : vector<16xi32>
      %select_n3A = arith.select %lt3A_14, %add3A_17, %xor3A_12 : vector<16xi1>, vector<16xi32>
      %broadcast_in_dim3A_18 = vector.shape_cast %select_n3A : vector<16xi32> to vector<16x1xi32>
      %gather3A = vector.shape_cast %broadcast_in_dim3A_18 : vector<16x1xi32> to vector<16xi32>
      %gather3A_19 = tpu.dynamic_gather %scan3A_9[%gather3A] in [0] : vector<16xf32>, vector<16xi32> -> vector<16xf32>
      %max3A = arith.maximumf %scan3A_9, %gather3A_19 : vector<16xf32>
      %xor3A_20 = arith.constant 2 : i32
      %xor3A_21 = vector.broadcast %xor3A_20 : i32 to vector<16xi32>
      %xor3A_22 = arith.xori %iota3A, %xor3A_21 : vector<16xi32>
      %lt3A_23 = arith.constant 0 : i32
      %lt3A_24 = vector.broadcast %lt3A_23 : i32 to vector<16xi32>
      %lt3A_25 = arith.cmpi slt, %xor3A_22, %lt3A_24 : vector<16xi32>
      %add3A_26 = arith.constant 16 : i32
      %add3A_27 = vector.broadcast %add3A_26 : i32 to vector<16xi32>
      %add3A_28 = arith.addi %xor3A_22, %add3A_27 : vector<16xi32>
      %select_n3A_29 = arith.select %lt3A_25, %add3A_28, %xor3A_22 : vector<16xi1>, vector<16xi32>
      %broadcast_in_dim3A_30 = vector.shape_cast %select_n3A_29 : vector<16xi32> to vector<16x1xi32>
      %gather3A_31 = vector.shape_cast %broadcast_in_dim3A_30 : vector<16x1xi32> to vector<16xi32>
      %gather3A_32 = tpu.dynamic_gather %max3A[%gather3A_31] in [0] : vector<16xf32>, vector<16xi32> -> vector<16xf32>
      %max3A_33 = arith.maximumf %max3A, %gather3A_32 : vector<16xf32>
      %xor3A_34 = arith.constant 4 : i32
      %xor3A_35 = vector.broadcast %xor3A_34 : i32 to vector<16xi32>
      %xor3A_36 = arith.xori %iota3A, %xor3A_35 : vector<16xi32>
      %lt3A_37 = arith.constant 0 : i32
      %lt3A_38 = vector.broadcast %lt3A_37 : i32 to vector<16xi32>
      %lt3A_39 = arith.cmpi slt, %xor3A_36, %lt3A_38 : vector<16xi32>
      %add3A_40 = arith.constant 16 : i32
      %add3A_41 = vector.broadcast %add3A_40 : i32 to vector<16xi32>
      %add3A_42 = arith.addi %xor3A_36, %add3A_41 : vector<16xi32>
      %select_n3A_43 = arith.select %lt3A_39, %add3A_42, %xor3A_36 : vector<16xi1>, vector<16xi32>
      %broadcast_in_dim3A_44 = vector.shape_cast %select_n3A_43 : vector<16xi32> to vector<16x1xi32>
      %gather3A_45 = vector.shape_cast %broadcast_in_dim3A_44 : vector<16x1xi32> to vector<16xi32>
      %gather3A_46 = tpu.dynamic_gather %max3A_33[%gather3A_45] in [0] : vector<16xf32>, vector<16xi32> -> vector<16xf32>
      %max3A_47 = arith.maximumf %max3A_33, %gather3A_46 : vector<16xf32>
      %xor3A_48 = arith.constant 8 : i32
      %xor3A_49 = vector.broadcast %xor3A_48 : i32 to vector<16xi32>
      %xor3A_50 = arith.xori %iota3A, %xor3A_49 : vector<16xi32>
      %lt3A_51 = arith.constant 0 : i32
      %lt3A_52 = vector.broadcast %lt3A_51 : i32 to vector<16xi32>
      %lt3A_53 = arith.cmpi slt, %xor3A_50, %lt3A_52 : vector<16xi32>
      %add3A_54 = arith.constant 16 : i32
      %add3A_55 = vector.broadcast %add3A_54 : i32 to vector<16xi32>
      %add3A_56 = arith.addi %xor3A_50, %add3A_55 : vector<16xi32>
      %select_n3A_57 = arith.select %lt3A_53, %add3A_56, %xor3A_50 : vector<16xi1>, vector<16xi32>
      %broadcast_in_dim3A_58 = vector.shape_cast %select_n3A_57 : vector<16xi32> to vector<16x1xi32>
      %gather3A_59 = vector.shape_cast %broadcast_in_dim3A_58 : vector<16x1xi32> to vector<16xi32>
      %gather3A_60 = tpu.dynamic_gather %max3A_47[%gather3A_59] in [0] : vector<16xf32>, vector<16xi32> -> vector<16xf32>
      %max3A_61 = arith.maximumf %max3A_47, %gather3A_60 : vector<16xf32>
      %broadcast_in_dim3A_62 = arith.constant 1073741824 : i32
      %broadcast_in_dim3A_63 = vector.broadcast %broadcast_in_dim3A_62 : i32 to vector<16xi32>
      %scan3A_64 = arith.constant 1073741824 : i32
      %scan3A_65 = arith.constant 0 : i32
      %scan3A_66 = arith.constant 128 : i32
      %scan3A_67 = arith.addi %scan3A_65, %scan3A_66 : i32
      %scan3A_68 = arith.constant 1 : i32
      %scan3A_69 = scf.for %scan3A_1404 = %scan3A_65 to %scan3A_67 step %scan3A_68 iter_args(%scan3A_1405 = %broadcast_in_dim3A_63) -> (vector<16xi32>)  : i32 {
        %mul3A_1406 = arith.constant 16 : i32
        %mul3A_1407 = arith.muli %scan3A_1404, %mul3A_1406 : i32
        %get3A = arith.index_cast %mul3A_1407 : i32 to index
        %get3A_1408 = tpu.vector_load %arg5[%get3A] {strides = array<i32>} : memref<2048xf32, #tpu.memory_space<vmem>>, vector<16xf32>,
        %get3A_1409 = vector.shape_cast %get3A_1408 : vector<16xf32> to vector<16xf32>
        %eq3A_1410 = arith.cmpf oeq, %get3A_1409, %max3A_61 : vector<16xf32>
        %mul3A_1411 = arith.constant 16 : i32
        %mul3A_1412 = arith.muli %scan3A_1404, %mul3A_1411 : i32
        %add3A_1413 = vector.broadcast %mul3A_1412 : i32 to vector<16xi32>
        %add3A_1414 = arith.addi %iota3A, %add3A_1413 : vector<16xi32>
        %broadcast_in_dim3A_1415 = vector.broadcast %scan3A_64 : i32 to vector<16xi32>
        %select_n3A_1416 = arith.select %eq3A_1410, %add3A_1414, %broadcast_in_dim3A_1415 : vector<16xi1>, vector<16xi32>
        %min3A_1417 = arith.minsi %scan3A_1405, %select_n3A_1416 : vector<16xi32>
        scf.yield %min3A_1417 : vector<16xi32>
      }
      %scan3A_70 = arith.constant 128 : i32
      %xor3A_71 = arith.constant 1 : i32
      %xor3A_72 = vector.broadcast %xor3A_71 : i32 to vector<16xi32>
      %xor3A_73 = arith.xori %iota3A, %xor3A_72 : vector<16xi32>
      %lt3A_74 = arith.constant 0 : i32
      %lt3A_75 = vector.broadcast %lt3A_74 : i32 to vector<16xi32>
      %lt3A_76 = arith.cmpi slt, %xor3A_73, %lt3A_75 : vector<16xi32>
      %add3A_77 = arith.constant 16 : i32
      %add3A_78 = vector.broadcast %add3A_77 : i32 to vector<16xi32>
      %add3A_79 = arith.addi %xor3A_73, %add3A_78 : vector<16xi32>
      %select_n3A_80 = arith.select %lt3A_76, %add3A_79, %xor3A_73 : vector<16xi1>, vector<16xi32>
      %broadcast_in_dim3A_81 = vector.shape_cast %select_n3A_80 : vector<16xi32> to vector<16x1xi32>
      %gather3A_82 = vector.shape_cast %broadcast_in_dim3A_81 : vector<16x1xi32> to vector<16xi32>
      %gather3A_83 = tpu.dynamic_gather %scan3A_69[%gather3A_82] in [0] : vector<16xi32>, vector<16xi32> -> vector<16xi32>
      %min3A = arith.minsi %scan3A_69, %gather3A_83 : vector<16xi32>
      %xor3A_84 = arith.constant 2 : i32
      %xor3A_85 = vector.broadcast %xor3A_84 : i32 to vector<16xi32>
      %xor3A_86 = arith.xori %iota3A, %xor3A_85 : vector<16xi32>
      %lt3A_87 = arith.constant 0 : i32
      %lt3A_88 = vector.broadcast %lt3A_87 : i32 to vector<16xi32>
      %lt3A_89 = arith.cmpi slt, %xor3A_86, %lt3A_88 : vector<16xi32>
      %add3A_90 = arith.constant 16 : i32
      %add3A_91 = vector.broadcast %add3A_90 : i32 to vector<16xi32>
      %add3A_92 = arith.addi %xor3A_86, %add3A_91 : vector<16xi32>
      %select_n3A_93 = arith.select %lt3A_89, %add3A_92, %xor3A_86 : vector<16xi1>, vector<16xi32>
      %broadcast_in_dim3A_94 = vector.shape_cast %select_n3A_93 : vector<16xi32> to vector<16x1xi32>
      %gather3A_95 = vector.shape_cast %broadcast_in_dim3A_94 : vector<16x1xi32> to vector<16xi32>
      %gather3A_96 = tpu.dynamic_gather %min3A[%gather3A_95] in [0] : vector<16xi32>, vector<16xi32> -> vector<16xi32>
      %min3A_97 = arith.minsi %min3A, %gather3A_96 : vector<16xi32>
      %xor3A_98 = arith.constant 4 : i32
      %xor3A_99 = vector.broadcast %xor3A_98 : i32 to vector<16xi32>
      %xor3A_100 = arith.xori %iota3A, %xor3A_99 : vector<16xi32>
      %lt3A_101 = arith.constant 0 : i32
      %lt3A_102 = vector.broadcast %lt3A_101 : i32 to vector<16xi32>
      %lt3A_103 = arith.cmpi slt, %xor3A_100, %lt3A_102 : vector<16xi32>
      %add3A_104 = arith.constant 16 : i32
      %add3A_105 = vector.broadcast %add3A_104 : i32 to vector<16xi32>
      %add3A_106 = arith.addi %xor3A_100, %add3A_105 : vector<16xi32>
      %select_n3A_107 = arith.select %lt3A_103, %add3A_106, %xor3A_100 : vector<16xi1>, vector<16xi32>
      %broadcast_in_dim3A_108 = vector.shape_cast %select_n3A_107 : vector<16xi32> to vector<16x1xi32>
      %gather3A_109 = vector.shape_cast %broadcast_in_dim3A_108 : vector<16x1xi32> to vector<16xi32>
      %gather3A_110 = tpu.dynamic_gather %min3A_97[%gather3A_109] in [0] : vector<16xi32>, vector<16xi32> -> vector<16xi32>
      %min3A_111 = arith.minsi %min3A_97, %gather3A_110 : vector<16xi32>
      %xor3A_112 = arith.constant 8 : i32
      %xor3A_113 = vector.broadcast %xor3A_112 : i32 to vector<16xi32>
      %xor3A_114 = arith.xori %iota3A, %xor3A_113 : vector<16xi32>
      %lt3A_115 = arith.constant 0 : i32
      %lt3A_116 = vector.broadcast %lt3A_115 : i32 to vector<16xi32>
      %lt3A_117 = arith.cmpi slt, %xor3A_114, %lt3A_116 : vector<16xi32>
      %add3A_118 = arith.constant 16 : i32
      %add3A_119 = vector.broadcast %add3A_118 : i32 to vector<16xi32>
      %add3A_120 = arith.addi %xor3A_114, %add3A_119 : vector<16xi32>
      %select_n3A_121 = arith.select %lt3A_117, %add3A_120, %xor3A_114 : vector<16xi1>, vector<16xi32>
      %broadcast_in_dim3A_122 = vector.shape_cast %select_n3A_121 : vector<16xi32> to vector<16x1xi32>
      %gather3A_123 = vector.shape_cast %broadcast_in_dim3A_122 : vector<16x1xi32> to vector<16xi32>
      %gather3A_124 = tpu.dynamic_gather %min3A_111[%gather3A_123] in [0] : vector<16xi32>, vector<16xi32> -> vector<16xi32>
      %min3A_125 = arith.minsi %min3A_111, %gather3A_124 : vector<16xi32>
      %scan3A_126 = arith.constant 0 : i32
      %scan3A_127 = arith.constant -3.000000e+38 : f32
      %scan3A_128 = arith.constant 0 : i32
      %scan3A_129 = arith.constant 128 : i32
      %scan3A_130 = arith.addi %scan3A_128, %scan3A_129 : i32
      %scan3A_131 = arith.constant 1 : i32
      scf.for %scan3A_1404 = %scan3A_128 to %scan3A_130 step %scan3A_131  : i32 {
        %mul3A_1405 = arith.constant 16 : i32
        %mul3A_1406 = arith.muli %scan3A_1404, %mul3A_1405 : i32
        %get3A = arith.index_cast %mul3A_1406 : i32 to index
        %get3A_1407 = tpu.vector_load %arg5[%get3A] {strides = array<i32>} : memref<2048xf32, #tpu.memory_space<vmem>>, vector<16xf32>,
        %get3A_1408 = vector.shape_cast %get3A_1407 : vector<16xf32> to vector<16xf32>
        %mul3A_1409 = arith.constant 16 : i32
        %mul3A_1410 = arith.muli %scan3A_1404, %mul3A_1409 : i32
        %add3A_1411 = vector.broadcast %mul3A_1410 : i32 to vector<16xi32>
        %add3A_1412 = arith.addi %iota3A, %add3A_1411 : vector<16xi32>
        %eq3A_1413 = arith.cmpi eq, %add3A_1412, %min3A_125 : vector<16xi32>
        %broadcast_in_dim3A_1414 = vector.broadcast %scan3A_127 : f32 to vector<16xf32>
        %select_n3A_1415 = arith.select %eq3A_1413, %broadcast_in_dim3A_1414, %get3A_1408 : vector<16xi1>, vector<16xf32>
        %mul3A_1416 = arith.constant 16 : i32
        %mul3A_1417 = arith.muli %scan3A_1404, %mul3A_1416 : i32
        %swap3A_1418 = arith.index_cast %mul3A_1417 : i32 to index
        %swap3A_1419 = tpu.vector_load %arg5[%swap3A_1418] {strides = array<i32>} : memref<2048xf32, #tpu.memory_space<vmem>>, vector<16xf32>,
        %swap3A_1420 = vector.shape_cast %swap3A_1419 : vector<16xf32> to vector<16xf32>
        %swap3A_1421 = vector.shape_cast %select_n3A_1415 : vector<16xf32> to vector<16xf32>
        tpu.vector_store %arg5[%swap3A_1418], %swap3A_1421 {strides = array<i32>} : memref<2048xf32, #tpu.memory_space<vmem>>, vector<16xf32>,
      }
      %scan3A_132 = arith.constant 128 : i32
      %eq3A_133 = arith.constant 0 : i32
      %eq3A_134 = vector.broadcast %eq3A_133 : i32 to vector<16xi32>
      %eq3A_135 = arith.cmpi eq, %iota3A, %eq3A_134 : vector<16xi32>
      %select_n3A_136 = arith.select %eq3A_135, %min3A_125, %broadcast_in_dim3A_3 : vector<16xi1>, vector<16xi32>
      %broadcast_in_dim3A_137 = arith.constant -3.000000e+38 : f32
      %broadcast_in_dim3A_138 = vector.broadcast %broadcast_in_dim3A_137 : f32 to vector<16xf32>
      %scan3A_139 = arith.constant 0 : i32
      %scan3A_140 = arith.constant 128 : i32
      %scan3A_141 = arith.addi %scan3A_139, %scan3A_140 : i32
      %scan3A_142 = arith.constant 1 : i32
      %scan3A_143 = scf.for %scan3A_1404 = %scan3A_139 to %scan3A_141 step %scan3A_142 iter_args(%scan3A_1405 = %broadcast_in_dim3A_138) -> (vector<16xf32>)  : i32 {
        %mul3A_1406 = arith.constant 16 : i32
        %mul3A_1407 = arith.muli %scan3A_1404, %mul3A_1406 : i32
        %get3A = arith.index_cast %mul3A_1407 : i32 to index
        %get3A_1408 = tpu.vector_load %arg5[%get3A] {strides = array<i32>} : memref<2048xf32, #tpu.memory_space<vmem>>, vector<16xf32>,
        %get3A_1409 = vector.shape_cast %get3A_1408 : vector<16xf32> to vector<16xf32>
        %max3A_1410 = arith.maximumf %scan3A_1405, %get3A_1409 : vector<16xf32>
        scf.yield %max3A_1410 : vector<16xf32>
      }
      %scan3A_144 = arith.constant 128 : i32
      %xor3A_145 = arith.constant 1 : i32
      %xor3A_146 = vector.broadcast %xor3A_145 : i32 to vector<16xi32>
      %xor3A_147 = arith.xori %iota3A, %xor3A_146 : vector<16xi32>
      %lt3A_148 = arith.constant 0 : i32
      %lt3A_149 = vector.broadcast %lt3A_148 : i32 to vector<16xi32>
      %lt3A_150 = arith.cmpi slt, %xor3A_147, %lt3A_149 : vector<16xi32>
      %add3A_151 = arith.constant 16 : i32
      %add3A_152 = vector.broadcast %add3A_151 : i32 to vector<16xi32>
      %add3A_153 = arith.addi %xor3A_147, %add3A_152 : vector<16xi32>
      %select_n3A_154 = arith.select %lt3A_150, %add3A_153, %xor3A_147 : vector<16xi1>, vector<16xi32>
      %broadcast_in_dim3A_155 = vector.shape_cast %select_n3A_154 : vector<16xi32> to vector<16x1xi32>
      %gather3A_156 = vector.shape_cast %broadcast_in_dim3A_155 : vector<16x1xi32> to vector<16xi32>
      %gather3A_157 = tpu.dynamic_gather %scan3A_143[%gather3A_156] in [0] : vector<16xf32>, vector<16xi32> -> vector<16xf32>
      %max3A_158 = arith.maximumf %scan3A_143, %gather3A_157 : vector<16xf32>
      %xor3A_159 = arith.constant 2 : i32
      %xor3A_160 = vector.broadcast %xor3A_159 : i32 to vector<16xi32>
      %xor3A_161 = arith.xori %iota3A, %xor3A_160 : vector<16xi32>
      %lt3A_162 = arith.constant 0 : i32
      %lt3A_163 = vector.broadcast %lt3A_162 : i32 to vector<16xi32>
      %lt3A_164 = arith.cmpi slt, %xor3A_161, %lt3A_163 : vector<16xi32>
      %add3A_165 = arith.constant 16 : i32
      %add3A_166 = vector.broadcast %add3A_165 : i32 to vector<16xi32>
      %add3A_167 = arith.addi %xor3A_161, %add3A_166 : vector<16xi32>
      %select_n3A_168 = arith.select %lt3A_164, %add3A_167, %xor3A_161 : vector<16xi1>, vector<16xi32>
      %broadcast_in_dim3A_169 = vector.shape_cast %select_n3A_168 : vector<16xi32> to vector<16x1xi32>
      %gather3A_170 = vector.shape_cast %broadcast_in_dim3A_169 : vector<16x1xi32> to vector<16xi32>
      %gather3A_171 = tpu.dynamic_gather %max3A_158[%gather3A_170] in [0] : vector<16xf32>, vector<16xi32> -> vector<16xf32>
      %max3A_172 = arith.maximumf %max3A_158, %gather3A_171 : vector<16xf32>
      %xor3A_173 = arith.constant 4 : i32
      %xor3A_174 = vector.broadcast %xor3A_173 : i32 to vector<16xi32>
      %xor3A_175 = arith.xori %iota3A, %xor3A_174 : vector<16xi32>
      %lt3A_176 = arith.constant 0 : i32
      %lt3A_177 = vector.broadcast %lt3A_176 : i32 to vector<16xi32>
      %lt3A_178 = arith.cmpi slt, %xor3A_175, %lt3A_177 : vector<16xi32>
      %add3A_179 = arith.constant 16 : i32
      %add3A_180 = vector.broadcast %add3A_179 : i32 to vector<16xi32>
      %add3A_181 = arith.addi %xor3A_175, %add3A_180 : vector<16xi32>
      %select_n3A_182 = arith.select %lt3A_178, %add3A_181, %xor3A_175 : vector<16xi1>, vector<16xi32>
      %broadcast_in_dim3A_183 = vector.shape_cast %select_n3A_182 : vector<16xi32> to vector<16x1xi32>
      %gather3A_184 = vector.shape_cast %broadcast_in_dim3A_183 : vector<16x1xi32> to vector<16xi32>
      %gather3A_185 = tpu.dynamic_gather %max3A_172[%gather3A_184] in [0] : vector<16xf32>, vector<16xi32> -> vector<16xf32>
      %max3A_186 = arith.maximumf %max3A_172, %gather3A_185 : vector<16xf32>
      %xor3A_187 = arith.constant 8 : i32
      %xor3A_188 = vector.broadcast %xor3A_187 : i32 to vector<16xi32>
      %xor3A_189 = arith.xori %iota3A, %xor3A_188 : vector<16xi32>
      %lt3A_190 = arith.constant 0 : i32
      %lt3A_191 = vector.broadcast %lt3A_190 : i32 to vector<16xi32>
      %lt3A_192 = arith.cmpi slt, %xor3A_189, %lt3A_191 : vector<16xi32>
      %add3A_193 = arith.constant 16 : i32
      %add3A_194 = vector.broadcast %add3A_193 : i32 to vector<16xi32>
      %add3A_195 = arith.addi %xor3A_189, %add3A_194 : vector<16xi32>
      %select_n3A_196 = arith.select %lt3A_192, %add3A_195, %xor3A_189 : vector<16xi1>, vector<16xi32>
      %broadcast_in_dim3A_197 = vector.shape_cast %select_n3A_196 : vector<16xi32> to vector<16x1xi32>
      %gather3A_198 = vector.shape_cast %broadcast_in_dim3A_197 : vector<16x1xi32> to vector<16xi32>
      %gather3A_199 = tpu.dynamic_gather %max3A_186[%gather3A_198] in [0] : vector<16xf32>, vector<16xi32> -> vector<16xf32>
      %max3A_200 = arith.maximumf %max3A_186, %gather3A_199 : vector<16xf32>
      %broadcast_in_dim3A_201 = arith.constant 1073741824 : i32
      %broadcast_in_dim3A_202 = vector.broadcast %broadcast_in_dim3A_201 : i32 to vector<16xi32>
      %scan3A_203 = arith.constant 1073741824 : i32
      %scan3A_204 = arith.constant 0 : i32
      %scan3A_205 = arith.constant 128 : i32
      %scan3A_206 = arith.addi %scan3A_204, %scan3A_205 : i32
      %scan3A_207 = arith.constant 1 : i32
      %scan3A_208 = scf.for %scan3A_1404 = %scan3A_204 to %scan3A_206 step %scan3A_207 iter_args(%scan3A_1405 = %broadcast_in_dim3A_202) -> (vector<16xi32>)  : i32 {
        %mul3A_1406 = arith.constant 16 : i32
        %mul3A_1407 = arith.muli %scan3A_1404, %mul3A_1406 : i32
        %get3A = arith.index_cast %mul3A_1407 : i32 to index
        %get3A_1408 = tpu.vector_load %arg5[%get3A] {strides = array<i32>} : memref<2048xf32, #tpu.memory_space<vmem>>, vector<16xf32>,
        %get3A_1409 = vector.shape_cast %get3A_1408 : vector<16xf32> to vector<16xf32>
        %eq3A_1410 = arith.cmpf oeq, %get3A_1409, %max3A_200 : vector<16xf32>
        %mul3A_1411 = arith.constant 16 : i32
        %mul3A_1412 = arith.muli %scan3A_1404, %mul3A_1411 : i32
        %add3A_1413 = vector.broadcast %mul3A_1412 : i32 to vector<16xi32>
        %add3A_1414 = arith.addi %iota3A, %add3A_1413 : vector<16xi32>
        %broadcast_in_dim3A_1415 = vector.broadcast %scan3A_203 : i32 to vector<16xi32>
        %select_n3A_1416 = arith.select %eq3A_1410, %add3A_1414, %broadcast_in_dim3A_1415 : vector<16xi1>, vector<16xi32>
        %min3A_1417 = arith.minsi %scan3A_1405, %select_n3A_1416 : vector<16xi32>
        scf.yield %min3A_1417 : vector<16xi32>
      }
      %scan3A_209 = arith.constant 128 : i32
      %xor3A_210 = arith.constant 1 : i32
      %xor3A_211 = vector.broadcast %xor3A_210 : i32 to vector<16xi32>
      %xor3A_212 = arith.xori %iota3A, %xor3A_211 : vector<16xi32>
      %lt3A_213 = arith.constant 0 : i32
      %lt3A_214 = vector.broadcast %lt3A_213 : i32 to vector<16xi32>
      %lt3A_215 = arith.cmpi slt, %xor3A_212, %lt3A_214 : vector<16xi32>
      %add3A_216 = arith.constant 16 : i32
      %add3A_217 = vector.broadcast %add3A_216 : i32 to vector<16xi32>
      %add3A_218 = arith.addi %xor3A_212, %add3A_217 : vector<16xi32>
      %select_n3A_219 = arith.select %lt3A_215, %add3A_218, %xor3A_212 : vector<16xi1>, vector<16xi32>
      %broadcast_in_dim3A_220 = vector.shape_cast %select_n3A_219 : vector<16xi32> to vector<16x1xi32>
      %gather3A_221 = vector.shape_cast %broadcast_in_dim3A_220 : vector<16x1xi32> to vector<16xi32>
      %gather3A_222 = tpu.dynamic_gather %scan3A_208[%gather3A_221] in [0] : vector<16xi32>, vector<16xi32> -> vector<16xi32>
      %min3A_223 = arith.minsi %scan3A_208, %gather3A_222 : vector<16xi32>
      %xor3A_224 = arith.constant 2 : i32
      %xor3A_225 = vector.broadcast %xor3A_224 : i32 to vector<16xi32>
      %xor3A_226 = arith.xori %iota3A, %xor3A_225 : vector<16xi32>
      %lt3A_227 = arith.constant 0 : i32
      %lt3A_228 = vector.broadcast %lt3A_227 : i32 to vector<16xi32>
      %lt3A_229 = arith.cmpi slt, %xor3A_226, %lt3A_228 : vector<16xi32>
      %add3A_230 = arith.constant 16 : i32
      %add3A_231 = vector.broadcast %add3A_230 : i32 to vector<16xi32>
      %add3A_232 = arith.addi %xor3A_226, %add3A_231 : vector<16xi32>
      %select_n3A_233 = arith.select %lt3A_229, %add3A_232, %xor3A_226 : vector<16xi1>, vector<16xi32>
      %broadcast_in_dim3A_234 = vector.shape_cast %select_n3A_233 : vector<16xi32> to vector<16x1xi32>
      %gather3A_235 = vector.shape_cast %broadcast_in_dim3A_234 : vector<16x1xi32> to vector<16xi32>
      %gather3A_236 = tpu.dynamic_gather %min3A_223[%gather3A_235] in [0] : vector<16xi32>, vector<16xi32> -> vector<16xi32>
      %min3A_237 = arith.minsi %min3A_223, %gather3A_236 : vector<16xi32>
      %xor3A_238 = arith.constant 4 : i32
      %xor3A_239 = vector.broadcast %xor3A_238 : i32 to vector<16xi32>
      %xor3A_240 = arith.xori %iota3A, %xor3A_239 : vector<16xi32>
      %lt3A_241 = arith.constant 0 : i32
      %lt3A_242 = vector.broadcast %lt3A_241 : i32 to vector<16xi32>
      %lt3A_243 = arith.cmpi slt, %xor3A_240, %lt3A_242 : vector<16xi32>
      %add3A_244 = arith.constant 16 : i32
      %add3A_245 = vector.broadcast %add3A_244 : i32 to vector<16xi32>
      %add3A_246 = arith.addi %xor3A_240, %add3A_245 : vector<16xi32>
      %select_n3A_247 = arith.select %lt3A_243, %add3A_246, %xor3A_240 : vector<16xi1>, vector<16xi32>
      %broadcast_in_dim3A_248 = vector.shape_cast %select_n3A_247 : vector<16xi32> to vector<16x1xi32>
      %gather3A_249 = vector.shape_cast %broadcast_in_dim3A_248 : vector<16x1xi32> to vector<16xi32>
      %gather3A_250 = tpu.dynamic_gather %min3A_237[%gather3A_249] in [0] : vector<16xi32>, vector<16xi32> -> vector<16xi32>
      %min3A_251 = arith.minsi %min3A_237, %gather3A_250 : vector<16xi32>
      %xor3A_252 = arith.constant 8 : i32
      %xor3A_253 = vector.broadcast %xor3A_252 : i32 to vector<16xi32>
      %xor3A_254 = arith.xori %iota3A, %xor3A_253 : vector<16xi32>
      %lt3A_255 = arith.constant 0 : i32
      %lt3A_256 = vector.broadcast %lt3A_255 : i32 to vector<16xi32>
      %lt3A_257 = arith.cmpi slt, %xor3A_254, %lt3A_256 : vector<16xi32>
      %add3A_258 = arith.constant 16 : i32
      %add3A_259 = vector.broadcast %add3A_258 : i32 to vector<16xi32>
      %add3A_260 = arith.addi %xor3A_254, %add3A_259 : vector<16xi32>
      %select_n3A_261 = arith.select %lt3A_257, %add3A_260, %xor3A_254 : vector<16xi1>, vector<16xi32>
      %broadcast_in_dim3A_262 = vector.shape_cast %select_n3A_261 : vector<16xi32> to vector<16x1xi32>
      %gather3A_263 = vector.shape_cast %broadcast_in_dim3A_262 : vector<16x1xi32> to vector<16xi32>
      %gather3A_264 = tpu.dynamic_gather %min3A_251[%gather3A_263] in [0] : vector<16xi32>, vector<16xi32> -> vector<16xi32>
      %min3A_265 = arith.minsi %min3A_251, %gather3A_264 : vector<16xi32>
      %scan3A_266 = arith.constant 0 : i32
      %scan3A_267 = arith.constant -3.000000e+38 : f32
      %scan3A_268 = arith.constant 0 : i32
      %scan3A_269 = arith.constant 128 : i32
      %scan3A_270 = arith.addi %scan3A_268, %scan3A_269 : i32
      %scan3A_271 = arith.constant 1 : i32
      scf.for %scan3A_1404 = %scan3A_268 to %scan3A_270 step %scan3A_271  : i32 {
        %mul3A_1405 = arith.constant 16 : i32
        %mul3A_1406 = arith.muli %scan3A_1404, %mul3A_1405 : i32
        %get3A = arith.index_cast %mul3A_1406 : i32 to index
        %get3A_1407 = tpu.vector_load %arg5[%get3A] {strides = array<i32>} : memref<2048xf32, #tpu.memory_space<vmem>>, vector<16xf32>,
        %get3A_1408 = vector.shape_cast %get3A_1407 : vector<16xf32> to vector<16xf32>
        %mul3A_1409 = arith.constant 16 : i32
        %mul3A_1410 = arith.muli %scan3A_1404, %mul3A_1409 : i32
        %add3A_1411 = vector.broadcast %mul3A_1410 : i32 to vector<16xi32>
        %add3A_1412 = arith.addi %iota3A, %add3A_1411 : vector<16xi32>
        %eq3A_1413 = arith.cmpi eq, %add3A_1412, %min3A_265 : vector<16xi32>
        %broadcast_in_dim3A_1414 = vector.broadcast %scan3A_267 : f32 to vector<16xf32>
        %select_n3A_1415 = arith.select %eq3A_1413, %broadcast_in_dim3A_1414, %get3A_1408 : vector<16xi1>, vector<16xf32>
        %mul3A_1416 = arith.constant 16 : i32
        %mul3A_1417 = arith.muli %scan3A_1404, %mul3A_1416 : i32
        %swap3A_1418 = arith.index_cast %mul3A_1417 : i32 to index
        %swap3A_1419 = tpu.vector_load %arg5[%swap3A_1418] {strides = array<i32>} : memref<2048xf32, #tpu.memory_space<vmem>>, vector<16xf32>,
        %swap3A_1420 = vector.shape_cast %swap3A_1419 : vector<16xf32> to vector<16xf32>
        %swap3A_1421 = vector.shape_cast %select_n3A_1415 : vector<16xf32> to vector<16xf32>
        tpu.vector_store %arg5[%swap3A_1418], %swap3A_1421 {strides = array<i32>} : memref<2048xf32, #tpu.memory_space<vmem>>, vector<16xf32>,
      }
      %scan3A_272 = arith.constant 128 : i32
      %eq3A_273 = arith.constant 1 : i32
      %eq3A_274 = vector.broadcast %eq3A_273 : i32 to vector<16xi32>
      %eq3A_275 = arith.cmpi eq, %iota3A, %eq3A_274 : vector<16xi32>
      %select_n3A_276 = arith.select %eq3A_275, %min3A_265, %select_n3A_136 : vector<16xi1>, vector<16xi32>
      %broadcast_in_dim3A_277 = arith.constant -3.000000e+38 : f32
      %broadcast_in_dim3A_278 = vector.broadcast %broadcast_in_dim3A_277 : f32 to vector<16xf32>
      %scan3A_279 = arith.constant 0 : i32
      %scan3A_280 = arith.constant 128 : i32
      %scan3A_281 = arith.addi %scan3A_279, %scan3A_280 : i32
      %scan3A_282 = arith.constant 1 : i32
      %scan3A_283 = scf.for %scan3A_1404 = %scan3A_279 to %scan3A_281 step %scan3A_282 iter_args(%scan3A_1405 = %broadcast_in_dim3A_278) -> (vector<16xf32>)  : i32 {
        %mul3A_1406 = arith.constant 16 : i32
        %mul3A_1407 = arith.muli %scan3A_1404, %mul3A_1406 : i32
        %get3A = arith.index_cast %mul3A_1407 : i32 to index
        %get3A_1408 = tpu.vector_load %arg5[%get3A] {strides = array<i32>} : memref<2048xf32, #tpu.memory_space<vmem>>, vector<16xf32>,
        %get3A_1409 = vector.shape_cast %get3A_1408 : vector<16xf32> to vector<16xf32>
        %max3A_1410 = arith.maximumf %scan3A_1405, %get3A_1409 : vector<16xf32>
        scf.yield %max3A_1410 : vector<16xf32>
      }
      %scan3A_284 = arith.constant 128 : i32
      %xor3A_285 = arith.constant 1 : i32
      %xor3A_286 = vector.broadcast %xor3A_285 : i32 to vector<16xi32>
      %xor3A_287 = arith.xori %iota3A, %xor3A_286 : vector<16xi32>
      %lt3A_288 = arith.constant 0 : i32
      %lt3A_289 = vector.broadcast %lt3A_288 : i32 to vector<16xi32>
      %lt3A_290 = arith.cmpi slt, %xor3A_287, %lt3A_289 : vector<16xi32>
      %add3A_291 = arith.constant 16 : i32
      %add3A_292 = vector.broadcast %add3A_291 : i32 to vector<16xi32>
      %add3A_293 = arith.addi %xor3A_287, %add3A_292 : vector<16xi32>
      %select_n3A_294 = arith.select %lt3A_290, %add3A_293, %xor3A_287 : vector<16xi1>, vector<16xi32>
      %broadcast_in_dim3A_295 = vector.shape_cast %select_n3A_294 : vector<16xi32> to vector<16x1xi32>
      %gather3A_296 = vector.shape_cast %broadcast_in_dim3A_295 : vector<16x1xi32> to vector<16xi32>
      %gather3A_297 = tpu.dynamic_gather %scan3A_283[%gather3A_296] in [0] : vector<16xf32>, vector<16xi32> -> vector<16xf32>
      %max3A_298 = arith.maximumf %scan3A_283, %gather3A_297 : vector<16xf32>
      %xor3A_299 = arith.constant 2 : i32
      %xor3A_300 = vector.broadcast %xor3A_299 : i32 to vector<16xi32>
      %xor3A_301 = arith.xori %iota3A, %xor3A_300 : vector<16xi32>
      %lt3A_302 = arith.constant 0 : i32
      %lt3A_303 = vector.broadcast %lt3A_302 : i32 to vector<16xi32>
      %lt3A_304 = arith.cmpi slt, %xor3A_301, %lt3A_303 : vector<16xi32>
      %add3A_305 = arith.constant 16 : i32
      %add3A_306 = vector.broadcast %add3A_305 : i32 to vector<16xi32>
      %add3A_307 = arith.addi %xor3A_301, %add3A_306 : vector<16xi32>
      %select_n3A_308 = arith.select %lt3A_304, %add3A_307, %xor3A_301 : vector<16xi1>, vector<16xi32>
      %broadcast_in_dim3A_309 = vector.shape_cast %select_n3A_308 : vector<16xi32> to vector<16x1xi32>
      %gather3A_310 = vector.shape_cast %broadcast_in_dim3A_309 : vector<16x1xi32> to vector<16xi32>
      %gather3A_311 = tpu.dynamic_gather %max3A_298[%gather3A_310] in [0] : vector<16xf32>, vector<16xi32> -> vector<16xf32>
      %max3A_312 = arith.maximumf %max3A_298, %gather3A_311 : vector<16xf32>
      %xor3A_313 = arith.constant 4 : i32
      %xor3A_314 = vector.broadcast %xor3A_313 : i32 to vector<16xi32>
      %xor3A_315 = arith.xori %iota3A, %xor3A_314 : vector<16xi32>
      %lt3A_316 = arith.constant 0 : i32
      %lt3A_317 = vector.broadcast %lt3A_316 : i32 to vector<16xi32>
      %lt3A_318 = arith.cmpi slt, %xor3A_315, %lt3A_317 : vector<16xi32>
      %add3A_319 = arith.constant 16 : i32
      %add3A_320 = vector.broadcast %add3A_319 : i32 to vector<16xi32>
      %add3A_321 = arith.addi %xor3A_315, %add3A_320 : vector<16xi32>
      %select_n3A_322 = arith.select %lt3A_318, %add3A_321, %xor3A_315 : vector<16xi1>, vector<16xi32>
      %broadcast_in_dim3A_323 = vector.shape_cast %select_n3A_322 : vector<16xi32> to vector<16x1xi32>
      %gather3A_324 = vector.shape_cast %broadcast_in_dim3A_323 : vector<16x1xi32> to vector<16xi32>
      %gather3A_325 = tpu.dynamic_gather %max3A_312[%gather3A_324] in [0] : vector<16xf32>, vector<16xi32> -> vector<16xf32>
      %max3A_326 = arith.maximumf %max3A_312, %gather3A_325 : vector<16xf32>
      %xor3A_327 = arith.constant 8 : i32
      %xor3A_328 = vector.broadcast %xor3A_327 : i32 to vector<16xi32>
      %xor3A_329 = arith.xori %iota3A, %xor3A_328 : vector<16xi32>
      %lt3A_330 = arith.constant 0 : i32
      %lt3A_331 = vector.broadcast %lt3A_330 : i32 to vector<16xi32>
      %lt3A_332 = arith.cmpi slt, %xor3A_329, %lt3A_331 : vector<16xi32>
      %add3A_333 = arith.constant 16 : i32
      %add3A_334 = vector.broadcast %add3A_333 : i32 to vector<16xi32>
      %add3A_335 = arith.addi %xor3A_329, %add3A_334 : vector<16xi32>
      %select_n3A_336 = arith.select %lt3A_332, %add3A_335, %xor3A_329 : vector<16xi1>, vector<16xi32>
      %broadcast_in_dim3A_337 = vector.shape_cast %select_n3A_336 : vector<16xi32> to vector<16x1xi32>
      %gather3A_338 = vector.shape_cast %broadcast_in_dim3A_337 : vector<16x1xi32> to vector<16xi32>
      %gather3A_339 = tpu.dynamic_gather %max3A_326[%gather3A_338] in [0] : vector<16xf32>, vector<16xi32> -> vector<16xf32>
      %max3A_340 = arith.maximumf %max3A_326, %gather3A_339 : vector<16xf32>
      %broadcast_in_dim3A_341 = arith.constant 1073741824 : i32
      %broadcast_in_dim3A_342 = vector.broadcast %broadcast_in_dim3A_341 : i32 to vector<16xi32>
      %scan3A_343 = arith.constant 1073741824 : i32
      %scan3A_344 = arith.constant 0 : i32
      %scan3A_345 = arith.constant 128 : i32
      %scan3A_346 = arith.addi %scan3A_344, %scan3A_345 : i32
      %scan3A_347 = arith.constant 1 : i32
      %scan3A_348 = scf.for %scan3A_1404 = %scan3A_344 to %scan3A_346 step %scan3A_347 iter_args(%scan3A_1405 = %broadcast_in_dim3A_342) -> (vector<16xi32>)  : i32 {
        %mul3A_1406 = arith.constant 16 : i32
        %mul3A_1407 = arith.muli %scan3A_1404, %mul3A_1406 : i32
        %get3A = arith.index_cast %mul3A_1407 : i32 to index
        %get3A_1408 = tpu.vector_load %arg5[%get3A] {strides = array<i32>} : memref<2048xf32, #tpu.memory_space<vmem>>, vector<16xf32>,
        %get3A_1409 = vector.shape_cast %get3A_1408 : vector<16xf32> to vector<16xf32>
        %eq3A_1410 = arith.cmpf oeq, %get3A_1409, %max3A_340 : vector<16xf32>
        %mul3A_1411 = arith.constant 16 : i32
        %mul3A_1412 = arith.muli %scan3A_1404, %mul3A_1411 : i32
        %add3A_1413 = vector.broadcast %mul3A_1412 : i32 to vector<16xi32>
        %add3A_1414 = arith.addi %iota3A, %add3A_1413 : vector<16xi32>
        %broadcast_in_dim3A_1415 = vector.broadcast %scan3A_343 : i32 to vector<16xi32>
        %select_n3A_1416 = arith.select %eq3A_1410, %add3A_1414, %broadcast_in_dim3A_1415 : vector<16xi1>, vector<16xi32>
        %min3A_1417 = arith.minsi %scan3A_1405, %select_n3A_1416 : vector<16xi32>
        scf.yield %min3A_1417 : vector<16xi32>
      }
      %scan3A_349 = arith.constant 128 : i32
      %xor3A_350 = arith.constant 1 : i32
      %xor3A_351 = vector.broadcast %xor3A_350 : i32 to vector<16xi32>
      %xor3A_352 = arith.xori %iota3A, %xor3A_351 : vector<16xi32>
      %lt3A_353 = arith.constant 0 : i32
      %lt3A_354 = vector.broadcast %lt3A_353 : i32 to vector<16xi32>
      %lt3A_355 = arith.cmpi slt, %xor3A_352, %lt3A_354 : vector<16xi32>
      %add3A_356 = arith.constant 16 : i32
      %add3A_357 = vector.broadcast %add3A_356 : i32 to vector<16xi32>
      %add3A_358 = arith.addi %xor3A_352, %add3A_357 : vector<16xi32>
      %select_n3A_359 = arith.select %lt3A_355, %add3A_358, %xor3A_352 : vector<16xi1>, vector<16xi32>
      %broadcast_in_dim3A_360 = vector.shape_cast %select_n3A_359 : vector<16xi32> to vector<16x1xi32>
      %gather3A_361 = vector.shape_cast %broadcast_in_dim3A_360 : vector<16x1xi32> to vector<16xi32>
      %gather3A_362 = tpu.dynamic_gather %scan3A_348[%gather3A_361] in [0] : vector<16xi32>, vector<16xi32> -> vector<16xi32>
      %min3A_363 = arith.minsi %scan3A_348, %gather3A_362 : vector<16xi32>
      %xor3A_364 = arith.constant 2 : i32
      %xor3A_365 = vector.broadcast %xor3A_364 : i32 to vector<16xi32>
      %xor3A_366 = arith.xori %iota3A, %xor3A_365 : vector<16xi32>
      %lt3A_367 = arith.constant 0 : i32
      %lt3A_368 = vector.broadcast %lt3A_367 : i32 to vector<16xi32>
      %lt3A_369 = arith.cmpi slt, %xor3A_366, %lt3A_368 : vector<16xi32>
      %add3A_370 = arith.constant 16 : i32
      %add3A_371 = vector.broadcast %add3A_370 : i32 to vector<16xi32>
      %add3A_372 = arith.addi %xor3A_366, %add3A_371 : vector<16xi32>
      %select_n3A_373 = arith.select %lt3A_369, %add3A_372, %xor3A_366 : vector<16xi1>, vector<16xi32>
      %broadcast_in_dim3A_374 = vector.shape_cast %select_n3A_373 : vector<16xi32> to vector<16x1xi32>
      %gather3A_375 = vector.shape_cast %broadcast_in_dim3A_374 : vector<16x1xi32> to vector<16xi32>
      %gather3A_376 = tpu.dynamic_gather %min3A_363[%gather3A_375] in [0] : vector<16xi32>, vector<16xi32> -> vector<16xi32>
      %min3A_377 = arith.minsi %min3A_363, %gather3A_376 : vector<16xi32>
      %xor3A_378 = arith.constant 4 : i32
      %xor3A_379 = vector.broadcast %xor3A_378 : i32 to vector<16xi32>
      %xor3A_380 = arith.xori %iota3A, %xor3A_379 : vector<16xi32>
      %lt3A_381 = arith.constant 0 : i32
      %lt3A_382 = vector.broadcast %lt3A_381 : i32 to vector<16xi32>
      %lt3A_383 = arith.cmpi slt, %xor3A_380, %lt3A_382 : vector<16xi32>
      %add3A_384 = arith.constant 16 : i32
      %add3A_385 = vector.broadcast %add3A_384 : i32 to vector<16xi32>
      %add3A_386 = arith.addi %xor3A_380, %add3A_385 : vector<16xi32>
      %select_n3A_387 = arith.select %lt3A_383, %add3A_386, %xor3A_380 : vector<16xi1>, vector<16xi32>
      %broadcast_in_dim3A_388 = vector.shape_cast %select_n3A_387 : vector<16xi32> to vector<16x1xi32>
      %gather3A_389 = vector.shape_cast %broadcast_in_dim3A_388 : vector<16x1xi32> to vector<16xi32>
      %gather3A_390 = tpu.dynamic_gather %min3A_377[%gather3A_389] in [0] : vector<16xi32>, vector<16xi32> -> vector<16xi32>
      %min3A_391 = arith.minsi %min3A_377, %gather3A_390 : vector<16xi32>
      %xor3A_392 = arith.constant 8 : i32
      %xor3A_393 = vector.broadcast %xor3A_392 : i32 to vector<16xi32>
      %xor3A_394 = arith.xori %iota3A, %xor3A_393 : vector<16xi32>
      %lt3A_395 = arith.constant 0 : i32
      %lt3A_396 = vector.broadcast %lt3A_395 : i32 to vector<16xi32>
      %lt3A_397 = arith.cmpi slt, %xor3A_394, %lt3A_396 : vector<16xi32>
      %add3A_398 = arith.constant 16 : i32
      %add3A_399 = vector.broadcast %add3A_398 : i32 to vector<16xi32>
      %add3A_400 = arith.addi %xor3A_394, %add3A_399 : vector<16xi32>
      %select_n3A_401 = arith.select %lt3A_397, %add3A_400, %xor3A_394 : vector<16xi1>, vector<16xi32>
      %broadcast_in_dim3A_402 = vector.shape_cast %select_n3A_401 : vector<16xi32> to vector<16x1xi32>
      %gather3A_403 = vector.shape_cast %broadcast_in_dim3A_402 : vector<16x1xi32> to vector<16xi32>
      %gather3A_404 = tpu.dynamic_gather %min3A_391[%gather3A_403] in [0] : vector<16xi32>, vector<16xi32> -> vector<16xi32>
      %min3A_405 = arith.minsi %min3A_391, %gather3A_404 : vector<16xi32>
      %scan3A_406 = arith.constant 0 : i32
      %scan3A_407 = arith.constant -3.000000e+38 : f32
      %scan3A_408 = arith.constant 0 : i32
      %scan3A_409 = arith.constant 128 : i32
      %scan3A_410 = arith.addi %scan3A_408, %scan3A_409 : i32
      %scan3A_411 = arith.constant 1 : i32
      scf.for %scan3A_1404 = %scan3A_408 to %scan3A_410 step %scan3A_411  : i32 {
        %mul3A_1405 = arith.constant 16 : i32
        %mul3A_1406 = arith.muli %scan3A_1404, %mul3A_1405 : i32
        %get3A = arith.index_cast %mul3A_1406 : i32 to index
        %get3A_1407 = tpu.vector_load %arg5[%get3A] {strides = array<i32>} : memref<2048xf32, #tpu.memory_space<vmem>>, vector<16xf32>,
        %get3A_1408 = vector.shape_cast %get3A_1407 : vector<16xf32> to vector<16xf32>
        %mul3A_1409 = arith.constant 16 : i32
        %mul3A_1410 = arith.muli %scan3A_1404, %mul3A_1409 : i32
        %add3A_1411 = vector.broadcast %mul3A_1410 : i32 to vector<16xi32>
        %add3A_1412 = arith.addi %iota3A, %add3A_1411 : vector<16xi32>
        %eq3A_1413 = arith.cmpi eq, %add3A_1412, %min3A_405 : vector<16xi32>
        %broadcast_in_dim3A_1414 = vector.broadcast %scan3A_407 : f32 to vector<16xf32>
        %select_n3A_1415 = arith.select %eq3A_1413, %broadcast_in_dim3A_1414, %get3A_1408 : vector<16xi1>, vector<16xf32>
        %mul3A_1416 = arith.constant 16 : i32
        %mul3A_1417 = arith.muli %scan3A_1404, %mul3A_1416 : i32
        %swap3A_1418 = arith.index_cast %mul3A_1417 : i32 to index
        %swap3A_1419 = tpu.vector_load %arg5[%swap3A_1418] {strides = array<i32>} : memref<2048xf32, #tpu.memory_space<vmem>>, vector<16xf32>,
        %swap3A_1420 = vector.shape_cast %swap3A_1419 : vector<16xf32> to vector<16xf32>
        %swap3A_1421 = vector.shape_cast %select_n3A_1415 : vector<16xf32> to vector<16xf32>
        tpu.vector_store %arg5[%swap3A_1418], %swap3A_1421 {strides = array<i32>} : memref<2048xf32, #tpu.memory_space<vmem>>, vector<16xf32>,
      }
      %scan3A_412 = arith.constant 128 : i32
      %eq3A_413 = arith.constant 2 : i32
      %eq3A_414 = vector.broadcast %eq3A_413 : i32 to vector<16xi32>
      %eq3A_415 = arith.cmpi eq, %iota3A, %eq3A_414 : vector<16xi32>
      %select_n3A_416 = arith.select %eq3A_415, %min3A_405, %select_n3A_276 : vector<16xi1>, vector<16xi32>
      %broadcast_in_dim3A_417 = arith.constant -3.000000e+38 : f32
      %broadcast_in_dim3A_418 = vector.broadcast %broadcast_in_dim3A_417 : f32 to vector<16xf32>
      %scan3A_419 = arith.constant 0 : i32
      %scan3A_420 = arith.constant 128 : i32
      %scan3A_421 = arith.addi %scan3A_419, %scan3A_420 : i32
      %scan3A_422 = arith.constant 1 : i32
      %scan3A_423 = scf.for %scan3A_1404 = %scan3A_419 to %scan3A_421 step %scan3A_422 iter_args(%scan3A_1405 = %broadcast_in_dim3A_418) -> (vector<16xf32>)  : i32 {
        %mul3A_1406 = arith.constant 16 : i32
        %mul3A_1407 = arith.muli %scan3A_1404, %mul3A_1406 : i32
        %get3A = arith.index_cast %mul3A_1407 : i32 to index
        %get3A_1408 = tpu.vector_load %arg5[%get3A] {strides = array<i32>} : memref<2048xf32, #tpu.memory_space<vmem>>, vector<16xf32>,
        %get3A_1409 = vector.shape_cast %get3A_1408 : vector<16xf32> to vector<16xf32>
        %max3A_1410 = arith.maximumf %scan3A_1405, %get3A_1409 : vector<16xf32>
        scf.yield %max3A_1410 : vector<16xf32>
      }
      %scan3A_424 = arith.constant 128 : i32
      %xor3A_425 = arith.constant 1 : i32
      %xor3A_426 = vector.broadcast %xor3A_425 : i32 to vector<16xi32>
      %xor3A_427 = arith.xori %iota3A, %xor3A_426 : vector<16xi32>
      %lt3A_428 = arith.constant 0 : i32
      %lt3A_429 = vector.broadcast %lt3A_428 : i32 to vector<16xi32>
      %lt3A_430 = arith.cmpi slt, %xor3A_427, %lt3A_429 : vector<16xi32>
      %add3A_431 = arith.constant 16 : i32
      %add3A_432 = vector.broadcast %add3A_431 : i32 to vector<16xi32>
      %add3A_433 = arith.addi %xor3A_427, %add3A_432 : vector<16xi32>
      %select_n3A_434 = arith.select %lt3A_430, %add3A_433, %xor3A_427 : vector<16xi1>, vector<16xi32>
      %broadcast_in_dim3A_435 = vector.shape_cast %select_n3A_434 : vector<16xi32> to vector<16x1xi32>
      %gather3A_436 = vector.shape_cast %broadcast_in_dim3A_435 : vector<16x1xi32> to vector<16xi32>
      %gather3A_437 = tpu.dynamic_gather %scan3A_423[%gather3A_436] in [0] : vector<16xf32>, vector<16xi32> -> vector<16xf32>
      %max3A_438 = arith.maximumf %scan3A_423, %gather3A_437 : vector<16xf32>
      %xor3A_439 = arith.constant 2 : i32
      %xor3A_440 = vector.broadcast %xor3A_439 : i32 to vector<16xi32>
      %xor3A_441 = arith.xori %iota3A, %xor3A_440 : vector<16xi32>
      %lt3A_442 = arith.constant 0 : i32
      %lt3A_443 = vector.broadcast %lt3A_442 : i32 to vector<16xi32>
      %lt3A_444 = arith.cmpi slt, %xor3A_441, %lt3A_443 : vector<16xi32>
      %add3A_445 = arith.constant 16 : i32
      %add3A_446 = vector.broadcast %add3A_445 : i32 to vector<16xi32>
      %add3A_447 = arith.addi %xor3A_441, %add3A_446 : vector<16xi32>
      %select_n3A_448 = arith.select %lt3A_444, %add3A_447, %xor3A_441 : vector<16xi1>, vector<16xi32>
      %broadcast_in_dim3A_449 = vector.shape_cast %select_n3A_448 : vector<16xi32> to vector<16x1xi32>
      %gather3A_450 = vector.shape_cast %broadcast_in_dim3A_449 : vector<16x1xi32> to vector<16xi32>
      %gather3A_451 = tpu.dynamic_gather %max3A_438[%gather3A_450] in [0] : vector<16xf32>, vector<16xi32> -> vector<16xf32>
      %max3A_452 = arith.maximumf %max3A_438, %gather3A_451 : vector<16xf32>
      %xor3A_453 = arith.constant 4 : i32
      %xor3A_454 = vector.broadcast %xor3A_453 : i32 to vector<16xi32>
      %xor3A_455 = arith.xori %iota3A, %xor3A_454 : vector<16xi32>
      %lt3A_456 = arith.constant 0 : i32
      %lt3A_457 = vector.broadcast %lt3A_456 : i32 to vector<16xi32>
      %lt3A_458 = arith.cmpi slt, %xor3A_455, %lt3A_457 : vector<16xi32>
      %add3A_459 = arith.constant 16 : i32
      %add3A_460 = vector.broadcast %add3A_459 : i32 to vector<16xi32>
      %add3A_461 = arith.addi %xor3A_455, %add3A_460 : vector<16xi32>
      %select_n3A_462 = arith.select %lt3A_458, %add3A_461, %xor3A_455 : vector<16xi1>, vector<16xi32>
      %broadcast_in_dim3A_463 = vector.shape_cast %select_n3A_462 : vector<16xi32> to vector<16x1xi32>
      %gather3A_464 = vector.shape_cast %broadcast_in_dim3A_463 : vector<16x1xi32> to vector<16xi32>
      %gather3A_465 = tpu.dynamic_gather %max3A_452[%gather3A_464] in [0] : vector<16xf32>, vector<16xi32> -> vector<16xf32>
      %max3A_466 = arith.maximumf %max3A_452, %gather3A_465 : vector<16xf32>
      %xor3A_467 = arith.constant 8 : i32
      %xor3A_468 = vector.broadcast %xor3A_467 : i32 to vector<16xi32>
      %xor3A_469 = arith.xori %iota3A, %xor3A_468 : vector<16xi32>
      %lt3A_470 = arith.constant 0 : i32
      %lt3A_471 = vector.broadcast %lt3A_470 : i32 to vector<16xi32>
      %lt3A_472 = arith.cmpi slt, %xor3A_469, %lt3A_471 : vector<16xi32>
      %add3A_473 = arith.constant 16 : i32
      %add3A_474 = vector.broadcast %add3A_473 : i32 to vector<16xi32>
      %add3A_475 = arith.addi %xor3A_469, %add3A_474 : vector<16xi32>
      %select_n3A_476 = arith.select %lt3A_472, %add3A_475, %xor3A_469 : vector<16xi1>, vector<16xi32>
      %broadcast_in_dim3A_477 = vector.shape_cast %select_n3A_476 : vector<16xi32> to vector<16x1xi32>
      %gather3A_478 = vector.shape_cast %broadcast_in_dim3A_477 : vector<16x1xi32> to vector<16xi32>
      %gather3A_479 = tpu.dynamic_gather %max3A_466[%gather3A_478] in [0] : vector<16xf32>, vector<16xi32> -> vector<16xf32>
      %max3A_480 = arith.maximumf %max3A_466, %gather3A_479 : vector<16xf32>
      %broadcast_in_dim3A_481 = arith.constant 1073741824 : i32
      %broadcast_in_dim3A_482 = vector.broadcast %broadcast_in_dim3A_481 : i32 to vector<16xi32>
      %scan3A_483 = arith.constant 1073741824 : i32
      %scan3A_484 = arith.constant 0 : i32
      %scan3A_485 = arith.constant 128 : i32
      %scan3A_486 = arith.addi %scan3A_484, %scan3A_485 : i32
      %scan3A_487 = arith.constant 1 : i32
      %scan3A_488 = scf.for %scan3A_1404 = %scan3A_484 to %scan3A_486 step %scan3A_487 iter_args(%scan3A_1405 = %broadcast_in_dim3A_482) -> (vector<16xi32>)  : i32 {
        %mul3A_1406 = arith.constant 16 : i32
        %mul3A_1407 = arith.muli %scan3A_1404, %mul3A_1406 : i32
        %get3A = arith.index_cast %mul3A_1407 : i32 to index
        %get3A_1408 = tpu.vector_load %arg5[%get3A] {strides = array<i32>} : memref<2048xf32, #tpu.memory_space<vmem>>, vector<16xf32>,
        %get3A_1409 = vector.shape_cast %get3A_1408 : vector<16xf32> to vector<16xf32>
        %eq3A_1410 = arith.cmpf oeq, %get3A_1409, %max3A_480 : vector<16xf32>
        %mul3A_1411 = arith.constant 16 : i32
        %mul3A_1412 = arith.muli %scan3A_1404, %mul3A_1411 : i32
        %add3A_1413 = vector.broadcast %mul3A_1412 : i32 to vector<16xi32>
        %add3A_1414 = arith.addi %iota3A, %add3A_1413 : vector<16xi32>
        %broadcast_in_dim3A_1415 = vector.broadcast %scan3A_483 : i32 to vector<16xi32>
        %select_n3A_1416 = arith.select %eq3A_1410, %add3A_1414, %broadcast_in_dim3A_1415 : vector<16xi1>, vector<16xi32>
        %min3A_1417 = arith.minsi %scan3A_1405, %select_n3A_1416 : vector<16xi32>
        scf.yield %min3A_1417 : vector<16xi32>
      }
      %scan3A_489 = arith.constant 128 : i32
      %xor3A_490 = arith.constant 1 : i32
      %xor3A_491 = vector.broadcast %xor3A_490 : i32 to vector<16xi32>
      %xor3A_492 = arith.xori %iota3A, %xor3A_491 : vector<16xi32>
      %lt3A_493 = arith.constant 0 : i32
      %lt3A_494 = vector.broadcast %lt3A_493 : i32 to vector<16xi32>
      %lt3A_495 = arith.cmpi slt, %xor3A_492, %lt3A_494 : vector<16xi32>
      %add3A_496 = arith.constant 16 : i32
      %add3A_497 = vector.broadcast %add3A_496 : i32 to vector<16xi32>
      %add3A_498 = arith.addi %xor3A_492, %add3A_497 : vector<16xi32>
      %select_n3A_499 = arith.select %lt3A_495, %add3A_498, %xor3A_492 : vector<16xi1>, vector<16xi32>
      %broadcast_in_dim3A_500 = vector.shape_cast %select_n3A_499 : vector<16xi32> to vector<16x1xi32>
      %gather3A_501 = vector.shape_cast %broadcast_in_dim3A_500 : vector<16x1xi32> to vector<16xi32>
      %gather3A_502 = tpu.dynamic_gather %scan3A_488[%gather3A_501] in [0] : vector<16xi32>, vector<16xi32> -> vector<16xi32>
      %min3A_503 = arith.minsi %scan3A_488, %gather3A_502 : vector<16xi32>
      %xor3A_504 = arith.constant 2 : i32
      %xor3A_505 = vector.broadcast %xor3A_504 : i32 to vector<16xi32>
      %xor3A_506 = arith.xori %iota3A, %xor3A_505 : vector<16xi32>
      %lt3A_507 = arith.constant 0 : i32
      %lt3A_508 = vector.broadcast %lt3A_507 : i32 to vector<16xi32>
      %lt3A_509 = arith.cmpi slt, %xor3A_506, %lt3A_508 : vector<16xi32>
      %add3A_510 = arith.constant 16 : i32
      %add3A_511 = vector.broadcast %add3A_510 : i32 to vector<16xi32>
      %add3A_512 = arith.addi %xor3A_506, %add3A_511 : vector<16xi32>
      %select_n3A_513 = arith.select %lt3A_509, %add3A_512, %xor3A_506 : vector<16xi1>, vector<16xi32>
      %broadcast_in_dim3A_514 = vector.shape_cast %select_n3A_513 : vector<16xi32> to vector<16x1xi32>
      %gather3A_515 = vector.shape_cast %broadcast_in_dim3A_514 : vector<16x1xi32> to vector<16xi32>
      %gather3A_516 = tpu.dynamic_gather %min3A_503[%gather3A_515] in [0] : vector<16xi32>, vector<16xi32> -> vector<16xi32>
      %min3A_517 = arith.minsi %min3A_503, %gather3A_516 : vector<16xi32>
      %xor3A_518 = arith.constant 4 : i32
      %xor3A_519 = vector.broadcast %xor3A_518 : i32 to vector<16xi32>
      %xor3A_520 = arith.xori %iota3A, %xor3A_519 : vector<16xi32>
      %lt3A_521 = arith.constant 0 : i32
      %lt3A_522 = vector.broadcast %lt3A_521 : i32 to vector<16xi32>
      %lt3A_523 = arith.cmpi slt, %xor3A_520, %lt3A_522 : vector<16xi32>
      %add3A_524 = arith.constant 16 : i32
      %add3A_525 = vector.broadcast %add3A_524 : i32 to vector<16xi32>
      %add3A_526 = arith.addi %xor3A_520, %add3A_525 : vector<16xi32>
      %select_n3A_527 = arith.select %lt3A_523, %add3A_526, %xor3A_520 : vector<16xi1>, vector<16xi32>
      %broadcast_in_dim3A_528 = vector.shape_cast %select_n3A_527 : vector<16xi32> to vector<16x1xi32>
      %gather3A_529 = vector.shape_cast %broadcast_in_dim3A_528 : vector<16x1xi32> to vector<16xi32>
      %gather3A_530 = tpu.dynamic_gather %min3A_517[%gather3A_529] in [0] : vector<16xi32>, vector<16xi32> -> vector<16xi32>
      %min3A_531 = arith.minsi %min3A_517, %gather3A_530 : vector<16xi32>
      %xor3A_532 = arith.constant 8 : i32
      %xor3A_533 = vector.broadcast %xor3A_532 : i32 to vector<16xi32>
      %xor3A_534 = arith.xori %iota3A, %xor3A_533 : vector<16xi32>
      %lt3A_535 = arith.constant 0 : i32
      %lt3A_536 = vector.broadcast %lt3A_535 : i32 to vector<16xi32>
      %lt3A_537 = arith.cmpi slt, %xor3A_534, %lt3A_536 : vector<16xi32>
      %add3A_538 = arith.constant 16 : i32
      %add3A_539 = vector.broadcast %add3A_538 : i32 to vector<16xi32>
      %add3A_540 = arith.addi %xor3A_534, %add3A_539 : vector<16xi32>
      %select_n3A_541 = arith.select %lt3A_537, %add3A_540, %xor3A_534 : vector<16xi1>, vector<16xi32>
      %broadcast_in_dim3A_542 = vector.shape_cast %select_n3A_541 : vector<16xi32> to vector<16x1xi32>
      %gather3A_543 = vector.shape_cast %broadcast_in_dim3A_542 : vector<16x1xi32> to vector<16xi32>
      %gather3A_544 = tpu.dynamic_gather %min3A_531[%gather3A_543] in [0] : vector<16xi32>, vector<16xi32> -> vector<16xi32>
      %min3A_545 = arith.minsi %min3A_531, %gather3A_544 : vector<16xi32>
      %scan3A_546 = arith.constant 0 : i32
      %scan3A_547 = arith.constant -3.000000e+38 : f32
      %scan3A_548 = arith.constant 0 : i32
      %scan3A_549 = arith.constant 128 : i32
      %scan3A_550 = arith.addi %scan3A_548, %scan3A_549 : i32
      %scan3A_551 = arith.constant 1 : i32
      scf.for %scan3A_1404 = %scan3A_548 to %scan3A_550 step %scan3A_551  : i32 {
        %mul3A_1405 = arith.constant 16 : i32
        %mul3A_1406 = arith.muli %scan3A_1404, %mul3A_1405 : i32
        %get3A = arith.index_cast %mul3A_1406 : i32 to index
        %get3A_1407 = tpu.vector_load %arg5[%get3A] {strides = array<i32>} : memref<2048xf32, #tpu.memory_space<vmem>>, vector<16xf32>,
        %get3A_1408 = vector.shape_cast %get3A_1407 : vector<16xf32> to vector<16xf32>
        %mul3A_1409 = arith.constant 16 : i32
        %mul3A_1410 = arith.muli %scan3A_1404, %mul3A_1409 : i32
        %add3A_1411 = vector.broadcast %mul3A_1410 : i32 to vector<16xi32>
        %add3A_1412 = arith.addi %iota3A, %add3A_1411 : vector<16xi32>
        %eq3A_1413 = arith.cmpi eq, %add3A_1412, %min3A_545 : vector<16xi32>
        %broadcast_in_dim3A_1414 = vector.broadcast %scan3A_547 : f32 to vector<16xf32>
        %select_n3A_1415 = arith.select %eq3A_1413, %broadcast_in_dim3A_1414, %get3A_1408 : vector<16xi1>, vector<16xf32>
        %mul3A_1416 = arith.constant 16 : i32
        %mul3A_1417 = arith.muli %scan3A_1404, %mul3A_1416 : i32
        %swap3A_1418 = arith.index_cast %mul3A_1417 : i32 to index
        %swap3A_1419 = tpu.vector_load %arg5[%swap3A_1418] {strides = array<i32>} : memref<2048xf32, #tpu.memory_space<vmem>>, vector<16xf32>,
        %swap3A_1420 = vector.shape_cast %swap3A_1419 : vector<16xf32> to vector<16xf32>
        %swap3A_1421 = vector.shape_cast %select_n3A_1415 : vector<16xf32> to vector<16xf32>
        tpu.vector_store %arg5[%swap3A_1418], %swap3A_1421 {strides = array<i32>} : memref<2048xf32, #tpu.memory_space<vmem>>, vector<16xf32>,
      }
      %scan3A_552 = arith.constant 128 : i32
      %eq3A_553 = arith.constant 3 : i32
      %eq3A_554 = vector.broadcast %eq3A_553 : i32 to vector<16xi32>
      %eq3A_555 = arith.cmpi eq, %iota3A, %eq3A_554 : vector<16xi32>
      %select_n3A_556 = arith.select %eq3A_555, %min3A_545, %select_n3A_416 : vector<16xi1>, vector<16xi32>
      %broadcast_in_dim3A_557 = arith.constant -3.000000e+38 : f32
      %broadcast_in_dim3A_558 = vector.broadcast %broadcast_in_dim3A_557 : f32 to vector<16xf32>
      %scan3A_559 = arith.constant 0 : i32
      %scan3A_560 = arith.constant 128 : i32
      %scan3A_561 = arith.addi %scan3A_559, %scan3A_560 : i32
      %scan3A_562 = arith.constant 1 : i32
      %scan3A_563 = scf.for %scan3A_1404 = %scan3A_559 to %scan3A_561 step %scan3A_562 iter_args(%scan3A_1405 = %broadcast_in_dim3A_558) -> (vector<16xf32>)  : i32 {
        %mul3A_1406 = arith.constant 16 : i32
        %mul3A_1407 = arith.muli %scan3A_1404, %mul3A_1406 : i32
        %get3A = arith.index_cast %mul3A_1407 : i32 to index
        %get3A_1408 = tpu.vector_load %arg5[%get3A] {strides = array<i32>} : memref<2048xf32, #tpu.memory_space<vmem>>, vector<16xf32>,
        %get3A_1409 = vector.shape_cast %get3A_1408 : vector<16xf32> to vector<16xf32>
        %max3A_1410 = arith.maximumf %scan3A_1405, %get3A_1409 : vector<16xf32>
        scf.yield %max3A_1410 : vector<16xf32>
      }
      %scan3A_564 = arith.constant 128 : i32
      %xor3A_565 = arith.constant 1 : i32
      %xor3A_566 = vector.broadcast %xor3A_565 : i32 to vector<16xi32>
      %xor3A_567 = arith.xori %iota3A, %xor3A_566 : vector<16xi32>
      %lt3A_568 = arith.constant 0 : i32
      %lt3A_569 = vector.broadcast %lt3A_568 : i32 to vector<16xi32>
      %lt3A_570 = arith.cmpi slt, %xor3A_567, %lt3A_569 : vector<16xi32>
      %add3A_571 = arith.constant 16 : i32
      %add3A_572 = vector.broadcast %add3A_571 : i32 to vector<16xi32>
      %add3A_573 = arith.addi %xor3A_567, %add3A_572 : vector<16xi32>
      %select_n3A_574 = arith.select %lt3A_570, %add3A_573, %xor3A_567 : vector<16xi1>, vector<16xi32>
      %broadcast_in_dim3A_575 = vector.shape_cast %select_n3A_574 : vector<16xi32> to vector<16x1xi32>
      %gather3A_576 = vector.shape_cast %broadcast_in_dim3A_575 : vector<16x1xi32> to vector<16xi32>
      %gather3A_577 = tpu.dynamic_gather %scan3A_563[%gather3A_576] in [0] : vector<16xf32>, vector<16xi32> -> vector<16xf32>
      %max3A_578 = arith.maximumf %scan3A_563, %gather3A_577 : vector<16xf32>
      %xor3A_579 = arith.constant 2 : i32
      %xor3A_580 = vector.broadcast %xor3A_579 : i32 to vector<16xi32>
      %xor3A_581 = arith.xori %iota3A, %xor3A_580 : vector<16xi32>
      %lt3A_582 = arith.constant 0 : i32
      %lt3A_583 = vector.broadcast %lt3A_582 : i32 to vector<16xi32>
      %lt3A_584 = arith.cmpi slt, %xor3A_581, %lt3A_583 : vector<16xi32>
      %add3A_585 = arith.constant 16 : i32
      %add3A_586 = vector.broadcast %add3A_585 : i32 to vector<16xi32>
      %add3A_587 = arith.addi %xor3A_581, %add3A_586 : vector<16xi32>
      %select_n3A_588 = arith.select %lt3A_584, %add3A_587, %xor3A_581 : vector<16xi1>, vector<16xi32>
      %broadcast_in_dim3A_589 = vector.shape_cast %select_n3A_588 : vector<16xi32> to vector<16x1xi32>
      %gather3A_590 = vector.shape_cast %broadcast_in_dim3A_589 : vector<16x1xi32> to vector<16xi32>
      %gather3A_591 = tpu.dynamic_gather %max3A_578[%gather3A_590] in [0] : vector<16xf32>, vector<16xi32> -> vector<16xf32>
      %max3A_592 = arith.maximumf %max3A_578, %gather3A_591 : vector<16xf32>
      %xor3A_593 = arith.constant 4 : i32
      %xor3A_594 = vector.broadcast %xor3A_593 : i32 to vector<16xi32>
      %xor3A_595 = arith.xori %iota3A, %xor3A_594 : vector<16xi32>
      %lt3A_596 = arith.constant 0 : i32
      %lt3A_597 = vector.broadcast %lt3A_596 : i32 to vector<16xi32>
      %lt3A_598 = arith.cmpi slt, %xor3A_595, %lt3A_597 : vector<16xi32>
      %add3A_599 = arith.constant 16 : i32
      %add3A_600 = vector.broadcast %add3A_599 : i32 to vector<16xi32>
      %add3A_601 = arith.addi %xor3A_595, %add3A_600 : vector<16xi32>
      %select_n3A_602 = arith.select %lt3A_598, %add3A_601, %xor3A_595 : vector<16xi1>, vector<16xi32>
      %broadcast_in_dim3A_603 = vector.shape_cast %select_n3A_602 : vector<16xi32> to vector<16x1xi32>
      %gather3A_604 = vector.shape_cast %broadcast_in_dim3A_603 : vector<16x1xi32> to vector<16xi32>
      %gather3A_605 = tpu.dynamic_gather %max3A_592[%gather3A_604] in [0] : vector<16xf32>, vector<16xi32> -> vector<16xf32>
      %max3A_606 = arith.maximumf %max3A_592, %gather3A_605 : vector<16xf32>
      %xor3A_607 = arith.constant 8 : i32
      %xor3A_608 = vector.broadcast %xor3A_607 : i32 to vector<16xi32>
      %xor3A_609 = arith.xori %iota3A, %xor3A_608 : vector<16xi32>
      %lt3A_610 = arith.constant 0 : i32
      %lt3A_611 = vector.broadcast %lt3A_610 : i32 to vector<16xi32>
      %lt3A_612 = arith.cmpi slt, %xor3A_609, %lt3A_611 : vector<16xi32>
      %add3A_613 = arith.constant 16 : i32
      %add3A_614 = vector.broadcast %add3A_613 : i32 to vector<16xi32>
      %add3A_615 = arith.addi %xor3A_609, %add3A_614 : vector<16xi32>
      %select_n3A_616 = arith.select %lt3A_612, %add3A_615, %xor3A_609 : vector<16xi1>, vector<16xi32>
      %broadcast_in_dim3A_617 = vector.shape_cast %select_n3A_616 : vector<16xi32> to vector<16x1xi32>
      %gather3A_618 = vector.shape_cast %broadcast_in_dim3A_617 : vector<16x1xi32> to vector<16xi32>
      %gather3A_619 = tpu.dynamic_gather %max3A_606[%gather3A_618] in [0] : vector<16xf32>, vector<16xi32> -> vector<16xf32>
      %max3A_620 = arith.maximumf %max3A_606, %gather3A_619 : vector<16xf32>
      %broadcast_in_dim3A_621 = arith.constant 1073741824 : i32
      %broadcast_in_dim3A_622 = vector.broadcast %broadcast_in_dim3A_621 : i32 to vector<16xi32>
      %scan3A_623 = arith.constant 1073741824 : i32
      %scan3A_624 = arith.constant 0 : i32
      %scan3A_625 = arith.constant 128 : i32
      %scan3A_626 = arith.addi %scan3A_624, %scan3A_625 : i32
      %scan3A_627 = arith.constant 1 : i32
      %scan3A_628 = scf.for %scan3A_1404 = %scan3A_624 to %scan3A_626 step %scan3A_627 iter_args(%scan3A_1405 = %broadcast_in_dim3A_622) -> (vector<16xi32>)  : i32 {
        %mul3A_1406 = arith.constant 16 : i32
        %mul3A_1407 = arith.muli %scan3A_1404, %mul3A_1406 : i32
        %get3A = arith.index_cast %mul3A_1407 : i32 to index
        %get3A_1408 = tpu.vector_load %arg5[%get3A] {strides = array<i32>} : memref<2048xf32, #tpu.memory_space<vmem>>, vector<16xf32>,
        %get3A_1409 = vector.shape_cast %get3A_1408 : vector<16xf32> to vector<16xf32>
        %eq3A_1410 = arith.cmpf oeq, %get3A_1409, %max3A_620 : vector<16xf32>
        %mul3A_1411 = arith.constant 16 : i32
        %mul3A_1412 = arith.muli %scan3A_1404, %mul3A_1411 : i32
        %add3A_1413 = vector.broadcast %mul3A_1412 : i32 to vector<16xi32>
        %add3A_1414 = arith.addi %iota3A, %add3A_1413 : vector<16xi32>
        %broadcast_in_dim3A_1415 = vector.broadcast %scan3A_623 : i32 to vector<16xi32>
        %select_n3A_1416 = arith.select %eq3A_1410, %add3A_1414, %broadcast_in_dim3A_1415 : vector<16xi1>, vector<16xi32>
        %min3A_1417 = arith.minsi %scan3A_1405, %select_n3A_1416 : vector<16xi32>
        scf.yield %min3A_1417 : vector<16xi32>
      }
      %scan3A_629 = arith.constant 128 : i32
      %xor3A_630 = arith.constant 1 : i32
      %xor3A_631 = vector.broadcast %xor3A_630 : i32 to vector<16xi32>
      %xor3A_632 = arith.xori %iota3A, %xor3A_631 : vector<16xi32>
      %lt3A_633 = arith.constant 0 : i32
      %lt3A_634 = vector.broadcast %lt3A_633 : i32 to vector<16xi32>
      %lt3A_635 = arith.cmpi slt, %xor3A_632, %lt3A_634 : vector<16xi32>
      %add3A_636 = arith.constant 16 : i32
      %add3A_637 = vector.broadcast %add3A_636 : i32 to vector<16xi32>
      %add3A_638 = arith.addi %xor3A_632, %add3A_637 : vector<16xi32>
      %select_n3A_639 = arith.select %lt3A_635, %add3A_638, %xor3A_632 : vector<16xi1>, vector<16xi32>
      %broadcast_in_dim3A_640 = vector.shape_cast %select_n3A_639 : vector<16xi32> to vector<16x1xi32>
      %gather3A_641 = vector.shape_cast %broadcast_in_dim3A_640 : vector<16x1xi32> to vector<16xi32>
      %gather3A_642 = tpu.dynamic_gather %scan3A_628[%gather3A_641] in [0] : vector<16xi32>, vector<16xi32> -> vector<16xi32>
      %min3A_643 = arith.minsi %scan3A_628, %gather3A_642 : vector<16xi32>
      %xor3A_644 = arith.constant 2 : i32
      %xor3A_645 = vector.broadcast %xor3A_644 : i32 to vector<16xi32>
      %xor3A_646 = arith.xori %iota3A, %xor3A_645 : vector<16xi32>
      %lt3A_647 = arith.constant 0 : i32
      %lt3A_648 = vector.broadcast %lt3A_647 : i32 to vector<16xi32>
      %lt3A_649 = arith.cmpi slt, %xor3A_646, %lt3A_648 : vector<16xi32>
      %add3A_650 = arith.constant 16 : i32
      %add3A_651 = vector.broadcast %add3A_650 : i32 to vector<16xi32>
      %add3A_652 = arith.addi %xor3A_646, %add3A_651 : vector<16xi32>
      %select_n3A_653 = arith.select %lt3A_649, %add3A_652, %xor3A_646 : vector<16xi1>, vector<16xi32>
      %broadcast_in_dim3A_654 = vector.shape_cast %select_n3A_653 : vector<16xi32> to vector<16x1xi32>
      %gather3A_655 = vector.shape_cast %broadcast_in_dim3A_654 : vector<16x1xi32> to vector<16xi32>
      %gather3A_656 = tpu.dynamic_gather %min3A_643[%gather3A_655] in [0] : vector<16xi32>, vector<16xi32> -> vector<16xi32>
      %min3A_657 = arith.minsi %min3A_643, %gather3A_656 : vector<16xi32>
      %xor3A_658 = arith.constant 4 : i32
      %xor3A_659 = vector.broadcast %xor3A_658 : i32 to vector<16xi32>
      %xor3A_660 = arith.xori %iota3A, %xor3A_659 : vector<16xi32>
      %lt3A_661 = arith.constant 0 : i32
      %lt3A_662 = vector.broadcast %lt3A_661 : i32 to vector<16xi32>
      %lt3A_663 = arith.cmpi slt, %xor3A_660, %lt3A_662 : vector<16xi32>
      %add3A_664 = arith.constant 16 : i32
      %add3A_665 = vector.broadcast %add3A_664 : i32 to vector<16xi32>
      %add3A_666 = arith.addi %xor3A_660, %add3A_665 : vector<16xi32>
      %select_n3A_667 = arith.select %lt3A_663, %add3A_666, %xor3A_660 : vector<16xi1>, vector<16xi32>
      %broadcast_in_dim3A_668 = vector.shape_cast %select_n3A_667 : vector<16xi32> to vector<16x1xi32>
      %gather3A_669 = vector.shape_cast %broadcast_in_dim3A_668 : vector<16x1xi32> to vector<16xi32>
      %gather3A_670 = tpu.dynamic_gather %min3A_657[%gather3A_669] in [0] : vector<16xi32>, vector<16xi32> -> vector<16xi32>
      %min3A_671 = arith.minsi %min3A_657, %gather3A_670 : vector<16xi32>
      %xor3A_672 = arith.constant 8 : i32
      %xor3A_673 = vector.broadcast %xor3A_672 : i32 to vector<16xi32>
      %xor3A_674 = arith.xori %iota3A, %xor3A_673 : vector<16xi32>
      %lt3A_675 = arith.constant 0 : i32
      %lt3A_676 = vector.broadcast %lt3A_675 : i32 to vector<16xi32>
      %lt3A_677 = arith.cmpi slt, %xor3A_674, %lt3A_676 : vector<16xi32>
      %add3A_678 = arith.constant 16 : i32
      %add3A_679 = vector.broadcast %add3A_678 : i32 to vector<16xi32>
      %add3A_680 = arith.addi %xor3A_674, %add3A_679 : vector<16xi32>
      %select_n3A_681 = arith.select %lt3A_677, %add3A_680, %xor3A_674 : vector<16xi1>, vector<16xi32>
      %broadcast_in_dim3A_682 = vector.shape_cast %select_n3A_681 : vector<16xi32> to vector<16x1xi32>
      %gather3A_683 = vector.shape_cast %broadcast_in_dim3A_682 : vector<16x1xi32> to vector<16xi32>
      %gather3A_684 = tpu.dynamic_gather %min3A_671[%gather3A_683] in [0] : vector<16xi32>, vector<16xi32> -> vector<16xi32>
      %min3A_685 = arith.minsi %min3A_671, %gather3A_684 : vector<16xi32>
      %scan3A_686 = arith.constant 0 : i32
      %scan3A_687 = arith.constant -3.000000e+38 : f32
      %scan3A_688 = arith.constant 0 : i32
      %scan3A_689 = arith.constant 128 : i32
      %scan3A_690 = arith.addi %scan3A_688, %scan3A_689 : i32
      %scan3A_691 = arith.constant 1 : i32
      scf.for %scan3A_1404 = %scan3A_688 to %scan3A_690 step %scan3A_691  : i32 {
        %mul3A_1405 = arith.constant 16 : i32
        %mul3A_1406 = arith.muli %scan3A_1404, %mul3A_1405 : i32
        %get3A = arith.index_cast %mul3A_1406 : i32 to index
        %get3A_1407 = tpu.vector_load %arg5[%get3A] {strides = array<i32>} : memref<2048xf32, #tpu.memory_space<vmem>>, vector<16xf32>,
        %get3A_1408 = vector.shape_cast %get3A_1407 : vector<16xf32> to vector<16xf32>
        %mul3A_1409 = arith.constant 16 : i32
        %mul3A_1410 = arith.muli %scan3A_1404, %mul3A_1409 : i32
        %add3A_1411 = vector.broadcast %mul3A_1410 : i32 to vector<16xi32>
        %add3A_1412 = arith.addi %iota3A, %add3A_1411 : vector<16xi32>
        %eq3A_1413 = arith.cmpi eq, %add3A_1412, %min3A_685 : vector<16xi32>
        %broadcast_in_dim3A_1414 = vector.broadcast %scan3A_687 : f32 to vector<16xf32>
        %select_n3A_1415 = arith.select %eq3A_1413, %broadcast_in_dim3A_1414, %get3A_1408 : vector<16xi1>, vector<16xf32>
        %mul3A_1416 = arith.constant 16 : i32
        %mul3A_1417 = arith.muli %scan3A_1404, %mul3A_1416 : i32
        %swap3A_1418 = arith.index_cast %mul3A_1417 : i32 to index
        %swap3A_1419 = tpu.vector_load %arg5[%swap3A_1418] {strides = array<i32>} : memref<2048xf32, #tpu.memory_space<vmem>>, vector<16xf32>,
        %swap3A_1420 = vector.shape_cast %swap3A_1419 : vector<16xf32> to vector<16xf32>
        %swap3A_1421 = vector.shape_cast %select_n3A_1415 : vector<16xf32> to vector<16xf32>
        tpu.vector_store %arg5[%swap3A_1418], %swap3A_1421 {strides = array<i32>} : memref<2048xf32, #tpu.memory_space<vmem>>, vector<16xf32>,
      }
      %scan3A_692 = arith.constant 128 : i32
      %eq3A_693 = arith.constant 4 : i32
      %eq3A_694 = vector.broadcast %eq3A_693 : i32 to vector<16xi32>
      %eq3A_695 = arith.cmpi eq, %iota3A, %eq3A_694 : vector<16xi32>
      %select_n3A_696 = arith.select %eq3A_695, %min3A_685, %select_n3A_556 : vector<16xi1>, vector<16xi32>
      %broadcast_in_dim3A_697 = arith.constant -3.000000e+38 : f32
      %broadcast_in_dim3A_698 = vector.broadcast %broadcast_in_dim3A_697 : f32 to vector<16xf32>
      %scan3A_699 = arith.constant 0 : i32
      %scan3A_700 = arith.constant 128 : i32
      %scan3A_701 = arith.addi %scan3A_699, %scan3A_700 : i32
      %scan3A_702 = arith.constant 1 : i32
      %scan3A_703 = scf.for %scan3A_1404 = %scan3A_699 to %scan3A_701 step %scan3A_702 iter_args(%scan3A_1405 = %broadcast_in_dim3A_698) -> (vector<16xf32>)  : i32 {
        %mul3A_1406 = arith.constant 16 : i32
        %mul3A_1407 = arith.muli %scan3A_1404, %mul3A_1406 : i32
        %get3A = arith.index_cast %mul3A_1407 : i32 to index
        %get3A_1408 = tpu.vector_load %arg5[%get3A] {strides = array<i32>} : memref<2048xf32, #tpu.memory_space<vmem>>, vector<16xf32>,
        %get3A_1409 = vector.shape_cast %get3A_1408 : vector<16xf32> to vector<16xf32>
        %max3A_1410 = arith.maximumf %scan3A_1405, %get3A_1409 : vector<16xf32>
        scf.yield %max3A_1410 : vector<16xf32>
      }
      %scan3A_704 = arith.constant 128 : i32
      %xor3A_705 = arith.constant 1 : i32
      %xor3A_706 = vector.broadcast %xor3A_705 : i32 to vector<16xi32>
      %xor3A_707 = arith.xori %iota3A, %xor3A_706 : vector<16xi32>
      %lt3A_708 = arith.constant 0 : i32
      %lt3A_709 = vector.broadcast %lt3A_708 : i32 to vector<16xi32>
      %lt3A_710 = arith.cmpi slt, %xor3A_707, %lt3A_709 : vector<16xi32>
      %add3A_711 = arith.constant 16 : i32
      %add3A_712 = vector.broadcast %add3A_711 : i32 to vector<16xi32>
      %add3A_713 = arith.addi %xor3A_707, %add3A_712 : vector<16xi32>
      %select_n3A_714 = arith.select %lt3A_710, %add3A_713, %xor3A_707 : vector<16xi1>, vector<16xi32>
      %broadcast_in_dim3A_715 = vector.shape_cast %select_n3A_714 : vector<16xi32> to vector<16x1xi32>
      %gather3A_716 = vector.shape_cast %broadcast_in_dim3A_715 : vector<16x1xi32> to vector<16xi32>
      %gather3A_717 = tpu.dynamic_gather %scan3A_703[%gather3A_716] in [0] : vector<16xf32>, vector<16xi32> -> vector<16xf32>
      %max3A_718 = arith.maximumf %scan3A_703, %gather3A_717 : vector<16xf32>
      %xor3A_719 = arith.constant 2 : i32
      %xor3A_720 = vector.broadcast %xor3A_719 : i32 to vector<16xi32>
      %xor3A_721 = arith.xori %iota3A, %xor3A_720 : vector<16xi32>
      %lt3A_722 = arith.constant 0 : i32
      %lt3A_723 = vector.broadcast %lt3A_722 : i32 to vector<16xi32>
      %lt3A_724 = arith.cmpi slt, %xor3A_721, %lt3A_723 : vector<16xi32>
      %add3A_725 = arith.constant 16 : i32
      %add3A_726 = vector.broadcast %add3A_725 : i32 to vector<16xi32>
      %add3A_727 = arith.addi %xor3A_721, %add3A_726 : vector<16xi32>
      %select_n3A_728 = arith.select %lt3A_724, %add3A_727, %xor3A_721 : vector<16xi1>, vector<16xi32>
      %broadcast_in_dim3A_729 = vector.shape_cast %select_n3A_728 : vector<16xi32> to vector<16x1xi32>
      %gather3A_730 = vector.shape_cast %broadcast_in_dim3A_729 : vector<16x1xi32> to vector<16xi32>
      %gather3A_731 = tpu.dynamic_gather %max3A_718[%gather3A_730] in [0] : vector<16xf32>, vector<16xi32> -> vector<16xf32>
      %max3A_732 = arith.maximumf %max3A_718, %gather3A_731 : vector<16xf32>
      %xor3A_733 = arith.constant 4 : i32
      %xor3A_734 = vector.broadcast %xor3A_733 : i32 to vector<16xi32>
      %xor3A_735 = arith.xori %iota3A, %xor3A_734 : vector<16xi32>
      %lt3A_736 = arith.constant 0 : i32
      %lt3A_737 = vector.broadcast %lt3A_736 : i32 to vector<16xi32>
      %lt3A_738 = arith.cmpi slt, %xor3A_735, %lt3A_737 : vector<16xi32>
      %add3A_739 = arith.constant 16 : i32
      %add3A_740 = vector.broadcast %add3A_739 : i32 to vector<16xi32>
      %add3A_741 = arith.addi %xor3A_735, %add3A_740 : vector<16xi32>
      %select_n3A_742 = arith.select %lt3A_738, %add3A_741, %xor3A_735 : vector<16xi1>, vector<16xi32>
      %broadcast_in_dim3A_743 = vector.shape_cast %select_n3A_742 : vector<16xi32> to vector<16x1xi32>
      %gather3A_744 = vector.shape_cast %broadcast_in_dim3A_743 : vector<16x1xi32> to vector<16xi32>
      %gather3A_745 = tpu.dynamic_gather %max3A_732[%gather3A_744] in [0] : vector<16xf32>, vector<16xi32> -> vector<16xf32>
      %max3A_746 = arith.maximumf %max3A_732, %gather3A_745 : vector<16xf32>
      %xor3A_747 = arith.constant 8 : i32
      %xor3A_748 = vector.broadcast %xor3A_747 : i32 to vector<16xi32>
      %xor3A_749 = arith.xori %iota3A, %xor3A_748 : vector<16xi32>
      %lt3A_750 = arith.constant 0 : i32
      %lt3A_751 = vector.broadcast %lt3A_750 : i32 to vector<16xi32>
      %lt3A_752 = arith.cmpi slt, %xor3A_749, %lt3A_751 : vector<16xi32>
      %add3A_753 = arith.constant 16 : i32
      %add3A_754 = vector.broadcast %add3A_753 : i32 to vector<16xi32>
      %add3A_755 = arith.addi %xor3A_749, %add3A_754 : vector<16xi32>
      %select_n3A_756 = arith.select %lt3A_752, %add3A_755, %xor3A_749 : vector<16xi1>, vector<16xi32>
      %broadcast_in_dim3A_757 = vector.shape_cast %select_n3A_756 : vector<16xi32> to vector<16x1xi32>
      %gather3A_758 = vector.shape_cast %broadcast_in_dim3A_757 : vector<16x1xi32> to vector<16xi32>
      %gather3A_759 = tpu.dynamic_gather %max3A_746[%gather3A_758] in [0] : vector<16xf32>, vector<16xi32> -> vector<16xf32>
      %max3A_760 = arith.maximumf %max3A_746, %gather3A_759 : vector<16xf32>
      %broadcast_in_dim3A_761 = arith.constant 1073741824 : i32
      %broadcast_in_dim3A_762 = vector.broadcast %broadcast_in_dim3A_761 : i32 to vector<16xi32>
      %scan3A_763 = arith.constant 1073741824 : i32
      %scan3A_764 = arith.constant 0 : i32
      %scan3A_765 = arith.constant 128 : i32
      %scan3A_766 = arith.addi %scan3A_764, %scan3A_765 : i32
      %scan3A_767 = arith.constant 1 : i32
      %scan3A_768 = scf.for %scan3A_1404 = %scan3A_764 to %scan3A_766 step %scan3A_767 iter_args(%scan3A_1405 = %broadcast_in_dim3A_762) -> (vector<16xi32>)  : i32 {
        %mul3A_1406 = arith.constant 16 : i32
        %mul3A_1407 = arith.muli %scan3A_1404, %mul3A_1406 : i32
        %get3A = arith.index_cast %mul3A_1407 : i32 to index
        %get3A_1408 = tpu.vector_load %arg5[%get3A] {strides = array<i32>} : memref<2048xf32, #tpu.memory_space<vmem>>, vector<16xf32>,
        %get3A_1409 = vector.shape_cast %get3A_1408 : vector<16xf32> to vector<16xf32>
        %eq3A_1410 = arith.cmpf oeq, %get3A_1409, %max3A_760 : vector<16xf32>
        %mul3A_1411 = arith.constant 16 : i32
        %mul3A_1412 = arith.muli %scan3A_1404, %mul3A_1411 : i32
        %add3A_1413 = vector.broadcast %mul3A_1412 : i32 to vector<16xi32>
        %add3A_1414 = arith.addi %iota3A, %add3A_1413 : vector<16xi32>
        %broadcast_in_dim3A_1415 = vector.broadcast %scan3A_763 : i32 to vector<16xi32>
        %select_n3A_1416 = arith.select %eq3A_1410, %add3A_1414, %broadcast_in_dim3A_1415 : vector<16xi1>, vector<16xi32>
        %min3A_1417 = arith.minsi %scan3A_1405, %select_n3A_1416 : vector<16xi32>
        scf.yield %min3A_1417 : vector<16xi32>
      }
      %scan3A_769 = arith.constant 128 : i32
      %xor3A_770 = arith.constant 1 : i32
      %xor3A_771 = vector.broadcast %xor3A_770 : i32 to vector<16xi32>
      %xor3A_772 = arith.xori %iota3A, %xor3A_771 : vector<16xi32>
      %lt3A_773 = arith.constant 0 : i32
      %lt3A_774 = vector.broadcast %lt3A_773 : i32 to vector<16xi32>
      %lt3A_775 = arith.cmpi slt, %xor3A_772, %lt3A_774 : vector<16xi32>
      %add3A_776 = arith.constant 16 : i32
      %add3A_777 = vector.broadcast %add3A_776 : i32 to vector<16xi32>
      %add3A_778 = arith.addi %xor3A_772, %add3A_777 : vector<16xi32>
      %select_n3A_779 = arith.select %lt3A_775, %add3A_778, %xor3A_772 : vector<16xi1>, vector<16xi32>
      %broadcast_in_dim3A_780 = vector.shape_cast %select_n3A_779 : vector<16xi32> to vector<16x1xi32>
      %gather3A_781 = vector.shape_cast %broadcast_in_dim3A_780 : vector<16x1xi32> to vector<16xi32>
      %gather3A_782 = tpu.dynamic_gather %scan3A_768[%gather3A_781] in [0] : vector<16xi32>, vector<16xi32> -> vector<16xi32>
      %min3A_783 = arith.minsi %scan3A_768, %gather3A_782 : vector<16xi32>
      %xor3A_784 = arith.constant 2 : i32
      %xor3A_785 = vector.broadcast %xor3A_784 : i32 to vector<16xi32>
      %xor3A_786 = arith.xori %iota3A, %xor3A_785 : vector<16xi32>
      %lt3A_787 = arith.constant 0 : i32
      %lt3A_788 = vector.broadcast %lt3A_787 : i32 to vector<16xi32>
      %lt3A_789 = arith.cmpi slt, %xor3A_786, %lt3A_788 : vector<16xi32>
      %add3A_790 = arith.constant 16 : i32
      %add3A_791 = vector.broadcast %add3A_790 : i32 to vector<16xi32>
      %add3A_792 = arith.addi %xor3A_786, %add3A_791 : vector<16xi32>
      %select_n3A_793 = arith.select %lt3A_789, %add3A_792, %xor3A_786 : vector<16xi1>, vector<16xi32>
      %broadcast_in_dim3A_794 = vector.shape_cast %select_n3A_793 : vector<16xi32> to vector<16x1xi32>
      %gather3A_795 = vector.shape_cast %broadcast_in_dim3A_794 : vector<16x1xi32> to vector<16xi32>
      %gather3A_796 = tpu.dynamic_gather %min3A_783[%gather3A_795] in [0] : vector<16xi32>, vector<16xi32> -> vector<16xi32>
      %min3A_797 = arith.minsi %min3A_783, %gather3A_796 : vector<16xi32>
      %xor3A_798 = arith.constant 4 : i32
      %xor3A_799 = vector.broadcast %xor3A_798 : i32 to vector<16xi32>
      %xor3A_800 = arith.xori %iota3A, %xor3A_799 : vector<16xi32>
      %lt3A_801 = arith.constant 0 : i32
      %lt3A_802 = vector.broadcast %lt3A_801 : i32 to vector<16xi32>
      %lt3A_803 = arith.cmpi slt, %xor3A_800, %lt3A_802 : vector<16xi32>
      %add3A_804 = arith.constant 16 : i32
      %add3A_805 = vector.broadcast %add3A_804 : i32 to vector<16xi32>
      %add3A_806 = arith.addi %xor3A_800, %add3A_805 : vector<16xi32>
      %select_n3A_807 = arith.select %lt3A_803, %add3A_806, %xor3A_800 : vector<16xi1>, vector<16xi32>
      %broadcast_in_dim3A_808 = vector.shape_cast %select_n3A_807 : vector<16xi32> to vector<16x1xi32>
      %gather3A_809 = vector.shape_cast %broadcast_in_dim3A_808 : vector<16x1xi32> to vector<16xi32>
      %gather3A_810 = tpu.dynamic_gather %min3A_797[%gather3A_809] in [0] : vector<16xi32>, vector<16xi32> -> vector<16xi32>
      %min3A_811 = arith.minsi %min3A_797, %gather3A_810 : vector<16xi32>
      %xor3A_812 = arith.constant 8 : i32
      %xor3A_813 = vector.broadcast %xor3A_812 : i32 to vector<16xi32>
      %xor3A_814 = arith.xori %iota3A, %xor3A_813 : vector<16xi32>
      %lt3A_815 = arith.constant 0 : i32
      %lt3A_816 = vector.broadcast %lt3A_815 : i32 to vector<16xi32>
      %lt3A_817 = arith.cmpi slt, %xor3A_814, %lt3A_816 : vector<16xi32>
      %add3A_818 = arith.constant 16 : i32
      %add3A_819 = vector.broadcast %add3A_818 : i32 to vector<16xi32>
      %add3A_820 = arith.addi %xor3A_814, %add3A_819 : vector<16xi32>
      %select_n3A_821 = arith.select %lt3A_817, %add3A_820, %xor3A_814 : vector<16xi1>, vector<16xi32>
      %broadcast_in_dim3A_822 = vector.shape_cast %select_n3A_821 : vector<16xi32> to vector<16x1xi32>
      %gather3A_823 = vector.shape_cast %broadcast_in_dim3A_822 : vector<16x1xi32> to vector<16xi32>
      %gather3A_824 = tpu.dynamic_gather %min3A_811[%gather3A_823] in [0] : vector<16xi32>, vector<16xi32> -> vector<16xi32>
      %min3A_825 = arith.minsi %min3A_811, %gather3A_824 : vector<16xi32>
      %scan3A_826 = arith.constant 0 : i32
      %scan3A_827 = arith.constant -3.000000e+38 : f32
      %scan3A_828 = arith.constant 0 : i32
      %scan3A_829 = arith.constant 128 : i32
      %scan3A_830 = arith.addi %scan3A_828, %scan3A_829 : i32
      %scan3A_831 = arith.constant 1 : i32
      scf.for %scan3A_1404 = %scan3A_828 to %scan3A_830 step %scan3A_831  : i32 {
        %mul3A_1405 = arith.constant 16 : i32
        %mul3A_1406 = arith.muli %scan3A_1404, %mul3A_1405 : i32
        %get3A = arith.index_cast %mul3A_1406 : i32 to index
        %get3A_1407 = tpu.vector_load %arg5[%get3A] {strides = array<i32>} : memref<2048xf32, #tpu.memory_space<vmem>>, vector<16xf32>,
        %get3A_1408 = vector.shape_cast %get3A_1407 : vector<16xf32> to vector<16xf32>
        %mul3A_1409 = arith.constant 16 : i32
        %mul3A_1410 = arith.muli %scan3A_1404, %mul3A_1409 : i32
        %add3A_1411 = vector.broadcast %mul3A_1410 : i32 to vector<16xi32>
        %add3A_1412 = arith.addi %iota3A, %add3A_1411 : vector<16xi32>
        %eq3A_1413 = arith.cmpi eq, %add3A_1412, %min3A_825 : vector<16xi32>
        %broadcast_in_dim3A_1414 = vector.broadcast %scan3A_827 : f32 to vector<16xf32>
        %select_n3A_1415 = arith.select %eq3A_1413, %broadcast_in_dim3A_1414, %get3A_1408 : vector<16xi1>, vector<16xf32>
        %mul3A_1416 = arith.constant 16 : i32
        %mul3A_1417 = arith.muli %scan3A_1404, %mul3A_1416 : i32
        %swap3A_1418 = arith.index_cast %mul3A_1417 : i32 to index
        %swap3A_1419 = tpu.vector_load %arg5[%swap3A_1418] {strides = array<i32>} : memref<2048xf32, #tpu.memory_space<vmem>>, vector<16xf32>,
        %swap3A_1420 = vector.shape_cast %swap3A_1419 : vector<16xf32> to vector<16xf32>
        %swap3A_1421 = vector.shape_cast %select_n3A_1415 : vector<16xf32> to vector<16xf32>
        tpu.vector_store %arg5[%swap3A_1418], %swap3A_1421 {strides = array<i32>} : memref<2048xf32, #tpu.memory_space<vmem>>, vector<16xf32>,
      }
      %scan3A_832 = arith.constant 128 : i32
      %eq3A_833 = arith.constant 5 : i32
      %eq3A_834 = vector.broadcast %eq3A_833 : i32 to vector<16xi32>
      %eq3A_835 = arith.cmpi eq, %iota3A, %eq3A_834 : vector<16xi32>
      %select_n3A_836 = arith.select %eq3A_835, %min3A_825, %select_n3A_696 : vector<16xi1>, vector<16xi32>
      %broadcast_in_dim3A_837 = arith.constant -3.000000e+38 : f32
      %broadcast_in_dim3A_838 = vector.broadcast %broadcast_in_dim3A_837 : f32 to vector<16xf32>
      %scan3A_839 = arith.constant 0 : i32
      %scan3A_840 = arith.constant 128 : i32
      %scan3A_841 = arith.addi %scan3A_839, %scan3A_840 : i32
      %scan3A_842 = arith.constant 1 : i32
      %scan3A_843 = scf.for %scan3A_1404 = %scan3A_839 to %scan3A_841 step %scan3A_842 iter_args(%scan3A_1405 = %broadcast_in_dim3A_838) -> (vector<16xf32>)  : i32 {
        %mul3A_1406 = arith.constant 16 : i32
        %mul3A_1407 = arith.muli %scan3A_1404, %mul3A_1406 : i32
        %get3A = arith.index_cast %mul3A_1407 : i32 to index
        %get3A_1408 = tpu.vector_load %arg5[%get3A] {strides = array<i32>} : memref<2048xf32, #tpu.memory_space<vmem>>, vector<16xf32>,
        %get3A_1409 = vector.shape_cast %get3A_1408 : vector<16xf32> to vector<16xf32>
        %max3A_1410 = arith.maximumf %scan3A_1405, %get3A_1409 : vector<16xf32>
        scf.yield %max3A_1410 : vector<16xf32>
      }
      %scan3A_844 = arith.constant 128 : i32
      %xor3A_845 = arith.constant 1 : i32
      %xor3A_846 = vector.broadcast %xor3A_845 : i32 to vector<16xi32>
      %xor3A_847 = arith.xori %iota3A, %xor3A_846 : vector<16xi32>
      %lt3A_848 = arith.constant 0 : i32
      %lt3A_849 = vector.broadcast %lt3A_848 : i32 to vector<16xi32>
      %lt3A_850 = arith.cmpi slt, %xor3A_847, %lt3A_849 : vector<16xi32>
      %add3A_851 = arith.constant 16 : i32
      %add3A_852 = vector.broadcast %add3A_851 : i32 to vector<16xi32>
      %add3A_853 = arith.addi %xor3A_847, %add3A_852 : vector<16xi32>
      %select_n3A_854 = arith.select %lt3A_850, %add3A_853, %xor3A_847 : vector<16xi1>, vector<16xi32>
      %broadcast_in_dim3A_855 = vector.shape_cast %select_n3A_854 : vector<16xi32> to vector<16x1xi32>
      %gather3A_856 = vector.shape_cast %broadcast_in_dim3A_855 : vector<16x1xi32> to vector<16xi32>
      %gather3A_857 = tpu.dynamic_gather %scan3A_843[%gather3A_856] in [0] : vector<16xf32>, vector<16xi32> -> vector<16xf32>
      %max3A_858 = arith.maximumf %scan3A_843, %gather3A_857 : vector<16xf32>
      %xor3A_859 = arith.constant 2 : i32
      %xor3A_860 = vector.broadcast %xor3A_859 : i32 to vector<16xi32>
      %xor3A_861 = arith.xori %iota3A, %xor3A_860 : vector<16xi32>
      %lt3A_862 = arith.constant 0 : i32
      %lt3A_863 = vector.broadcast %lt3A_862 : i32 to vector<16xi32>
      %lt3A_864 = arith.cmpi slt, %xor3A_861, %lt3A_863 : vector<16xi32>
      %add3A_865 = arith.constant 16 : i32
      %add3A_866 = vector.broadcast %add3A_865 : i32 to vector<16xi32>
      %add3A_867 = arith.addi %xor3A_861, %add3A_866 : vector<16xi32>
      %select_n3A_868 = arith.select %lt3A_864, %add3A_867, %xor3A_861 : vector<16xi1>, vector<16xi32>
      %broadcast_in_dim3A_869 = vector.shape_cast %select_n3A_868 : vector<16xi32> to vector<16x1xi32>
      %gather3A_870 = vector.shape_cast %broadcast_in_dim3A_869 : vector<16x1xi32> to vector<16xi32>
      %gather3A_871 = tpu.dynamic_gather %max3A_858[%gather3A_870] in [0] : vector<16xf32>, vector<16xi32> -> vector<16xf32>
      %max3A_872 = arith.maximumf %max3A_858, %gather3A_871 : vector<16xf32>
      %xor3A_873 = arith.constant 4 : i32
      %xor3A_874 = vector.broadcast %xor3A_873 : i32 to vector<16xi32>
      %xor3A_875 = arith.xori %iota3A, %xor3A_874 : vector<16xi32>
      %lt3A_876 = arith.constant 0 : i32
      %lt3A_877 = vector.broadcast %lt3A_876 : i32 to vector<16xi32>
      %lt3A_878 = arith.cmpi slt, %xor3A_875, %lt3A_877 : vector<16xi32>
      %add3A_879 = arith.constant 16 : i32
      %add3A_880 = vector.broadcast %add3A_879 : i32 to vector<16xi32>
      %add3A_881 = arith.addi %xor3A_875, %add3A_880 : vector<16xi32>
      %select_n3A_882 = arith.select %lt3A_878, %add3A_881, %xor3A_875 : vector<16xi1>, vector<16xi32>
      %broadcast_in_dim3A_883 = vector.shape_cast %select_n3A_882 : vector<16xi32> to vector<16x1xi32>
      %gather3A_884 = vector.shape_cast %broadcast_in_dim3A_883 : vector<16x1xi32> to vector<16xi32>
      %gather3A_885 = tpu.dynamic_gather %max3A_872[%gather3A_884] in [0] : vector<16xf32>, vector<16xi32> -> vector<16xf32>
      %max3A_886 = arith.maximumf %max3A_872, %gather3A_885 : vector<16xf32>
      %xor3A_887 = arith.constant 8 : i32
      %xor3A_888 = vector.broadcast %xor3A_887 : i32 to vector<16xi32>
      %xor3A_889 = arith.xori %iota3A, %xor3A_888 : vector<16xi32>
      %lt3A_890 = arith.constant 0 : i32
      %lt3A_891 = vector.broadcast %lt3A_890 : i32 to vector<16xi32>
      %lt3A_892 = arith.cmpi slt, %xor3A_889, %lt3A_891 : vector<16xi32>
      %add3A_893 = arith.constant 16 : i32
      %add3A_894 = vector.broadcast %add3A_893 : i32 to vector<16xi32>
      %add3A_895 = arith.addi %xor3A_889, %add3A_894 : vector<16xi32>
      %select_n3A_896 = arith.select %lt3A_892, %add3A_895, %xor3A_889 : vector<16xi1>, vector<16xi32>
      %broadcast_in_dim3A_897 = vector.shape_cast %select_n3A_896 : vector<16xi32> to vector<16x1xi32>
      %gather3A_898 = vector.shape_cast %broadcast_in_dim3A_897 : vector<16x1xi32> to vector<16xi32>
      %gather3A_899 = tpu.dynamic_gather %max3A_886[%gather3A_898] in [0] : vector<16xf32>, vector<16xi32> -> vector<16xf32>
      %max3A_900 = arith.maximumf %max3A_886, %gather3A_899 : vector<16xf32>
      %broadcast_in_dim3A_901 = arith.constant 1073741824 : i32
      %broadcast_in_dim3A_902 = vector.broadcast %broadcast_in_dim3A_901 : i32 to vector<16xi32>
      %scan3A_903 = arith.constant 1073741824 : i32
      %scan3A_904 = arith.constant 0 : i32
      %scan3A_905 = arith.constant 128 : i32
      %scan3A_906 = arith.addi %scan3A_904, %scan3A_905 : i32
      %scan3A_907 = arith.constant 1 : i32
      %scan3A_908 = scf.for %scan3A_1404 = %scan3A_904 to %scan3A_906 step %scan3A_907 iter_args(%scan3A_1405 = %broadcast_in_dim3A_902) -> (vector<16xi32>)  : i32 {
        %mul3A_1406 = arith.constant 16 : i32
        %mul3A_1407 = arith.muli %scan3A_1404, %mul3A_1406 : i32
        %get3A = arith.index_cast %mul3A_1407 : i32 to index
        %get3A_1408 = tpu.vector_load %arg5[%get3A] {strides = array<i32>} : memref<2048xf32, #tpu.memory_space<vmem>>, vector<16xf32>,
        %get3A_1409 = vector.shape_cast %get3A_1408 : vector<16xf32> to vector<16xf32>
        %eq3A_1410 = arith.cmpf oeq, %get3A_1409, %max3A_900 : vector<16xf32>
        %mul3A_1411 = arith.constant 16 : i32
        %mul3A_1412 = arith.muli %scan3A_1404, %mul3A_1411 : i32
        %add3A_1413 = vector.broadcast %mul3A_1412 : i32 to vector<16xi32>
        %add3A_1414 = arith.addi %iota3A, %add3A_1413 : vector<16xi32>
        %broadcast_in_dim3A_1415 = vector.broadcast %scan3A_903 : i32 to vector<16xi32>
        %select_n3A_1416 = arith.select %eq3A_1410, %add3A_1414, %broadcast_in_dim3A_1415 : vector<16xi1>, vector<16xi32>
        %min3A_1417 = arith.minsi %scan3A_1405, %select_n3A_1416 : vector<16xi32>
        scf.yield %min3A_1417 : vector<16xi32>
      }
      %scan3A_909 = arith.constant 128 : i32
      %xor3A_910 = arith.constant 1 : i32
      %xor3A_911 = vector.broadcast %xor3A_910 : i32 to vector<16xi32>
      %xor3A_912 = arith.xori %iota3A, %xor3A_911 : vector<16xi32>
      %lt3A_913 = arith.constant 0 : i32
      %lt3A_914 = vector.broadcast %lt3A_913 : i32 to vector<16xi32>
      %lt3A_915 = arith.cmpi slt, %xor3A_912, %lt3A_914 : vector<16xi32>
      %add3A_916 = arith.constant 16 : i32
      %add3A_917 = vector.broadcast %add3A_916 : i32 to vector<16xi32>
      %add3A_918 = arith.addi %xor3A_912, %add3A_917 : vector<16xi32>
      %select_n3A_919 = arith.select %lt3A_915, %add3A_918, %xor3A_912 : vector<16xi1>, vector<16xi32>
      %broadcast_in_dim3A_920 = vector.shape_cast %select_n3A_919 : vector<16xi32> to vector<16x1xi32>
      %gather3A_921 = vector.shape_cast %broadcast_in_dim3A_920 : vector<16x1xi32> to vector<16xi32>
      %gather3A_922 = tpu.dynamic_gather %scan3A_908[%gather3A_921] in [0] : vector<16xi32>, vector<16xi32> -> vector<16xi32>
      %min3A_923 = arith.minsi %scan3A_908, %gather3A_922 : vector<16xi32>
      %xor3A_924 = arith.constant 2 : i32
      %xor3A_925 = vector.broadcast %xor3A_924 : i32 to vector<16xi32>
      %xor3A_926 = arith.xori %iota3A, %xor3A_925 : vector<16xi32>
      %lt3A_927 = arith.constant 0 : i32
      %lt3A_928 = vector.broadcast %lt3A_927 : i32 to vector<16xi32>
      %lt3A_929 = arith.cmpi slt, %xor3A_926, %lt3A_928 : vector<16xi32>
      %add3A_930 = arith.constant 16 : i32
      %add3A_931 = vector.broadcast %add3A_930 : i32 to vector<16xi32>
      %add3A_932 = arith.addi %xor3A_926, %add3A_931 : vector<16xi32>
      %select_n3A_933 = arith.select %lt3A_929, %add3A_932, %xor3A_926 : vector<16xi1>, vector<16xi32>
      %broadcast_in_dim3A_934 = vector.shape_cast %select_n3A_933 : vector<16xi32> to vector<16x1xi32>
      %gather3A_935 = vector.shape_cast %broadcast_in_dim3A_934 : vector<16x1xi32> to vector<16xi32>
      %gather3A_936 = tpu.dynamic_gather %min3A_923[%gather3A_935] in [0] : vector<16xi32>, vector<16xi32> -> vector<16xi32>
      %min3A_937 = arith.minsi %min3A_923, %gather3A_936 : vector<16xi32>
      %xor3A_938 = arith.constant 4 : i32
      %xor3A_939 = vector.broadcast %xor3A_938 : i32 to vector<16xi32>
      %xor3A_940 = arith.xori %iota3A, %xor3A_939 : vector<16xi32>
      %lt3A_941 = arith.constant 0 : i32
      %lt3A_942 = vector.broadcast %lt3A_941 : i32 to vector<16xi32>
      %lt3A_943 = arith.cmpi slt, %xor3A_940, %lt3A_942 : vector<16xi32>
      %add3A_944 = arith.constant 16 : i32
      %add3A_945 = vector.broadcast %add3A_944 : i32 to vector<16xi32>
      %add3A_946 = arith.addi %xor3A_940, %add3A_945 : vector<16xi32>
      %select_n3A_947 = arith.select %lt3A_943, %add3A_946, %xor3A_940 : vector<16xi1>, vector<16xi32>
      %broadcast_in_dim3A_948 = vector.shape_cast %select_n3A_947 : vector<16xi32> to vector<16x1xi32>
      %gather3A_949 = vector.shape_cast %broadcast_in_dim3A_948 : vector<16x1xi32> to vector<16xi32>
      %gather3A_950 = tpu.dynamic_gather %min3A_937[%gather3A_949] in [0] : vector<16xi32>, vector<16xi32> -> vector<16xi32>
      %min3A_951 = arith.minsi %min3A_937, %gather3A_950 : vector<16xi32>
      %xor3A_952 = arith.constant 8 : i32
      %xor3A_953 = vector.broadcast %xor3A_952 : i32 to vector<16xi32>
      %xor3A_954 = arith.xori %iota3A, %xor3A_953 : vector<16xi32>
      %lt3A_955 = arith.constant 0 : i32
      %lt3A_956 = vector.broadcast %lt3A_955 : i32 to vector<16xi32>
      %lt3A_957 = arith.cmpi slt, %xor3A_954, %lt3A_956 : vector<16xi32>
      %add3A_958 = arith.constant 16 : i32
      %add3A_959 = vector.broadcast %add3A_958 : i32 to vector<16xi32>
      %add3A_960 = arith.addi %xor3A_954, %add3A_959 : vector<16xi32>
      %select_n3A_961 = arith.select %lt3A_957, %add3A_960, %xor3A_954 : vector<16xi1>, vector<16xi32>
      %broadcast_in_dim3A_962 = vector.shape_cast %select_n3A_961 : vector<16xi32> to vector<16x1xi32>
      %gather3A_963 = vector.shape_cast %broadcast_in_dim3A_962 : vector<16x1xi32> to vector<16xi32>
      %gather3A_964 = tpu.dynamic_gather %min3A_951[%gather3A_963] in [0] : vector<16xi32>, vector<16xi32> -> vector<16xi32>
      %min3A_965 = arith.minsi %min3A_951, %gather3A_964 : vector<16xi32>
      %scan3A_966 = arith.constant 0 : i32
      %scan3A_967 = arith.constant -3.000000e+38 : f32
      %scan3A_968 = arith.constant 0 : i32
      %scan3A_969 = arith.constant 128 : i32
      %scan3A_970 = arith.addi %scan3A_968, %scan3A_969 : i32
      %scan3A_971 = arith.constant 1 : i32
      scf.for %scan3A_1404 = %scan3A_968 to %scan3A_970 step %scan3A_971  : i32 {
        %mul3A_1405 = arith.constant 16 : i32
        %mul3A_1406 = arith.muli %scan3A_1404, %mul3A_1405 : i32
        %get3A = arith.index_cast %mul3A_1406 : i32 to index
        %get3A_1407 = tpu.vector_load %arg5[%get3A] {strides = array<i32>} : memref<2048xf32, #tpu.memory_space<vmem>>, vector<16xf32>,
        %get3A_1408 = vector.shape_cast %get3A_1407 : vector<16xf32> to vector<16xf32>
        %mul3A_1409 = arith.constant 16 : i32
        %mul3A_1410 = arith.muli %scan3A_1404, %mul3A_1409 : i32
        %add3A_1411 = vector.broadcast %mul3A_1410 : i32 to vector<16xi32>
        %add3A_1412 = arith.addi %iota3A, %add3A_1411 : vector<16xi32>
        %eq3A_1413 = arith.cmpi eq, %add3A_1412, %min3A_965 : vector<16xi32>
        %broadcast_in_dim3A_1414 = vector.broadcast %scan3A_967 : f32 to vector<16xf32>
        %select_n3A_1415 = arith.select %eq3A_1413, %broadcast_in_dim3A_1414, %get3A_1408 : vector<16xi1>, vector<16xf32>
        %mul3A_1416 = arith.constant 16 : i32
        %mul3A_1417 = arith.muli %scan3A_1404, %mul3A_1416 : i32
        %swap3A_1418 = arith.index_cast %mul3A_1417 : i32 to index
        %swap3A_1419 = tpu.vector_load %arg5[%swap3A_1418] {strides = array<i32>} : memref<2048xf32, #tpu.memory_space<vmem>>, vector<16xf32>,
        %swap3A_1420 = vector.shape_cast %swap3A_1419 : vector<16xf32> to vector<16xf32>
        %swap3A_1421 = vector.shape_cast %select_n3A_1415 : vector<16xf32> to vector<16xf32>
        tpu.vector_store %arg5[%swap3A_1418], %swap3A_1421 {strides = array<i32>} : memref<2048xf32, #tpu.memory_space<vmem>>, vector<16xf32>,
      }
      %scan3A_972 = arith.constant 128 : i32
      %eq3A_973 = arith.constant 6 : i32
      %eq3A_974 = vector.broadcast %eq3A_973 : i32 to vector<16xi32>
      %eq3A_975 = arith.cmpi eq, %iota3A, %eq3A_974 : vector<16xi32>
      %select_n3A_976 = arith.select %eq3A_975, %min3A_965, %select_n3A_836 : vector<16xi1>, vector<16xi32>
      %broadcast_in_dim3A_977 = arith.constant -3.000000e+38 : f32
      %broadcast_in_dim3A_978 = vector.broadcast %broadcast_in_dim3A_977 : f32 to vector<16xf32>
      %scan3A_979 = arith.constant 0 : i32
      %scan3A_980 = arith.constant 128 : i32
      %scan3A_981 = arith.addi %scan3A_979, %scan3A_980 : i32
      %scan3A_982 = arith.constant 1 : i32
      %scan3A_983 = scf.for %scan3A_1404 = %scan3A_979 to %scan3A_981 step %scan3A_982 iter_args(%scan3A_1405 = %broadcast_in_dim3A_978) -> (vector<16xf32>)  : i32 {
        %mul3A_1406 = arith.constant 16 : i32
        %mul3A_1407 = arith.muli %scan3A_1404, %mul3A_1406 : i32
        %get3A = arith.index_cast %mul3A_1407 : i32 to index
        %get3A_1408 = tpu.vector_load %arg5[%get3A] {strides = array<i32>} : memref<2048xf32, #tpu.memory_space<vmem>>, vector<16xf32>,
        %get3A_1409 = vector.shape_cast %get3A_1408 : vector<16xf32> to vector<16xf32>
        %max3A_1410 = arith.maximumf %scan3A_1405, %get3A_1409 : vector<16xf32>
        scf.yield %max3A_1410 : vector<16xf32>
      }
      %scan3A_984 = arith.constant 128 : i32
      %xor3A_985 = arith.constant 1 : i32
      %xor3A_986 = vector.broadcast %xor3A_985 : i32 to vector<16xi32>
      %xor3A_987 = arith.xori %iota3A, %xor3A_986 : vector<16xi32>
      %lt3A_988 = arith.constant 0 : i32
      %lt3A_989 = vector.broadcast %lt3A_988 : i32 to vector<16xi32>
      %lt3A_990 = arith.cmpi slt, %xor3A_987, %lt3A_989 : vector<16xi32>
      %add3A_991 = arith.constant 16 : i32
      %add3A_992 = vector.broadcast %add3A_991 : i32 to vector<16xi32>
      %add3A_993 = arith.addi %xor3A_987, %add3A_992 : vector<16xi32>
      %select_n3A_994 = arith.select %lt3A_990, %add3A_993, %xor3A_987 : vector<16xi1>, vector<16xi32>
      %broadcast_in_dim3A_995 = vector.shape_cast %select_n3A_994 : vector<16xi32> to vector<16x1xi32>
      %gather3A_996 = vector.shape_cast %broadcast_in_dim3A_995 : vector<16x1xi32> to vector<16xi32>
      %gather3A_997 = tpu.dynamic_gather %scan3A_983[%gather3A_996] in [0] : vector<16xf32>, vector<16xi32> -> vector<16xf32>
      %max3A_998 = arith.maximumf %scan3A_983, %gather3A_997 : vector<16xf32>
      %xor3A_999 = arith.constant 2 : i32
      %xor3A_1000 = vector.broadcast %xor3A_999 : i32 to vector<16xi32>
      %xor3A_1001 = arith.xori %iota3A, %xor3A_1000 : vector<16xi32>
      %lt3A_1002 = arith.constant 0 : i32
      %lt3A_1003 = vector.broadcast %lt3A_1002 : i32 to vector<16xi32>
      %lt3A_1004 = arith.cmpi slt, %xor3A_1001, %lt3A_1003 : vector<16xi32>
      %add3A_1005 = arith.constant 16 : i32
      %add3A_1006 = vector.broadcast %add3A_1005 : i32 to vector<16xi32>
      %add3A_1007 = arith.addi %xor3A_1001, %add3A_1006 : vector<16xi32>
      %select_n3A_1008 = arith.select %lt3A_1004, %add3A_1007, %xor3A_1001 : vector<16xi1>, vector<16xi32>
      %broadcast_in_dim3A_1009 = vector.shape_cast %select_n3A_1008 : vector<16xi32> to vector<16x1xi32>
      %gather3A_1010 = vector.shape_cast %broadcast_in_dim3A_1009 : vector<16x1xi32> to vector<16xi32>
      %gather3A_1011 = tpu.dynamic_gather %max3A_998[%gather3A_1010] in [0] : vector<16xf32>, vector<16xi32> -> vector<16xf32>
      %max3A_1012 = arith.maximumf %max3A_998, %gather3A_1011 : vector<16xf32>
      %xor3A_1013 = arith.constant 4 : i32
      %xor3A_1014 = vector.broadcast %xor3A_1013 : i32 to vector<16xi32>
      %xor3A_1015 = arith.xori %iota3A, %xor3A_1014 : vector<16xi32>
      %lt3A_1016 = arith.constant 0 : i32
      %lt3A_1017 = vector.broadcast %lt3A_1016 : i32 to vector<16xi32>
      %lt3A_1018 = arith.cmpi slt, %xor3A_1015, %lt3A_1017 : vector<16xi32>
      %add3A_1019 = arith.constant 16 : i32
      %add3A_1020 = vector.broadcast %add3A_1019 : i32 to vector<16xi32>
      %add3A_1021 = arith.addi %xor3A_1015, %add3A_1020 : vector<16xi32>
      %select_n3A_1022 = arith.select %lt3A_1018, %add3A_1021, %xor3A_1015 : vector<16xi1>, vector<16xi32>
      %broadcast_in_dim3A_1023 = vector.shape_cast %select_n3A_1022 : vector<16xi32> to vector<16x1xi32>
      %gather3A_1024 = vector.shape_cast %broadcast_in_dim3A_1023 : vector<16x1xi32> to vector<16xi32>
      %gather3A_1025 = tpu.dynamic_gather %max3A_1012[%gather3A_1024] in [0] : vector<16xf32>, vector<16xi32> -> vector<16xf32>
      %max3A_1026 = arith.maximumf %max3A_1012, %gather3A_1025 : vector<16xf32>
      %xor3A_1027 = arith.constant 8 : i32
      %xor3A_1028 = vector.broadcast %xor3A_1027 : i32 to vector<16xi32>
      %xor3A_1029 = arith.xori %iota3A, %xor3A_1028 : vector<16xi32>
      %lt3A_1030 = arith.constant 0 : i32
      %lt3A_1031 = vector.broadcast %lt3A_1030 : i32 to vector<16xi32>
      %lt3A_1032 = arith.cmpi slt, %xor3A_1029, %lt3A_1031 : vector<16xi32>
      %add3A_1033 = arith.constant 16 : i32
      %add3A_1034 = vector.broadcast %add3A_1033 : i32 to vector<16xi32>
      %add3A_1035 = arith.addi %xor3A_1029, %add3A_1034 : vector<16xi32>
      %select_n3A_1036 = arith.select %lt3A_1032, %add3A_1035, %xor3A_1029 : vector<16xi1>, vector<16xi32>
      %broadcast_in_dim3A_1037 = vector.shape_cast %select_n3A_1036 : vector<16xi32> to vector<16x1xi32>
      %gather3A_1038 = vector.shape_cast %broadcast_in_dim3A_1037 : vector<16x1xi32> to vector<16xi32>
      %gather3A_1039 = tpu.dynamic_gather %max3A_1026[%gather3A_1038] in [0] : vector<16xf32>, vector<16xi32> -> vector<16xf32>
      %max3A_1040 = arith.maximumf %max3A_1026, %gather3A_1039 : vector<16xf32>
      %broadcast_in_dim3A_1041 = arith.constant 1073741824 : i32
      %broadcast_in_dim3A_1042 = vector.broadcast %broadcast_in_dim3A_1041 : i32 to vector<16xi32>
      %scan3A_1043 = arith.constant 1073741824 : i32
      %scan3A_1044 = arith.constant 0 : i32
      %scan3A_1045 = arith.constant 128 : i32
      %scan3A_1046 = arith.addi %scan3A_1044, %scan3A_1045 : i32
      %scan3A_1047 = arith.constant 1 : i32
      %scan3A_1048 = scf.for %scan3A_1404 = %scan3A_1044 to %scan3A_1046 step %scan3A_1047 iter_args(%scan3A_1405 = %broadcast_in_dim3A_1042) -> (vector<16xi32>)  : i32 {
        %mul3A_1406 = arith.constant 16 : i32
        %mul3A_1407 = arith.muli %scan3A_1404, %mul3A_1406 : i32
        %get3A = arith.index_cast %mul3A_1407 : i32 to index
        %get3A_1408 = tpu.vector_load %arg5[%get3A] {strides = array<i32>} : memref<2048xf32, #tpu.memory_space<vmem>>, vector<16xf32>,
        %get3A_1409 = vector.shape_cast %get3A_1408 : vector<16xf32> to vector<16xf32>
        %eq3A_1410 = arith.cmpf oeq, %get3A_1409, %max3A_1040 : vector<16xf32>
        %mul3A_1411 = arith.constant 16 : i32
        %mul3A_1412 = arith.muli %scan3A_1404, %mul3A_1411 : i32
        %add3A_1413 = vector.broadcast %mul3A_1412 : i32 to vector<16xi32>
        %add3A_1414 = arith.addi %iota3A, %add3A_1413 : vector<16xi32>
        %broadcast_in_dim3A_1415 = vector.broadcast %scan3A_1043 : i32 to vector<16xi32>
        %select_n3A_1416 = arith.select %eq3A_1410, %add3A_1414, %broadcast_in_dim3A_1415 : vector<16xi1>, vector<16xi32>
        %min3A_1417 = arith.minsi %scan3A_1405, %select_n3A_1416 : vector<16xi32>
        scf.yield %min3A_1417 : vector<16xi32>
      }
      %scan3A_1049 = arith.constant 128 : i32
      %xor3A_1050 = arith.constant 1 : i32
      %xor3A_1051 = vector.broadcast %xor3A_1050 : i32 to vector<16xi32>
      %xor3A_1052 = arith.xori %iota3A, %xor3A_1051 : vector<16xi32>
      %lt3A_1053 = arith.constant 0 : i32
      %lt3A_1054 = vector.broadcast %lt3A_1053 : i32 to vector<16xi32>
      %lt3A_1055 = arith.cmpi slt, %xor3A_1052, %lt3A_1054 : vector<16xi32>
      %add3A_1056 = arith.constant 16 : i32
      %add3A_1057 = vector.broadcast %add3A_1056 : i32 to vector<16xi32>
      %add3A_1058 = arith.addi %xor3A_1052, %add3A_1057 : vector<16xi32>
      %select_n3A_1059 = arith.select %lt3A_1055, %add3A_1058, %xor3A_1052 : vector<16xi1>, vector<16xi32>
      %broadcast_in_dim3A_1060 = vector.shape_cast %select_n3A_1059 : vector<16xi32> to vector<16x1xi32>
      %gather3A_1061 = vector.shape_cast %broadcast_in_dim3A_1060 : vector<16x1xi32> to vector<16xi32>
      %gather3A_1062 = tpu.dynamic_gather %scan3A_1048[%gather3A_1061] in [0] : vector<16xi32>, vector<16xi32> -> vector<16xi32>
      %min3A_1063 = arith.minsi %scan3A_1048, %gather3A_1062 : vector<16xi32>
      %xor3A_1064 = arith.constant 2 : i32
      %xor3A_1065 = vector.broadcast %xor3A_1064 : i32 to vector<16xi32>
      %xor3A_1066 = arith.xori %iota3A, %xor3A_1065 : vector<16xi32>
      %lt3A_1067 = arith.constant 0 : i32
      %lt3A_1068 = vector.broadcast %lt3A_1067 : i32 to vector<16xi32>
      %lt3A_1069 = arith.cmpi slt, %xor3A_1066, %lt3A_1068 : vector<16xi32>
      %add3A_1070 = arith.constant 16 : i32
      %add3A_1071 = vector.broadcast %add3A_1070 : i32 to vector<16xi32>
      %add3A_1072 = arith.addi %xor3A_1066, %add3A_1071 : vector<16xi32>
      %select_n3A_1073 = arith.select %lt3A_1069, %add3A_1072, %xor3A_1066 : vector<16xi1>, vector<16xi32>
      %broadcast_in_dim3A_1074 = vector.shape_cast %select_n3A_1073 : vector<16xi32> to vector<16x1xi32>
      %gather3A_1075 = vector.shape_cast %broadcast_in_dim3A_1074 : vector<16x1xi32> to vector<16xi32>
      %gather3A_1076 = tpu.dynamic_gather %min3A_1063[%gather3A_1075] in [0] : vector<16xi32>, vector<16xi32> -> vector<16xi32>
      %min3A_1077 = arith.minsi %min3A_1063, %gather3A_1076 : vector<16xi32>
      %xor3A_1078 = arith.constant 4 : i32
      %xor3A_1079 = vector.broadcast %xor3A_1078 : i32 to vector<16xi32>
      %xor3A_1080 = arith.xori %iota3A, %xor3A_1079 : vector<16xi32>
      %lt3A_1081 = arith.constant 0 : i32
      %lt3A_1082 = vector.broadcast %lt3A_1081 : i32 to vector<16xi32>
      %lt3A_1083 = arith.cmpi slt, %xor3A_1080, %lt3A_1082 : vector<16xi32>
      %add3A_1084 = arith.constant 16 : i32
      %add3A_1085 = vector.broadcast %add3A_1084 : i32 to vector<16xi32>
      %add3A_1086 = arith.addi %xor3A_1080, %add3A_1085 : vector<16xi32>
      %select_n3A_1087 = arith.select %lt3A_1083, %add3A_1086, %xor3A_1080 : vector<16xi1>, vector<16xi32>
      %broadcast_in_dim3A_1088 = vector.shape_cast %select_n3A_1087 : vector<16xi32> to vector<16x1xi32>
      %gather3A_1089 = vector.shape_cast %broadcast_in_dim3A_1088 : vector<16x1xi32> to vector<16xi32>
      %gather3A_1090 = tpu.dynamic_gather %min3A_1077[%gather3A_1089] in [0] : vector<16xi32>, vector<16xi32> -> vector<16xi32>
      %min3A_1091 = arith.minsi %min3A_1077, %gather3A_1090 : vector<16xi32>
      %xor3A_1092 = arith.constant 8 : i32
      %xor3A_1093 = vector.broadcast %xor3A_1092 : i32 to vector<16xi32>
      %xor3A_1094 = arith.xori %iota3A, %xor3A_1093 : vector<16xi32>
      %lt3A_1095 = arith.constant 0 : i32
      %lt3A_1096 = vector.broadcast %lt3A_1095 : i32 to vector<16xi32>
      %lt3A_1097 = arith.cmpi slt, %xor3A_1094, %lt3A_1096 : vector<16xi32>
      %add3A_1098 = arith.constant 16 : i32
      %add3A_1099 = vector.broadcast %add3A_1098 : i32 to vector<16xi32>
      %add3A_1100 = arith.addi %xor3A_1094, %add3A_1099 : vector<16xi32>
      %select_n3A_1101 = arith.select %lt3A_1097, %add3A_1100, %xor3A_1094 : vector<16xi1>, vector<16xi32>
      %broadcast_in_dim3A_1102 = vector.shape_cast %select_n3A_1101 : vector<16xi32> to vector<16x1xi32>
      %gather3A_1103 = vector.shape_cast %broadcast_in_dim3A_1102 : vector<16x1xi32> to vector<16xi32>
      %gather3A_1104 = tpu.dynamic_gather %min3A_1091[%gather3A_1103] in [0] : vector<16xi32>, vector<16xi32> -> vector<16xi32>
      %min3A_1105 = arith.minsi %min3A_1091, %gather3A_1104 : vector<16xi32>
      %scan3A_1106 = arith.constant 0 : i32
      %scan3A_1107 = arith.constant -3.000000e+38 : f32
      %scan3A_1108 = arith.constant 0 : i32
      %scan3A_1109 = arith.constant 128 : i32
      %scan3A_1110 = arith.addi %scan3A_1108, %scan3A_1109 : i32
      %scan3A_1111 = arith.constant 1 : i32
      scf.for %scan3A_1404 = %scan3A_1108 to %scan3A_1110 step %scan3A_1111  : i32 {
        %mul3A_1405 = arith.constant 16 : i32
        %mul3A_1406 = arith.muli %scan3A_1404, %mul3A_1405 : i32
        %get3A = arith.index_cast %mul3A_1406 : i32 to index
        %get3A_1407 = tpu.vector_load %arg5[%get3A] {strides = array<i32>} : memref<2048xf32, #tpu.memory_space<vmem>>, vector<16xf32>,
        %get3A_1408 = vector.shape_cast %get3A_1407 : vector<16xf32> to vector<16xf32>
        %mul3A_1409 = arith.constant 16 : i32
        %mul3A_1410 = arith.muli %scan3A_1404, %mul3A_1409 : i32
        %add3A_1411 = vector.broadcast %mul3A_1410 : i32 to vector<16xi32>
        %add3A_1412 = arith.addi %iota3A, %add3A_1411 : vector<16xi32>
        %eq3A_1413 = arith.cmpi eq, %add3A_1412, %min3A_1105 : vector<16xi32>
        %broadcast_in_dim3A_1414 = vector.broadcast %scan3A_1107 : f32 to vector<16xf32>
        %select_n3A_1415 = arith.select %eq3A_1413, %broadcast_in_dim3A_1414, %get3A_1408 : vector<16xi1>, vector<16xf32>
        %mul3A_1416 = arith.constant 16 : i32
        %mul3A_1417 = arith.muli %scan3A_1404, %mul3A_1416 : i32
        %swap3A_1418 = arith.index_cast %mul3A_1417 : i32 to index
        %swap3A_1419 = tpu.vector_load %arg5[%swap3A_1418] {strides = array<i32>} : memref<2048xf32, #tpu.memory_space<vmem>>, vector<16xf32>,
        %swap3A_1420 = vector.shape_cast %swap3A_1419 : vector<16xf32> to vector<16xf32>
        %swap3A_1421 = vector.shape_cast %select_n3A_1415 : vector<16xf32> to vector<16xf32>
        tpu.vector_store %arg5[%swap3A_1418], %swap3A_1421 {strides = array<i32>} : memref<2048xf32, #tpu.memory_space<vmem>>, vector<16xf32>,
      }
      %scan3A_1112 = arith.constant 128 : i32
      %eq3A_1113 = arith.constant 7 : i32
      %eq3A_1114 = vector.broadcast %eq3A_1113 : i32 to vector<16xi32>
      %eq3A_1115 = arith.cmpi eq, %iota3A, %eq3A_1114 : vector<16xi32>
      %select_n3A_1116 = arith.select %eq3A_1115, %min3A_1105, %select_n3A_976 : vector<16xi1>, vector<16xi32>
      %broadcast_in_dim3A_1117 = arith.constant -3.000000e+38 : f32
      %broadcast_in_dim3A_1118 = vector.broadcast %broadcast_in_dim3A_1117 : f32 to vector<16xf32>
      %scan3A_1119 = arith.constant 0 : i32
      %scan3A_1120 = arith.constant 128 : i32
      %scan3A_1121 = arith.addi %scan3A_1119, %scan3A_1120 : i32
      %scan3A_1122 = arith.constant 1 : i32
      %scan3A_1123 = scf.for %scan3A_1404 = %scan3A_1119 to %scan3A_1121 step %scan3A_1122 iter_args(%scan3A_1405 = %broadcast_in_dim3A_1118) -> (vector<16xf32>)  : i32 {
        %mul3A_1406 = arith.constant 16 : i32
        %mul3A_1407 = arith.muli %scan3A_1404, %mul3A_1406 : i32
        %get3A = arith.index_cast %mul3A_1407 : i32 to index
        %get3A_1408 = tpu.vector_load %arg5[%get3A] {strides = array<i32>} : memref<2048xf32, #tpu.memory_space<vmem>>, vector<16xf32>,
        %get3A_1409 = vector.shape_cast %get3A_1408 : vector<16xf32> to vector<16xf32>
        %max3A_1410 = arith.maximumf %scan3A_1405, %get3A_1409 : vector<16xf32>
        scf.yield %max3A_1410 : vector<16xf32>
      }
      %scan3A_1124 = arith.constant 128 : i32
      %xor3A_1125 = arith.constant 1 : i32
      %xor3A_1126 = vector.broadcast %xor3A_1125 : i32 to vector<16xi32>
      %xor3A_1127 = arith.xori %iota3A, %xor3A_1126 : vector<16xi32>
      %lt3A_1128 = arith.constant 0 : i32
      %lt3A_1129 = vector.broadcast %lt3A_1128 : i32 to vector<16xi32>
      %lt3A_1130 = arith.cmpi slt, %xor3A_1127, %lt3A_1129 : vector<16xi32>
      %add3A_1131 = arith.constant 16 : i32
      %add3A_1132 = vector.broadcast %add3A_1131 : i32 to vector<16xi32>
      %add3A_1133 = arith.addi %xor3A_1127, %add3A_1132 : vector<16xi32>
      %select_n3A_1134 = arith.select %lt3A_1130, %add3A_1133, %xor3A_1127 : vector<16xi1>, vector<16xi32>
      %broadcast_in_dim3A_1135 = vector.shape_cast %select_n3A_1134 : vector<16xi32> to vector<16x1xi32>
      %gather3A_1136 = vector.shape_cast %broadcast_in_dim3A_1135 : vector<16x1xi32> to vector<16xi32>
      %gather3A_1137 = tpu.dynamic_gather %scan3A_1123[%gather3A_1136] in [0] : vector<16xf32>, vector<16xi32> -> vector<16xf32>
      %max3A_1138 = arith.maximumf %scan3A_1123, %gather3A_1137 : vector<16xf32>
      %xor3A_1139 = arith.constant 2 : i32
      %xor3A_1140 = vector.broadcast %xor3A_1139 : i32 to vector<16xi32>
      %xor3A_1141 = arith.xori %iota3A, %xor3A_1140 : vector<16xi32>
      %lt3A_1142 = arith.constant 0 : i32
      %lt3A_1143 = vector.broadcast %lt3A_1142 : i32 to vector<16xi32>
      %lt3A_1144 = arith.cmpi slt, %xor3A_1141, %lt3A_1143 : vector<16xi32>
      %add3A_1145 = arith.constant 16 : i32
      %add3A_1146 = vector.broadcast %add3A_1145 : i32 to vector<16xi32>
      %add3A_1147 = arith.addi %xor3A_1141, %add3A_1146 : vector<16xi32>
      %select_n3A_1148 = arith.select %lt3A_1144, %add3A_1147, %xor3A_1141 : vector<16xi1>, vector<16xi32>
      %broadcast_in_dim3A_1149 = vector.shape_cast %select_n3A_1148 : vector<16xi32> to vector<16x1xi32>
      %gather3A_1150 = vector.shape_cast %broadcast_in_dim3A_1149 : vector<16x1xi32> to vector<16xi32>
      %gather3A_1151 = tpu.dynamic_gather %max3A_1138[%gather3A_1150] in [0] : vector<16xf32>, vector<16xi32> -> vector<16xf32>
      %max3A_1152 = arith.maximumf %max3A_1138, %gather3A_1151 : vector<16xf32>
      %xor3A_1153 = arith.constant 4 : i32
      %xor3A_1154 = vector.broadcast %xor3A_1153 : i32 to vector<16xi32>
      %xor3A_1155 = arith.xori %iota3A, %xor3A_1154 : vector<16xi32>
      %lt3A_1156 = arith.constant 0 : i32
      %lt3A_1157 = vector.broadcast %lt3A_1156 : i32 to vector<16xi32>
      %lt3A_1158 = arith.cmpi slt, %xor3A_1155, %lt3A_1157 : vector<16xi32>
      %add3A_1159 = arith.constant 16 : i32
      %add3A_1160 = vector.broadcast %add3A_1159 : i32 to vector<16xi32>
      %add3A_1161 = arith.addi %xor3A_1155, %add3A_1160 : vector<16xi32>
      %select_n3A_1162 = arith.select %lt3A_1158, %add3A_1161, %xor3A_1155 : vector<16xi1>, vector<16xi32>
      %broadcast_in_dim3A_1163 = vector.shape_cast %select_n3A_1162 : vector<16xi32> to vector<16x1xi32>
      %gather3A_1164 = vector.shape_cast %broadcast_in_dim3A_1163 : vector<16x1xi32> to vector<16xi32>
      %gather3A_1165 = tpu.dynamic_gather %max3A_1152[%gather3A_1164] in [0] : vector<16xf32>, vector<16xi32> -> vector<16xf32>
      %max3A_1166 = arith.maximumf %max3A_1152, %gather3A_1165 : vector<16xf32>
      %xor3A_1167 = arith.constant 8 : i32
      %xor3A_1168 = vector.broadcast %xor3A_1167 : i32 to vector<16xi32>
      %xor3A_1169 = arith.xori %iota3A, %xor3A_1168 : vector<16xi32>
      %lt3A_1170 = arith.constant 0 : i32
      %lt3A_1171 = vector.broadcast %lt3A_1170 : i32 to vector<16xi32>
      %lt3A_1172 = arith.cmpi slt, %xor3A_1169, %lt3A_1171 : vector<16xi32>
      %add3A_1173 = arith.constant 16 : i32
      %add3A_1174 = vector.broadcast %add3A_1173 : i32 to vector<16xi32>
      %add3A_1175 = arith.addi %xor3A_1169, %add3A_1174 : vector<16xi32>
      %select_n3A_1176 = arith.select %lt3A_1172, %add3A_1175, %xor3A_1169 : vector<16xi1>, vector<16xi32>
      %broadcast_in_dim3A_1177 = vector.shape_cast %select_n3A_1176 : vector<16xi32> to vector<16x1xi32>
      %gather3A_1178 = vector.shape_cast %broadcast_in_dim3A_1177 : vector<16x1xi32> to vector<16xi32>
      %gather3A_1179 = tpu.dynamic_gather %max3A_1166[%gather3A_1178] in [0] : vector<16xf32>, vector<16xi32> -> vector<16xf32>
      %max3A_1180 = arith.maximumf %max3A_1166, %gather3A_1179 : vector<16xf32>
      %broadcast_in_dim3A_1181 = arith.constant 1073741824 : i32
      %broadcast_in_dim3A_1182 = vector.broadcast %broadcast_in_dim3A_1181 : i32 to vector<16xi32>
      %scan3A_1183 = arith.constant 1073741824 : i32
      %scan3A_1184 = arith.constant 0 : i32
      %scan3A_1185 = arith.constant 128 : i32
      %scan3A_1186 = arith.addi %scan3A_1184, %scan3A_1185 : i32
      %scan3A_1187 = arith.constant 1 : i32
      %scan3A_1188 = scf.for %scan3A_1404 = %scan3A_1184 to %scan3A_1186 step %scan3A_1187 iter_args(%scan3A_1405 = %broadcast_in_dim3A_1182) -> (vector<16xi32>)  : i32 {
        %mul3A_1406 = arith.constant 16 : i32
        %mul3A_1407 = arith.muli %scan3A_1404, %mul3A_1406 : i32
        %get3A = arith.index_cast %mul3A_1407 : i32 to index
        %get3A_1408 = tpu.vector_load %arg5[%get3A] {strides = array<i32>} : memref<2048xf32, #tpu.memory_space<vmem>>, vector<16xf32>,
        %get3A_1409 = vector.shape_cast %get3A_1408 : vector<16xf32> to vector<16xf32>
        %eq3A_1410 = arith.cmpf oeq, %get3A_1409, %max3A_1180 : vector<16xf32>
        %mul3A_1411 = arith.constant 16 : i32
        %mul3A_1412 = arith.muli %scan3A_1404, %mul3A_1411 : i32
        %add3A_1413 = vector.broadcast %mul3A_1412 : i32 to vector<16xi32>
        %add3A_1414 = arith.addi %iota3A, %add3A_1413 : vector<16xi32>
        %broadcast_in_dim3A_1415 = vector.broadcast %scan3A_1183 : i32 to vector<16xi32>
        %select_n3A_1416 = arith.select %eq3A_1410, %add3A_1414, %broadcast_in_dim3A_1415 : vector<16xi1>, vector<16xi32>
        %min3A_1417 = arith.minsi %scan3A_1405, %select_n3A_1416 : vector<16xi32>
        scf.yield %min3A_1417 : vector<16xi32>
      }
      %scan3A_1189 = arith.constant 128 : i32
      %xor3A_1190 = arith.constant 1 : i32
      %xor3A_1191 = vector.broadcast %xor3A_1190 : i32 to vector<16xi32>
      %xor3A_1192 = arith.xori %iota3A, %xor3A_1191 : vector<16xi32>
      %lt3A_1193 = arith.constant 0 : i32
      %lt3A_1194 = vector.broadcast %lt3A_1193 : i32 to vector<16xi32>
      %lt3A_1195 = arith.cmpi slt, %xor3A_1192, %lt3A_1194 : vector<16xi32>
      %add3A_1196 = arith.constant 16 : i32
      %add3A_1197 = vector.broadcast %add3A_1196 : i32 to vector<16xi32>
      %add3A_1198 = arith.addi %xor3A_1192, %add3A_1197 : vector<16xi32>
      %select_n3A_1199 = arith.select %lt3A_1195, %add3A_1198, %xor3A_1192 : vector<16xi1>, vector<16xi32>
      %broadcast_in_dim3A_1200 = vector.shape_cast %select_n3A_1199 : vector<16xi32> to vector<16x1xi32>
      %gather3A_1201 = vector.shape_cast %broadcast_in_dim3A_1200 : vector<16x1xi32> to vector<16xi32>
      %gather3A_1202 = tpu.dynamic_gather %scan3A_1188[%gather3A_1201] in [0] : vector<16xi32>, vector<16xi32> -> vector<16xi32>
      %min3A_1203 = arith.minsi %scan3A_1188, %gather3A_1202 : vector<16xi32>
      %xor3A_1204 = arith.constant 2 : i32
      %xor3A_1205 = vector.broadcast %xor3A_1204 : i32 to vector<16xi32>
      %xor3A_1206 = arith.xori %iota3A, %xor3A_1205 : vector<16xi32>
      %lt3A_1207 = arith.constant 0 : i32
      %lt3A_1208 = vector.broadcast %lt3A_1207 : i32 to vector<16xi32>
      %lt3A_1209 = arith.cmpi slt, %xor3A_1206, %lt3A_1208 : vector<16xi32>
      %add3A_1210 = arith.constant 16 : i32
      %add3A_1211 = vector.broadcast %add3A_1210 : i32 to vector<16xi32>
      %add3A_1212 = arith.addi %xor3A_1206, %add3A_1211 : vector<16xi32>
      %select_n3A_1213 = arith.select %lt3A_1209, %add3A_1212, %xor3A_1206 : vector<16xi1>, vector<16xi32>
      %broadcast_in_dim3A_1214 = vector.shape_cast %select_n3A_1213 : vector<16xi32> to vector<16x1xi32>
      %gather3A_1215 = vector.shape_cast %broadcast_in_dim3A_1214 : vector<16x1xi32> to vector<16xi32>
      %gather3A_1216 = tpu.dynamic_gather %min3A_1203[%gather3A_1215] in [0] : vector<16xi32>, vector<16xi32> -> vector<16xi32>
      %min3A_1217 = arith.minsi %min3A_1203, %gather3A_1216 : vector<16xi32>
      %xor3A_1218 = arith.constant 4 : i32
      %xor3A_1219 = vector.broadcast %xor3A_1218 : i32 to vector<16xi32>
      %xor3A_1220 = arith.xori %iota3A, %xor3A_1219 : vector<16xi32>
      %lt3A_1221 = arith.constant 0 : i32
      %lt3A_1222 = vector.broadcast %lt3A_1221 : i32 to vector<16xi32>
      %lt3A_1223 = arith.cmpi slt, %xor3A_1220, %lt3A_1222 : vector<16xi32>
      %add3A_1224 = arith.constant 16 : i32
      %add3A_1225 = vector.broadcast %add3A_1224 : i32 to vector<16xi32>
      %add3A_1226 = arith.addi %xor3A_1220, %add3A_1225 : vector<16xi32>
      %select_n3A_1227 = arith.select %lt3A_1223, %add3A_1226, %xor3A_1220 : vector<16xi1>, vector<16xi32>
      %broadcast_in_dim3A_1228 = vector.shape_cast %select_n3A_1227 : vector<16xi32> to vector<16x1xi32>
      %gather3A_1229 = vector.shape_cast %broadcast_in_dim3A_1228 : vector<16x1xi32> to vector<16xi32>
      %gather3A_1230 = tpu.dynamic_gather %min3A_1217[%gather3A_1229] in [0] : vector<16xi32>, vector<16xi32> -> vector<16xi32>
      %min3A_1231 = arith.minsi %min3A_1217, %gather3A_1230 : vector<16xi32>
      %xor3A_1232 = arith.constant 8 : i32
      %xor3A_1233 = vector.broadcast %xor3A_1232 : i32 to vector<16xi32>
      %xor3A_1234 = arith.xori %iota3A, %xor3A_1233 : vector<16xi32>
      %lt3A_1235 = arith.constant 0 : i32
      %lt3A_1236 = vector.broadcast %lt3A_1235 : i32 to vector<16xi32>
      %lt3A_1237 = arith.cmpi slt, %xor3A_1234, %lt3A_1236 : vector<16xi32>
      %add3A_1238 = arith.constant 16 : i32
      %add3A_1239 = vector.broadcast %add3A_1238 : i32 to vector<16xi32>
      %add3A_1240 = arith.addi %xor3A_1234, %add3A_1239 : vector<16xi32>
      %select_n3A_1241 = arith.select %lt3A_1237, %add3A_1240, %xor3A_1234 : vector<16xi1>, vector<16xi32>
      %broadcast_in_dim3A_1242 = vector.shape_cast %select_n3A_1241 : vector<16xi32> to vector<16x1xi32>
      %gather3A_1243 = vector.shape_cast %broadcast_in_dim3A_1242 : vector<16x1xi32> to vector<16xi32>
      %gather3A_1244 = tpu.dynamic_gather %min3A_1231[%gather3A_1243] in [0] : vector<16xi32>, vector<16xi32> -> vector<16xi32>
      %min3A_1245 = arith.minsi %min3A_1231, %gather3A_1244 : vector<16xi32>
      %scan3A_1246 = arith.constant 0 : i32
      %scan3A_1247 = arith.constant -3.000000e+38 : f32
      %scan3A_1248 = arith.constant 0 : i32
      %scan3A_1249 = arith.constant 128 : i32
      %scan3A_1250 = arith.addi %scan3A_1248, %scan3A_1249 : i32
      %scan3A_1251 = arith.constant 1 : i32
      scf.for %scan3A_1404 = %scan3A_1248 to %scan3A_1250 step %scan3A_1251  : i32 {
        %mul3A_1405 = arith.constant 16 : i32
        %mul3A_1406 = arith.muli %scan3A_1404, %mul3A_1405 : i32
        %get3A = arith.index_cast %mul3A_1406 : i32 to index
        %get3A_1407 = tpu.vector_load %arg5[%get3A] {strides = array<i32>} : memref<2048xf32, #tpu.memory_space<vmem>>, vector<16xf32>,
        %get3A_1408 = vector.shape_cast %get3A_1407 : vector<16xf32> to vector<16xf32>
        %mul3A_1409 = arith.constant 16 : i32
        %mul3A_1410 = arith.muli %scan3A_1404, %mul3A_1409 : i32
        %add3A_1411 = vector.broadcast %mul3A_1410 : i32 to vector<16xi32>
        %add3A_1412 = arith.addi %iota3A, %add3A_1411 : vector<16xi32>
        %eq3A_1413 = arith.cmpi eq, %add3A_1412, %min3A_1245 : vector<16xi32>
        %broadcast_in_dim3A_1414 = vector.broadcast %scan3A_1247 : f32 to vector<16xf32>
        %select_n3A_1415 = arith.select %eq3A_1413, %broadcast_in_dim3A_1414, %get3A_1408 : vector<16xi1>, vector<16xf32>
        %mul3A_1416 = arith.constant 16 : i32
        %mul3A_1417 = arith.muli %scan3A_1404, %mul3A_1416 : i32
        %swap3A_1418 = arith.index_cast %mul3A_1417 : i32 to index
        %swap3A_1419 = tpu.vector_load %arg5[%swap3A_1418] {strides = array<i32>} : memref<2048xf32, #tpu.memory_space<vmem>>, vector<16xf32>,
        %swap3A_1420 = vector.shape_cast %swap3A_1419 : vector<16xf32> to vector<16xf32>
        %swap3A_1421 = vector.shape_cast %select_n3A_1415 : vector<16xf32> to vector<16xf32>
        tpu.vector_store %arg5[%swap3A_1418], %swap3A_1421 {strides = array<i32>} : memref<2048xf32, #tpu.memory_space<vmem>>, vector<16xf32>,
      }
      %scan3A_1252 = arith.constant 128 : i32
      %eq3A_1253 = arith.constant 8 : i32
      %eq3A_1254 = vector.broadcast %eq3A_1253 : i32 to vector<16xi32>
      %eq3A_1255 = arith.cmpi eq, %iota3A, %eq3A_1254 : vector<16xi32>
      %select_n3A_1256 = arith.select %eq3A_1255, %min3A_1245, %select_n3A_1116 : vector<16xi1>, vector<16xi32>
      %broadcast_in_dim3A_1257 = arith.constant -3.000000e+38 : f32
      %broadcast_in_dim3A_1258 = vector.broadcast %broadcast_in_dim3A_1257 : f32 to vector<16xf32>
      %scan3A_1259 = arith.constant 0 : i32
      %scan3A_1260 = arith.constant 128 : i32
      %scan3A_1261 = arith.addi %scan3A_1259, %scan3A_1260 : i32
      %scan3A_1262 = arith.constant 1 : i32
      %scan3A_1263 = scf.for %scan3A_1404 = %scan3A_1259 to %scan3A_1261 step %scan3A_1262 iter_args(%scan3A_1405 = %broadcast_in_dim3A_1258) -> (vector<16xf32>)  : i32 {
        %mul3A_1406 = arith.constant 16 : i32
        %mul3A_1407 = arith.muli %scan3A_1404, %mul3A_1406 : i32
        %get3A = arith.index_cast %mul3A_1407 : i32 to index
        %get3A_1408 = tpu.vector_load %arg5[%get3A] {strides = array<i32>} : memref<2048xf32, #tpu.memory_space<vmem>>, vector<16xf32>,
        %get3A_1409 = vector.shape_cast %get3A_1408 : vector<16xf32> to vector<16xf32>
        %max3A_1410 = arith.maximumf %scan3A_1405, %get3A_1409 : vector<16xf32>
        scf.yield %max3A_1410 : vector<16xf32>
      }
      %scan3A_1264 = arith.constant 128 : i32
      %xor3A_1265 = arith.constant 1 : i32
      %xor3A_1266 = vector.broadcast %xor3A_1265 : i32 to vector<16xi32>
      %xor3A_1267 = arith.xori %iota3A, %xor3A_1266 : vector<16xi32>
      %lt3A_1268 = arith.constant 0 : i32
      %lt3A_1269 = vector.broadcast %lt3A_1268 : i32 to vector<16xi32>
      %lt3A_1270 = arith.cmpi slt, %xor3A_1267, %lt3A_1269 : vector<16xi32>
      %add3A_1271 = arith.constant 16 : i32
      %add3A_1272 = vector.broadcast %add3A_1271 : i32 to vector<16xi32>
      %add3A_1273 = arith.addi %xor3A_1267, %add3A_1272 : vector<16xi32>
      %select_n3A_1274 = arith.select %lt3A_1270, %add3A_1273, %xor3A_1267 : vector<16xi1>, vector<16xi32>
      %broadcast_in_dim3A_1275 = vector.shape_cast %select_n3A_1274 : vector<16xi32> to vector<16x1xi32>
      %gather3A_1276 = vector.shape_cast %broadcast_in_dim3A_1275 : vector<16x1xi32> to vector<16xi32>
      %gather3A_1277 = tpu.dynamic_gather %scan3A_1263[%gather3A_1276] in [0] : vector<16xf32>, vector<16xi32> -> vector<16xf32>
      %max3A_1278 = arith.maximumf %scan3A_1263, %gather3A_1277 : vector<16xf32>
      %xor3A_1279 = arith.constant 2 : i32
      %xor3A_1280 = vector.broadcast %xor3A_1279 : i32 to vector<16xi32>
      %xor3A_1281 = arith.xori %iota3A, %xor3A_1280 : vector<16xi32>
      %lt3A_1282 = arith.constant 0 : i32
      %lt3A_1283 = vector.broadcast %lt3A_1282 : i32 to vector<16xi32>
      %lt3A_1284 = arith.cmpi slt, %xor3A_1281, %lt3A_1283 : vector<16xi32>
      %add3A_1285 = arith.constant 16 : i32
      %add3A_1286 = vector.broadcast %add3A_1285 : i32 to vector<16xi32>
      %add3A_1287 = arith.addi %xor3A_1281, %add3A_1286 : vector<16xi32>
      %select_n3A_1288 = arith.select %lt3A_1284, %add3A_1287, %xor3A_1281 : vector<16xi1>, vector<16xi32>
      %broadcast_in_dim3A_1289 = vector.shape_cast %select_n3A_1288 : vector<16xi32> to vector<16x1xi32>
      %gather3A_1290 = vector.shape_cast %broadcast_in_dim3A_1289 : vector<16x1xi32> to vector<16xi32>
      %gather3A_1291 = tpu.dynamic_gather %max3A_1278[%gather3A_1290] in [0] : vector<16xf32>, vector<16xi32> -> vector<16xf32>
      %max3A_1292 = arith.maximumf %max3A_1278, %gather3A_1291 : vector<16xf32>
      %xor3A_1293 = arith.constant 4 : i32
      %xor3A_1294 = vector.broadcast %xor3A_1293 : i32 to vector<16xi32>
      %xor3A_1295 = arith.xori %iota3A, %xor3A_1294 : vector<16xi32>
      %lt3A_1296 = arith.constant 0 : i32
      %lt3A_1297 = vector.broadcast %lt3A_1296 : i32 to vector<16xi32>
      %lt3A_1298 = arith.cmpi slt, %xor3A_1295, %lt3A_1297 : vector<16xi32>
      %add3A_1299 = arith.constant 16 : i32
      %add3A_1300 = vector.broadcast %add3A_1299 : i32 to vector<16xi32>
      %add3A_1301 = arith.addi %xor3A_1295, %add3A_1300 : vector<16xi32>
      %select_n3A_1302 = arith.select %lt3A_1298, %add3A_1301, %xor3A_1295 : vector<16xi1>, vector<16xi32>
      %broadcast_in_dim3A_1303 = vector.shape_cast %select_n3A_1302 : vector<16xi32> to vector<16x1xi32>
      %gather3A_1304 = vector.shape_cast %broadcast_in_dim3A_1303 : vector<16x1xi32> to vector<16xi32>
      %gather3A_1305 = tpu.dynamic_gather %max3A_1292[%gather3A_1304] in [0] : vector<16xf32>, vector<16xi32> -> vector<16xf32>
      %max3A_1306 = arith.maximumf %max3A_1292, %gather3A_1305 : vector<16xf32>
      %xor3A_1307 = arith.constant 8 : i32
      %xor3A_1308 = vector.broadcast %xor3A_1307 : i32 to vector<16xi32>
      %xor3A_1309 = arith.xori %iota3A, %xor3A_1308 : vector<16xi32>
      %lt3A_1310 = arith.constant 0 : i32
      %lt3A_1311 = vector.broadcast %lt3A_1310 : i32 to vector<16xi32>
      %lt3A_1312 = arith.cmpi slt, %xor3A_1309, %lt3A_1311 : vector<16xi32>
      %add3A_1313 = arith.constant 16 : i32
      %add3A_1314 = vector.broadcast %add3A_1313 : i32 to vector<16xi32>
      %add3A_1315 = arith.addi %xor3A_1309, %add3A_1314 : vector<16xi32>
      %select_n3A_1316 = arith.select %lt3A_1312, %add3A_1315, %xor3A_1309 : vector<16xi1>, vector<16xi32>
      %broadcast_in_dim3A_1317 = vector.shape_cast %select_n3A_1316 : vector<16xi32> to vector<16x1xi32>
      %gather3A_1318 = vector.shape_cast %broadcast_in_dim3A_1317 : vector<16x1xi32> to vector<16xi32>
      %gather3A_1319 = tpu.dynamic_gather %max3A_1306[%gather3A_1318] in [0] : vector<16xf32>, vector<16xi32> -> vector<16xf32>
      %max3A_1320 = arith.maximumf %max3A_1306, %gather3A_1319 : vector<16xf32>
      %broadcast_in_dim3A_1321 = arith.constant 1073741824 : i32
      %broadcast_in_dim3A_1322 = vector.broadcast %broadcast_in_dim3A_1321 : i32 to vector<16xi32>
      %scan3A_1323 = arith.constant 1073741824 : i32
      %scan3A_1324 = arith.constant 0 : i32
      %scan3A_1325 = arith.constant 128 : i32
      %scan3A_1326 = arith.addi %scan3A_1324, %scan3A_1325 : i32
      %scan3A_1327 = arith.constant 1 : i32
      %scan3A_1328 = scf.for %scan3A_1404 = %scan3A_1324 to %scan3A_1326 step %scan3A_1327 iter_args(%scan3A_1405 = %broadcast_in_dim3A_1322) -> (vector<16xi32>)  : i32 {
        %mul3A_1406 = arith.constant 16 : i32
        %mul3A_1407 = arith.muli %scan3A_1404, %mul3A_1406 : i32
        %get3A = arith.index_cast %mul3A_1407 : i32 to index
        %get3A_1408 = tpu.vector_load %arg5[%get3A] {strides = array<i32>} : memref<2048xf32, #tpu.memory_space<vmem>>, vector<16xf32>,
        %get3A_1409 = vector.shape_cast %get3A_1408 : vector<16xf32> to vector<16xf32>
        %eq3A_1410 = arith.cmpf oeq, %get3A_1409, %max3A_1320 : vector<16xf32>
        %mul3A_1411 = arith.constant 16 : i32
        %mul3A_1412 = arith.muli %scan3A_1404, %mul3A_1411 : i32
        %add3A_1413 = vector.broadcast %mul3A_1412 : i32 to vector<16xi32>
        %add3A_1414 = arith.addi %iota3A, %add3A_1413 : vector<16xi32>
        %broadcast_in_dim3A_1415 = vector.broadcast %scan3A_1323 : i32 to vector<16xi32>
        %select_n3A_1416 = arith.select %eq3A_1410, %add3A_1414, %broadcast_in_dim3A_1415 : vector<16xi1>, vector<16xi32>
        %min3A_1417 = arith.minsi %scan3A_1405, %select_n3A_1416 : vector<16xi32>
        scf.yield %min3A_1417 : vector<16xi32>
      }
      %scan3A_1329 = arith.constant 128 : i32
      %xor3A_1330 = arith.constant 1 : i32
      %xor3A_1331 = vector.broadcast %xor3A_1330 : i32 to vector<16xi32>
      %xor3A_1332 = arith.xori %iota3A, %xor3A_1331 : vector<16xi32>
      %lt3A_1333 = arith.constant 0 : i32
      %lt3A_1334 = vector.broadcast %lt3A_1333 : i32 to vector<16xi32>
      %lt3A_1335 = arith.cmpi slt, %xor3A_1332, %lt3A_1334 : vector<16xi32>
      %add3A_1336 = arith.constant 16 : i32
      %add3A_1337 = vector.broadcast %add3A_1336 : i32 to vector<16xi32>
      %add3A_1338 = arith.addi %xor3A_1332, %add3A_1337 : vector<16xi32>
      %select_n3A_1339 = arith.select %lt3A_1335, %add3A_1338, %xor3A_1332 : vector<16xi1>, vector<16xi32>
      %broadcast_in_dim3A_1340 = vector.shape_cast %select_n3A_1339 : vector<16xi32> to vector<16x1xi32>
      %gather3A_1341 = vector.shape_cast %broadcast_in_dim3A_1340 : vector<16x1xi32> to vector<16xi32>
      %gather3A_1342 = tpu.dynamic_gather %scan3A_1328[%gather3A_1341] in [0] : vector<16xi32>, vector<16xi32> -> vector<16xi32>
      %min3A_1343 = arith.minsi %scan3A_1328, %gather3A_1342 : vector<16xi32>
      %xor3A_1344 = arith.constant 2 : i32
      %xor3A_1345 = vector.broadcast %xor3A_1344 : i32 to vector<16xi32>
      %xor3A_1346 = arith.xori %iota3A, %xor3A_1345 : vector<16xi32>
      %lt3A_1347 = arith.constant 0 : i32
      %lt3A_1348 = vector.broadcast %lt3A_1347 : i32 to vector<16xi32>
      %lt3A_1349 = arith.cmpi slt, %xor3A_1346, %lt3A_1348 : vector<16xi32>
      %add3A_1350 = arith.constant 16 : i32
      %add3A_1351 = vector.broadcast %add3A_1350 : i32 to vector<16xi32>
      %add3A_1352 = arith.addi %xor3A_1346, %add3A_1351 : vector<16xi32>
      %select_n3A_1353 = arith.select %lt3A_1349, %add3A_1352, %xor3A_1346 : vector<16xi1>, vector<16xi32>
      %broadcast_in_dim3A_1354 = vector.shape_cast %select_n3A_1353 : vector<16xi32> to vector<16x1xi32>
      %gather3A_1355 = vector.shape_cast %broadcast_in_dim3A_1354 : vector<16x1xi32> to vector<16xi32>
      %gather3A_1356 = tpu.dynamic_gather %min3A_1343[%gather3A_1355] in [0] : vector<16xi32>, vector<16xi32> -> vector<16xi32>
      %min3A_1357 = arith.minsi %min3A_1343, %gather3A_1356 : vector<16xi32>
      %xor3A_1358 = arith.constant 4 : i32
      %xor3A_1359 = vector.broadcast %xor3A_1358 : i32 to vector<16xi32>
      %xor3A_1360 = arith.xori %iota3A, %xor3A_1359 : vector<16xi32>
      %lt3A_1361 = arith.constant 0 : i32
      %lt3A_1362 = vector.broadcast %lt3A_1361 : i32 to vector<16xi32>
      %lt3A_1363 = arith.cmpi slt, %xor3A_1360, %lt3A_1362 : vector<16xi32>
      %add3A_1364 = arith.constant 16 : i32
      %add3A_1365 = vector.broadcast %add3A_1364 : i32 to vector<16xi32>
      %add3A_1366 = arith.addi %xor3A_1360, %add3A_1365 : vector<16xi32>
      %select_n3A_1367 = arith.select %lt3A_1363, %add3A_1366, %xor3A_1360 : vector<16xi1>, vector<16xi32>
      %broadcast_in_dim3A_1368 = vector.shape_cast %select_n3A_1367 : vector<16xi32> to vector<16x1xi32>
      %gather3A_1369 = vector.shape_cast %broadcast_in_dim3A_1368 : vector<16x1xi32> to vector<16xi32>
      %gather3A_1370 = tpu.dynamic_gather %min3A_1357[%gather3A_1369] in [0] : vector<16xi32>, vector<16xi32> -> vector<16xi32>
      %min3A_1371 = arith.minsi %min3A_1357, %gather3A_1370 : vector<16xi32>
      %xor3A_1372 = arith.constant 8 : i32
      %xor3A_1373 = vector.broadcast %xor3A_1372 : i32 to vector<16xi32>
      %xor3A_1374 = arith.xori %iota3A, %xor3A_1373 : vector<16xi32>
      %lt3A_1375 = arith.constant 0 : i32
      %lt3A_1376 = vector.broadcast %lt3A_1375 : i32 to vector<16xi32>
      %lt3A_1377 = arith.cmpi slt, %xor3A_1374, %lt3A_1376 : vector<16xi32>
      %add3A_1378 = arith.constant 16 : i32
      %add3A_1379 = vector.broadcast %add3A_1378 : i32 to vector<16xi32>
      %add3A_1380 = arith.addi %xor3A_1374, %add3A_1379 : vector<16xi32>
      %select_n3A_1381 = arith.select %lt3A_1377, %add3A_1380, %xor3A_1374 : vector<16xi1>, vector<16xi32>
      %broadcast_in_dim3A_1382 = vector.shape_cast %select_n3A_1381 : vector<16xi32> to vector<16x1xi32>
      %gather3A_1383 = vector.shape_cast %broadcast_in_dim3A_1382 : vector<16x1xi32> to vector<16xi32>
      %gather3A_1384 = tpu.dynamic_gather %min3A_1371[%gather3A_1383] in [0] : vector<16xi32>, vector<16xi32> -> vector<16xi32>
      %min3A_1385 = arith.minsi %min3A_1371, %gather3A_1384 : vector<16xi32>
      %scan3A_1386 = arith.constant 0 : i32
      %scan3A_1387 = arith.constant -3.000000e+38 : f32
      %scan3A_1388 = arith.constant 0 : i32
      %scan3A_1389 = arith.constant 128 : i32
      %scan3A_1390 = arith.addi %scan3A_1388, %scan3A_1389 : i32
      %scan3A_1391 = arith.constant 1 : i32
      scf.for %scan3A_1404 = %scan3A_1388 to %scan3A_1390 step %scan3A_1391  : i32 {
        %mul3A_1405 = arith.constant 16 : i32
        %mul3A_1406 = arith.muli %scan3A_1404, %mul3A_1405 : i32
        %get3A = arith.index_cast %mul3A_1406 : i32 to index
        %get3A_1407 = tpu.vector_load %arg5[%get3A] {strides = array<i32>} : memref<2048xf32, #tpu.memory_space<vmem>>, vector<16xf32>,
        %get3A_1408 = vector.shape_cast %get3A_1407 : vector<16xf32> to vector<16xf32>
        %mul3A_1409 = arith.constant 16 : i32
        %mul3A_1410 = arith.muli %scan3A_1404, %mul3A_1409 : i32
        %add3A_1411 = vector.broadcast %mul3A_1410 : i32 to vector<16xi32>
        %add3A_1412 = arith.addi %iota3A, %add3A_1411 : vector<16xi32>
        %eq3A_1413 = arith.cmpi eq, %add3A_1412, %min3A_1385 : vector<16xi32>
        %broadcast_in_dim3A_1414 = vector.broadcast %scan3A_1387 : f32 to vector<16xf32>
        %select_n3A_1415 = arith.select %eq3A_1413, %broadcast_in_dim3A_1414, %get3A_1408 : vector<16xi1>, vector<16xf32>
        %mul3A_1416 = arith.constant 16 : i32
        %mul3A_1417 = arith.muli %scan3A_1404, %mul3A_1416 : i32
        %swap3A_1418 = arith.index_cast %mul3A_1417 : i32 to index
        %swap3A_1419 = tpu.vector_load %arg5[%swap3A_1418] {strides = array<i32>} : memref<2048xf32, #tpu.memory_space<vmem>>, vector<16xf32>,
        %swap3A_1420 = vector.shape_cast %swap3A_1419 : vector<16xf32> to vector<16xf32>
        %swap3A_1421 = vector.shape_cast %select_n3A_1415 : vector<16xf32> to vector<16xf32>
        tpu.vector_store %arg5[%swap3A_1418], %swap3A_1421 {strides = array<i32>} : memref<2048xf32, #tpu.memory_space<vmem>>, vector<16xf32>,
      }
      %scan3A_1392 = arith.constant 128 : i32
      %eq3A_1393 = arith.constant 9 : i32
      %eq3A_1394 = vector.broadcast %eq3A_1393 : i32 to vector<16xi32>
      %eq3A_1395 = arith.cmpi eq, %iota3A, %eq3A_1394 : vector<16xi32>
      %select_n3A_1396 = arith.select %eq3A_1395, %min3A_1385, %select_n3A_1256 : vector<16xi1>, vector<16xi32>
      %swap3A = arith.constant 0 : index
      %swap3A_1397 = tpu.vector_load %arg6[%swap3A] {strides = array<i32>} : memref<16xi32, #tpu.memory_space<vmem>>, vector<16xi32>,
      %swap3A_1398 = vector.shape_cast %swap3A_1397 : vector<16xi32> to vector<16xi32>
      %swap3A_1399 = vector.shape_cast %select_n3A_1396 : vector<16xi32> to vector<16xi32>
      tpu.vector_store %arg6[%swap3A], %swap3A_1399 {strides = array<i32>} : memref<16xi32, #tpu.memory_space<vmem>>, vector<16xi32>,
      %dma_start3A = arith.constant 0 : i32
      %dma_start3A_1400 = arith.constant 0 : i32
      %dma_start3A_1401 = tpu.memref_slice %arg3[%dma_start3A, %dma_start3A_1400] : memref<2048x1024xf32, #tpu.memory_space<hbm>> -> memref<2048x1024xf32, #tpu.memory_space<hbm>>
      tpu.enqueue_indirect_dma source(%dma_start3A_1401 : memref<2048x1024xf32, #tpu.memory_space<hbm>>) target(%arg7 : memref<16x1024xf32, #tpu.memory_space<vmem>>) offsets(%arg6 : memref<16xi32, #tpu.memory_space<vmem>>) semaphore(%arg8 : memref<!tpu.dma_semaphore, #tpu.memory_space<semaphore_mem>>)
      %dma_wait3A = arith.constant 0 : i32
      %dma_wait3A_1402 = arith.constant 0 : i32
      %dma_wait3A_1403 = tpu.memref_slice %arg3[%dma_wait3A, %dma_wait3A_1402] : memref<2048x1024xf32, #tpu.memory_space<hbm>> -> memref<2048x1024xf32, #tpu.memory_space<hbm>>
      tpu.wait_indirect_dma semaphore(%arg8 : memref<!tpu.dma_semaphore, #tpu.memory_space<semaphore_mem>>) src(%dma_wait3A_1403 : memref<2048x1024xf32, #tpu.memory_space<hbm>>) dst(%arg7 : memref<16x1024xf32, #tpu.memory_space<vmem>>)
      "tpu.region"() ({
        %run_scoped3A = tpu.sem_alloc : memref<!tpu.dma_semaphore, #tpu.memory_space<semaphore_mem>>
        tpu.enqueue_dma source(%arg7 : memref<16x1024xf32, #tpu.memory_space<vmem>>) target(%arg4 : memref<16x1024xf32, #tpu.memory_space<hbm>>) target_semaphore(%run_scoped3A : memref<!tpu.dma_semaphore, #tpu.memory_space<semaphore_mem>>)
        tpu.wait_dma2 semaphore(%run_scoped3A : memref<!tpu.dma_semaphore, #tpu.memory_space<semaphore_mem>>) src(%arg7 : memref<16x1024xf32, #tpu.memory_space<vmem>>) dst(%arg4 : memref<16x1024xf32, #tpu.memory_space<hbm>>)
        tpu.yield
      }) : () -> ()
    } else {
    }
    return
  }
}

module attributes {stable_mosaic.version = 14 : i64} {
  func.func @_proj_body(%arg0: i32, %arg1: memref<2048x1024xbf16, #tpu.memory_space<vmem>>, %arg2: memref<1024x512xbf16, #tpu.memory_space<vmem>>, %arg3: memref<1x512xf32, #tpu.memory_space<vmem>>, %arg4: memref<2048x1024xf32, #tpu.memory_space<vmem>>, %arg5: memref<1024x128xf32, #tpu.memory_space<vmem>>, %arg6: memref<1x128xf32, #tpu.memory_space<vmem>>, %arg7: memref<2048x512xbf16, #tpu.memory_space<vmem>>, %arg8: memref<2048x128xf32, #tpu.memory_space<vmem>>, %arg9: memref<8x1024xf32, #tpu.memory_space<vmem>>) attributes {dimension_semantics = [#tpu.dimension_semantics<arbitrary>], iteration_bounds = array<i64: 20>, scalar_prefetch = 0 : i64, scratch_operands = 0 : i64, tpu.core_type = #tpu.core_type<tc>, window_params = [{pipeline_mode = #tpu.pipeline_mode<synchronous>, transform_indices = @transform_0, window_bounds = array<i64: 2048, 1024>}, {transform_indices = @transform_1, window_bounds = array<i64: 1024, 512>}, {transform_indices = @transform_2, window_bounds = array<i64: 1, 512>}, {pipeline_mode = #tpu.pipeline_mode<synchronous>, transform_indices = @transform_3, window_bounds = array<i64: 2048, 1024>}, {pipeline_mode = #tpu.pipeline_mode<synchronous>, transform_indices = @transform_4, window_bounds = array<i64: 1024, 128>}, {pipeline_mode = #tpu.pipeline_mode<synchronous>, transform_indices = @transform_5, window_bounds = array<i64: 1, 128>}, {transform_indices = @transform_6, window_bounds = array<i64: 2048, 512>}, {pipeline_mode = #tpu.pipeline_mode<synchronous>, transform_indices = @transform_7, window_bounds = array<i64: 2048, 128>}, {pipeline_mode = #tpu.pipeline_mode<synchronous>, transform_indices = @transform_8, window_bounds = array<i64: 8, 1024>}]} {
    %get3A = arith.constant 0 : index
    %get3A_0 = arith.constant 0 : index
    %get3A_1 = vector.load %arg1[%get3A, %get3A_0] : memref<2048x1024xbf16, #tpu.memory_space<vmem>>, vector<2048x1024xbf16>
    %get3A_2 = arith.constant 0 : index
    %get3A_3 = arith.constant 0 : index
    %get3A_4 = vector.load %arg2[%get3A_2, %get3A_3] : memref<1024x512xbf16, #tpu.memory_space<vmem>>, vector<1024x512xbf16>
    %dot_general3A = arith.constant dense<0.000000e+00> : vector<2048x512xf32>
    %dot_general3A_5 = tpu.matmul %get3A_1, %get3A_4, %dot_general3A {dimension_numbers = #tpu.dot_dimension_numbers<[1], [0], [0], [1], [0, 0, 1, 1], [], []>, transpose_lhs_hint = false} : vector<2048x1024xbf16>, vector<1024x512xbf16>, vector<2048x512xf32> -> vector<2048x512xf32>
    %get3A_6 = arith.constant 0 : index
    %get3A_7 = arith.constant 0 : index
    %get3A_8 = vector.load %arg3[%get3A_6, %get3A_7] : memref<1x512xf32, #tpu.memory_space<vmem>>, vector<1x512xf32>
    %add3A = vector.broadcast %get3A_8 : vector<1x512xf32> to vector<2048x512xf32>
    %add3A_9 = arith.addf %dot_general3A_5, %add3A : vector<2048x512xf32>
    %convert_element_type3A = arith.truncf %add3A_9 : vector<2048x512xf32> to vector<2048x512xbf16>
    %swap3A = arith.constant 0 : index
    %swap3A_10 = arith.constant 0 : index
    %swap3A_11 = vector.load %arg7[%swap3A, %swap3A_10] : memref<2048x512xbf16, #tpu.memory_space<vmem>>, vector<2048x512xbf16>
    tpu.vector_store %arg7[%swap3A, %swap3A_10], %convert_element_type3A {strides = array<i32>} : memref<2048x512xbf16, #tpu.memory_space<vmem>>, vector<2048x512xbf16>,
    %eq3A = arith.constant 0 : i32
    %eq3A_12 = arith.cmpi eq, %arg0, %eq3A : i32
    %convert_element_type3A_13 = arith.extui %eq3A_12 : i1 to i32
    %cond3A = arith.constant 0 : i32
    %cond3A_14 = arith.cmpi ne, %convert_element_type3A_13, %cond3A : i32
    scf.if %cond3A_14 {
      %get3A_15 = arith.constant 0 : index
      %get3A_16 = arith.constant 0 : index
      %get3A_17 = vector.load %arg4[%get3A_15, %get3A_16] : memref<2048x1024xf32, #tpu.memory_space<vmem>>, vector<2048x1024xf32>
      %get3A_18 = arith.constant 0 : index
      %get3A_19 = arith.constant 0 : index
      %get3A_20 = vector.load %arg5[%get3A_18, %get3A_19] : memref<1024x128xf32, #tpu.memory_space<vmem>>, vector<1024x128xf32>
      %dot_general3A_21 = arith.constant dense<0.000000e+00> : vector<2048x128xf32>
      %dot_general3A_22 = tpu.matmul %get3A_17, %get3A_20, %dot_general3A_21 {dimension_numbers = #tpu.dot_dimension_numbers<[1], [0], [0], [1], [0, 0, 1, 1], [], []>, transpose_lhs_hint = false} : vector<2048x1024xf32>, vector<1024x128xf32>, vector<2048x128xf32> -> vector<2048x128xf32>
      %get3A_23 = arith.constant 0 : index
      %get3A_24 = arith.constant 0 : index
      %get3A_25 = vector.load %arg6[%get3A_23, %get3A_24] : memref<1x128xf32, #tpu.memory_space<vmem>>, vector<1x128xf32>
      %add3A_26 = vector.broadcast %get3A_25 : vector<1x128xf32> to vector<2048x128xf32>
      %add3A_27 = arith.addf %dot_general3A_22, %add3A_26 : vector<2048x128xf32>
      %swap3A_28 = arith.constant 0 : index
      %swap3A_29 = arith.constant 0 : index
      %swap3A_30 = vector.load %arg8[%swap3A_28, %swap3A_29] : memref<2048x128xf32, #tpu.memory_space<vmem>>, vector<2048x128xf32>
      tpu.vector_store %arg8[%swap3A_28, %swap3A_29], %add3A_27 {strides = array<i32>} : memref<2048x128xf32, #tpu.memory_space<vmem>>, vector<2048x128xf32>,
      %reduce_sum3A = arith.constant dense<0.000000e+00> : vector<1024xf32>
      %reduce_sum3A_31 = vector.multi_reduction <add>, %get3A_17, %reduce_sum3A [0] : vector<2048x1024xf32> to vector<1024xf32>
      %broadcast_in_dim3A = vector.shape_cast %reduce_sum3A_31 : vector<1024xf32> to vector<1x1024xf32>
      %broadcast_in_dim3A_32 = arith.constant 0.000000e+00 : f32
      %broadcast_in_dim3A_33 = vector.broadcast %broadcast_in_dim3A_32 : f32 to vector<7x1024xf32>
      %concatenate3A = tpu.concatenate %broadcast_in_dim3A, %broadcast_in_dim3A_33 in 0 : vector<1x1024xf32>, vector<7x1024xf32> -> vector<8x1024xf32>
      %swap3A_34 = arith.constant 0 : index
      %swap3A_35 = arith.constant 0 : index
      %swap3A_36 = vector.load %arg9[%swap3A_34, %swap3A_35] : memref<8x1024xf32, #tpu.memory_space<vmem>>, vector<8x1024xf32>
      tpu.vector_store %arg9[%swap3A_34, %swap3A_35], %concatenate3A {strides = array<i32>} : memref<8x1024xf32, #tpu.memory_space<vmem>>, vector<8x1024xf32>,
    } else {
    }
    return
  }
  func.func @transform_0(%arg0: i32) -> (i32, i32) {
    %c0_i32 = arith.constant 0 : i32
    %c0_i32_0 = arith.constant 0 : i32
    %c0_i32_1 = arith.constant 0 : i32
    return %c0_i32, %c0_i32_0 : i32, i32
  }
  func.func @transform_1(%arg0: i32) -> (i32, i32) {
    %c0_i32 = arith.constant 0 : i32
    %c0_i32_0 = arith.constant 0 : i32
    return %c0_i32, %arg0 : i32, i32
  }
  func.func @transform_2(%arg0: i32) -> (i32, i32) {
    %c0_i32 = arith.constant 0 : i32
    %c0_i32_0 = arith.constant 0 : i32
    return %c0_i32, %arg0 : i32, i32
  }
  func.func @transform_3(%arg0: i32) -> (i32, i32) {
    %c0_i32 = arith.constant 0 : i32
    %c0_i32_0 = arith.constant 0 : i32
    %c0_i32_1 = arith.constant 0 : i32
    return %c0_i32, %c0_i32_0 : i32, i32
  }
  func.func @transform_4(%arg0: i32) -> (i32, i32) {
    %c0_i32 = arith.constant 0 : i32
    %c0_i32_0 = arith.constant 0 : i32
    %c0_i32_1 = arith.constant 0 : i32
    return %c0_i32, %c0_i32_0 : i32, i32
  }
  func.func @transform_5(%arg0: i32) -> (i32, i32) {
    %c0_i32 = arith.constant 0 : i32
    %c0_i32_0 = arith.constant 0 : i32
    %c0_i32_1 = arith.constant 0 : i32
    return %c0_i32, %c0_i32_0 : i32, i32
  }
  func.func @transform_6(%arg0: i32) -> (i32, i32) {
    %c0_i32 = arith.constant 0 : i32
    %c0_i32_0 = arith.constant 0 : i32
    return %c0_i32, %arg0 : i32, i32
  }
  func.func @transform_7(%arg0: i32) -> (i32, i32) {
    %c0_i32 = arith.constant 0 : i32
    %c0_i32_0 = arith.constant 0 : i32
    %c0_i32_1 = arith.constant 0 : i32
    return %c0_i32, %c0_i32_0 : i32, i32
  }
  func.func @transform_8(%arg0: i32) -> (i32, i32) {
    %c0_i32 = arith.constant 0 : i32
    %c0_i32_0 = arith.constant 0 : i32
    %c0_i32_1 = arith.constant 0 : i32
    return %c0_i32, %c0_i32_0 : i32, i32
  }
}

module attributes {stable_mosaic.version = 14 : i64} {
  func.func @_fold_body(%arg0: i32, %arg1: memref<1032x1024xbf16, #tpu.memory_space<vmem>>, %arg2: memref<1024x512xbf16, #tpu.memory_space<vmem>>, %arg3: memref<1032x512xf32, #tpu.memory_space<vmem>>) attributes {dimension_semantics = [#tpu.dimension_semantics<arbitrary>], iteration_bounds = array<i64: 2>, scalar_prefetch = 0 : i64, scratch_operands = 0 : i64, tpu.core_type = #tpu.core_type<tc>, window_params = [{pipeline_mode = #tpu.pipeline_mode<synchronous>, transform_indices = @transform_0, window_bounds = array<i64: 1032, 1024>}, {transform_indices = @transform_1, window_bounds = array<i64: 1024, 512>}, {transform_indices = @transform_2, window_bounds = array<i64: 1032, 512>}]} {
    %get3A = arith.constant 0 : index
    %get3A_0 = arith.constant 0 : index
    %get3A_1 = vector.load %arg1[%get3A, %get3A_0] : memref<1032x1024xbf16, #tpu.memory_space<vmem>>, vector<1032x1024xbf16>
    %get3A_2 = arith.constant 0 : index
    %get3A_3 = arith.constant 0 : index
    %get3A_4 = vector.load %arg2[%get3A_2, %get3A_3] : memref<1024x512xbf16, #tpu.memory_space<vmem>>, vector<1024x512xbf16>
    %dot_general3A = arith.constant dense<0.000000e+00> : vector<1032x512xf32>
    %dot_general3A_5 = tpu.matmul %get3A_1, %get3A_4, %dot_general3A {dimension_numbers = #tpu.dot_dimension_numbers<[1], [0], [0], [1], [0, 0, 1, 1], [], []>, transpose_lhs_hint = false} : vector<1032x1024xbf16>, vector<1024x512xbf16>, vector<1032x512xf32> -> vector<1032x512xf32>
    %swap3A = arith.constant 0 : index
    %swap3A_6 = arith.constant 0 : index
    %swap3A_7 = vector.load %arg3[%swap3A, %swap3A_6] : memref<1032x512xf32, #tpu.memory_space<vmem>>, vector<1032x512xf32>
    tpu.vector_store %arg3[%swap3A, %swap3A_6], %dot_general3A_5 {strides = array<i32>} : memref<1032x512xf32, #tpu.memory_space<vmem>>, vector<1032x512xf32>,
    return
  }
  func.func @transform_0(%arg0: i32) -> (i32, i32) {
    %c0_i32 = arith.constant 0 : i32
    %c0_i32_0 = arith.constant 0 : i32
    %c0_i32_1 = arith.constant 0 : i32
    return %c0_i32, %c0_i32_0 : i32, i32
  }
  func.func @transform_1(%arg0: i32) -> (i32, i32) {
    %c0_i32 = arith.constant 0 : i32
    %c0_i32_0 = arith.constant 0 : i32
    return %c0_i32, %arg0 : i32, i32
  }
  func.func @transform_2(%arg0: i32) -> (i32, i32) {
    %c0_i32 = arith.constant 0 : i32
    %c0_i32_0 = arith.constant 0 : i32
    return %c0_i32, %arg0 : i32, i32
  }
}

module attributes {stable_mosaic.version = 14 : i64} {
  func.func @_attn_body(%arg0: i32, %arg1: i32, %arg2: memref<512x128xbf16, #tpu.memory_space<vmem>>, %arg3: memref<2048x128xbf16, #tpu.memory_space<vmem>>, %arg4: memref<2048x128xbf16, #tpu.memory_space<vmem>>, %arg5: memref<512x128xbf16, #tpu.memory_space<vmem>>) attributes {dimension_semantics = [#tpu.dimension_semantics<arbitrary>, #tpu.dimension_semantics<arbitrary>], iteration_bounds = array<i64: 16, 4>, scalar_prefetch = 0 : i64, scratch_operands = 0 : i64, tpu.core_type = #tpu.core_type<tc>, window_params = [{transform_indices = @transform_0, window_bounds = array<i64: 512, 128>}, {transform_indices = @transform_1, window_bounds = array<i64: 2048, 128>}, {transform_indices = @transform_2, window_bounds = array<i64: 2048, 128>}, {transform_indices = @transform_3, window_bounds = array<i64: 512, 128>}]} {
    %get3A = arith.constant 0 : index
    %get3A_0 = arith.constant 0 : index
    %get3A_1 = vector.load %arg2[%get3A, %get3A_0] : memref<512x128xbf16, #tpu.memory_space<vmem>>, vector<512x128xbf16>
    %mul3A = arith.constant 1.250000e-01 : bf16
    %mul3A_2 = vector.broadcast %mul3A : bf16 to vector<512x128xbf16>
    %mul3A_3 = arith.mulf %get3A_1, %mul3A_2 : vector<512x128xbf16>
    %get3A_4 = arith.constant 0 : index
    %get3A_5 = arith.constant 0 : index
    %get3A_6 = vector.load %arg3[%get3A_4, %get3A_5] : memref<2048x128xbf16, #tpu.memory_space<vmem>>, vector<2048x128xbf16>
    %get3A_7 = arith.constant 0 : index
    %get3A_8 = arith.constant 0 : index
    %get3A_9 = vector.load %arg4[%get3A_7, %get3A_8] : memref<2048x128xbf16, #tpu.memory_space<vmem>>, vector<2048x128xbf16>
    %slice3A = vector.extract_strided_slice %mul3A_3 {offsets = [0, 0], sizes = [512, 64], strides = [1, 1]} : vector<512x128xbf16> to vector<512x64xbf16>
    %slice3A_10 = vector.extract_strided_slice %get3A_6 {offsets = [0, 0], sizes = [2048, 64], strides = [1, 1]} : vector<2048x128xbf16> to vector<2048x64xbf16>
    %dot_general3A = arith.constant dense<0.000000e+00> : vector<512x2048xf32>
    %dot_general3A_11 = tpu.matmul %slice3A, %slice3A_10, %dot_general3A {dimension_numbers = #tpu.dot_dimension_numbers<[1], [1], [0], [0], [0, 0, 1, 0], [], []>, transpose_lhs_hint = false} : vector<512x64xbf16>, vector<2048x64xbf16>, vector<512x2048xf32> -> vector<512x2048xf32>
    %exp3A = math.exp %dot_general3A_11 : vector<512x2048xf32>
    %reduce_sum3A = arith.constant dense<0.000000e+00> : vector<512xf32>
    %reduce_sum3A_12 = vector.multi_reduction <add>, %exp3A, %reduce_sum3A [1] : vector<512x2048xf32> to vector<512xf32>
    %broadcast_in_dim3A = vector.shape_cast %reduce_sum3A_12 : vector<512xf32> to vector<512x1xf32>
    %convert_element_type3A = arith.truncf %exp3A : vector<512x2048xf32> to vector<512x2048xbf16>
    %slice3A_13 = vector.extract_strided_slice %get3A_9 {offsets = [0, 0], sizes = [2048, 64], strides = [1, 1]} : vector<2048x128xbf16> to vector<2048x64xbf16>
    %dot_general3A_14 = arith.constant dense<0.000000e+00> : vector<512x64xf32>
    %dot_general3A_15 = tpu.matmul %convert_element_type3A, %slice3A_13, %dot_general3A_14 {dimension_numbers = #tpu.dot_dimension_numbers<[1], [0], [0], [1], [0, 0, 1, 1], [], []>, transpose_lhs_hint = false} : vector<512x2048xbf16>, vector<2048x64xbf16>, vector<512x64xf32> -> vector<512x64xf32>
    %div3A = vector.broadcast %broadcast_in_dim3A : vector<512x1xf32> to vector<512x64xf32>
    %div3A_16 = arith.divf %dot_general3A_15, %div3A : vector<512x64xf32>
    %slice3A_17 = vector.extract_strided_slice %mul3A_3 {offsets = [0, 64], sizes = [512, 64], strides = [1, 1]} : vector<512x128xbf16> to vector<512x64xbf16>
    %slice3A_18 = vector.extract_strided_slice %get3A_6 {offsets = [0, 64], sizes = [2048, 64], strides = [1, 1]} : vector<2048x128xbf16> to vector<2048x64xbf16>
    %dot_general3A_19 = arith.constant dense<0.000000e+00> : vector<512x2048xf32>
    %dot_general3A_20 = tpu.matmul %slice3A_17, %slice3A_18, %dot_general3A_19 {dimension_numbers = #tpu.dot_dimension_numbers<[1], [1], [0], [0], [0, 0, 1, 0], [], []>, transpose_lhs_hint = false} : vector<512x64xbf16>, vector<2048x64xbf16>, vector<512x2048xf32> -> vector<512x2048xf32>
    %exp3A_21 = math.exp %dot_general3A_20 : vector<512x2048xf32>
    %reduce_sum3A_22 = arith.constant dense<0.000000e+00> : vector<512xf32>
    %reduce_sum3A_23 = vector.multi_reduction <add>, %exp3A_21, %reduce_sum3A_22 [1] : vector<512x2048xf32> to vector<512xf32>
    %broadcast_in_dim3A_24 = vector.shape_cast %reduce_sum3A_23 : vector<512xf32> to vector<512x1xf32>
    %convert_element_type3A_25 = arith.truncf %exp3A_21 : vector<512x2048xf32> to vector<512x2048xbf16>
    %slice3A_26 = vector.extract_strided_slice %get3A_9 {offsets = [0, 64], sizes = [2048, 64], strides = [1, 1]} : vector<2048x128xbf16> to vector<2048x64xbf16>
    %dot_general3A_27 = arith.constant dense<0.000000e+00> : vector<512x64xf32>
    %dot_general3A_28 = tpu.matmul %convert_element_type3A_25, %slice3A_26, %dot_general3A_27 {dimension_numbers = #tpu.dot_dimension_numbers<[1], [0], [0], [1], [0, 0, 1, 1], [], []>, transpose_lhs_hint = false} : vector<512x2048xbf16>, vector<2048x64xbf16>, vector<512x64xf32> -> vector<512x64xf32>
    %div3A_29 = vector.broadcast %broadcast_in_dim3A_24 : vector<512x1xf32> to vector<512x64xf32>
    %div3A_30 = arith.divf %dot_general3A_28, %div3A_29 : vector<512x64xf32>
    %concatenate3A = tpu.concatenate %div3A_16, %div3A_30 in 1 : vector<512x64xf32>, vector<512x64xf32> -> vector<512x128xf32>
    %convert_element_type3A_31 = arith.truncf %concatenate3A : vector<512x128xf32> to vector<512x128xbf16>
    %swap3A = arith.constant 0 : index
    %swap3A_32 = arith.constant 0 : index
    %swap3A_33 = vector.load %arg5[%swap3A, %swap3A_32] : memref<512x128xbf16, #tpu.memory_space<vmem>>, vector<512x128xbf16>
    tpu.vector_store %arg5[%swap3A, %swap3A_32], %convert_element_type3A_31 {strides = array<i32>} : memref<512x128xbf16, #tpu.memory_space<vmem>>, vector<512x128xbf16>,
    return
  }
  func.func @transform_0(%arg0: i32, %arg1: i32) -> (i32, i32) {
    %lt3A = arith.constant 8 : i32
    %lt3A_0 = arith.cmpi slt, %arg0, %lt3A : i32
    %add3A = arith.constant 16 : i32
    %add3A_1 = arith.addi %add3A, %arg0 : i32
    %select_n3A = arith.select %lt3A_0, %arg0, %add3A_1 : i32
    %c0_i32 = arith.constant 0 : i32
    return %arg1, %select_n3A : i32, i32
  }
  func.func @transform_1(%arg0: i32, %arg1: i32) -> (i32, i32) {
    %lt3A = arith.constant 8 : i32
    %lt3A_0 = arith.cmpi slt, %arg0, %lt3A : i32
    %add3A = arith.constant 8 : i32
    %add3A_1 = arith.addi %add3A, %arg0 : i32
    %add3A_2 = arith.constant 24 : i32
    %add3A_3 = arith.addi %add3A_2, %arg0 : i32
    %select_n3A = arith.select %lt3A_0, %add3A_1, %add3A_3 : i32
    %c0_i32 = arith.constant 0 : i32
    %c0_i32_4 = arith.constant 0 : i32
    return %c0_i32, %select_n3A : i32, i32
  }
  func.func @transform_2(%arg0: i32, %arg1: i32) -> (i32, i32) {
    %lt3A = arith.constant 8 : i32
    %lt3A_0 = arith.cmpi slt, %arg0, %lt3A : i32
    %add3A = arith.constant 16 : i32
    %add3A_1 = arith.addi %add3A, %arg0 : i32
    %add3A_2 = arith.constant 32 : i32
    %add3A_3 = arith.addi %add3A_2, %arg0 : i32
    %select_n3A = arith.select %lt3A_0, %add3A_1, %add3A_3 : i32
    %c0_i32 = arith.constant 0 : i32
    %c0_i32_4 = arith.constant 0 : i32
    return %c0_i32, %select_n3A : i32, i32
  }
  func.func @transform_3(%arg0: i32, %arg1: i32) -> (i32, i32) {
    %c0_i32 = arith.constant 0 : i32
    return %arg1, %arg0 : i32, i32
  }
}

module attributes {stable_mosaic.version = 14 : i64} {
  func.func @_pec_body(%arg0: i32, %arg1: memref<2048x128xbf16, #tpu.memory_space<vmem>>, %arg2: memref<2048x128xbf16, #tpu.memory_space<vmem>>, %arg3: memref<2048x128xbf16, #tpu.memory_space<vmem>>, %arg4: memref<64x256xf32, #tpu.memory_space<vmem>>, %arg5: memref<1x256xf32, #tpu.memory_space<vmem>>, %arg6: memref<64x256xf32, #tpu.memory_space<vmem>>, %arg7: memref<1x256xf32, #tpu.memory_space<vmem>>, %arg8: memref<2048x128xbf16, #tpu.memory_space<vmem>>, %arg9: memref<16x1024xf32, #tpu.memory_space<vmem>>, %arg10: memref<8x1024xf32, #tpu.memory_space<vmem>>, %arg11: memref<1024x1024xf32, #tpu.memory_space<vmem>>, %arg12: memref<1024x1024xf32, #tpu.memory_space<vmem>>, %arg13: memref<1x2048xf32, #tpu.memory_space<vmem>>, %arg14: memref<2048x1024xbf16, #tpu.memory_space<vmem>>, %arg15: memref<3x1024xf32, #tpu.memory_space<vmem>>, %arg16: memref<1x1024xf32, #tpu.memory_space<vmem>>, %arg17: memref<1024x1024xbf16, #tpu.memory_space<vmem>>, %arg18: memref<1x1024xf32, #tpu.memory_space<vmem>>, %arg19: memref<2048x128xbf16, #tpu.memory_space<vmem>>, %arg20: memref<2048x128xbf16, #tpu.memory_space<vmem>>, %arg21: memref<2048x1024xbf16, #tpu.memory_space<vmem>>, %arg22: memref<16x2048xf32, #tpu.memory_space<vmem>>) attributes {dimension_semantics = [#tpu.dimension_semantics<arbitrary>], iteration_bounds = array<i64: 8>, scalar_prefetch = 0 : i64, scratch_operands = 1 : i64, tpu.core_type = #tpu.core_type<tc>, window_params = [{transform_indices = @transform_0, window_bounds = array<i64: 2048, 128>}, {transform_indices = @transform_1, window_bounds = array<i64: 2048, 128>}, {transform_indices = @transform_2, window_bounds = array<i64: 2048, 128>}, {pipeline_mode = #tpu.pipeline_mode<synchronous>, transform_indices = @transform_3, window_bounds = array<i64: 64, 256>}, {pipeline_mode = #tpu.pipeline_mode<synchronous>, transform_indices = @transform_4, window_bounds = array<i64: 1, 256>}, {pipeline_mode = #tpu.pipeline_mode<synchronous>, transform_indices = @transform_5, window_bounds = array<i64: 64, 256>}, {pipeline_mode = #tpu.pipeline_mode<synchronous>, transform_indices = @transform_6, window_bounds = array<i64: 1, 256>}, {transform_indices = @transform_7, window_bounds = array<i64: 2048, 128>}, {pipeline_mode = #tpu.pipeline_mode<synchronous>, transform_indices = @transform_8, window_bounds = array<i64: 16, 1024>}, {pipeline_mode = #tpu.pipeline_mode<synchronous>, transform_indices = @transform_9, window_bounds = array<i64: 8, 1024>}, {pipeline_mode = #tpu.pipeline_mode<synchronous>, transform_indices = @transform_10, window_bounds = array<i64: 1024, 1024>}, {pipeline_mode = #tpu.pipeline_mode<synchronous>, transform_indices = @transform_11, window_bounds = array<i64: 1024, 1024>}, {pipeline_mode = #tpu.pipeline_mode<synchronous>, transform_indices = @transform_12, window_bounds = array<i64: 1, 2048>}, {pipeline_mode = #tpu.pipeline_mode<synchronous>, transform_indices = @transform_13, window_bounds = array<i64: 2048, 1024>}, {pipeline_mode = #tpu.pipeline_mode<synchronous>, transform_indices = @transform_14, window_bounds = array<i64: 3, 1024>}, {pipeline_mode = #tpu.pipeline_mode<synchronous>, transform_indices = @transform_15, window_bounds = array<i64: 1, 1024>}, {pipeline_mode = #tpu.pipeline_mode<synchronous>, transform_indices = @transform_16, window_bounds = array<i64: 1024, 1024>}, {pipeline_mode = #tpu.pipeline_mode<synchronous>, transform_indices = @transform_17, window_bounds = array<i64: 1, 1024>}, {transform_indices = @transform_18, window_bounds = array<i64: 2048, 128>}, {transform_indices = @transform_19, window_bounds = array<i64: 2048, 128>}, {pipeline_mode = #tpu.pipeline_mode<synchronous>, transform_indices = @transform_20, window_bounds = array<i64: 2048, 1024>}]} {
    %eq3A = arith.constant 0 : i32
    %eq3A_0 = arith.cmpi eq, %arg0, %eq3A : i32
    %convert_element_type3A = arith.extui %eq3A_0 : i1 to i32
    %cond3A = arith.constant 0 : i32
    %cond3A_1 = arith.cmpi ne, %convert_element_type3A, %cond3A : i32
    scf.if %cond3A_1 {
      %iota3A_255 = tpu.iota {dimensions = array<i32: 0>} : vector<16x1xi32>
      %eq3A_256 = arith.constant 10 : i32
      %eq3A_257 = vector.broadcast %eq3A_256 : i32 to vector<16x1xi32>
      %eq3A_258 = arith.cmpi eq, %iota3A_255, %eq3A_257 : vector<16x1xi32>
      %get3A_259 = arith.constant 0 : index
      %get3A_260 = arith.constant 0 : index
      %get3A_261 = vector.load %arg10[%get3A_259, %get3A_260] : memref<8x1024xf32, #tpu.memory_space<vmem>>, vector<1x1024xf32>
      %get3A_262 = arith.constant 0 : index
      %get3A_263 = arith.constant 0 : index
      %get3A_264 = vector.load %arg9[%get3A_262, %get3A_263] : memref<16x1024xf32, #tpu.memory_space<vmem>>, vector<16x1024xf32>
      %broadcast_in_dim3A_265 = vector.shape_cast %eq3A_258 : vector<16x1xi1> to vector<16x1xi1>
      %broadcast_in_dim3A_266 = vector.broadcast %broadcast_in_dim3A_265 : vector<16x1xi1> to vector<16x1024xi1>
      %broadcast_in_dim3A_267 = vector.shape_cast %get3A_261 : vector<1x1024xf32> to vector<1x1024xf32>
      %broadcast_in_dim3A_268 = vector.broadcast %broadcast_in_dim3A_267 : vector<1x1024xf32> to vector<16x1024xf32>
      %select_n3A_269 = arith.select %broadcast_in_dim3A_266, %broadcast_in_dim3A_268, %get3A_264 : vector<16x1024xi1>, vector<16x1024xf32>
      %lt3A_270 = arith.constant 10 : i32
      %lt3A_271 = vector.broadcast %lt3A_270 : i32 to vector<16x1xi32>
      %lt3A_272 = arith.cmpi slt, %iota3A_255, %lt3A_271 : vector<16x1xi32>
      %eq3A_273 = arith.constant 10 : i32
      %eq3A_274 = vector.broadcast %eq3A_273 : i32 to vector<16x1xi32>
      %eq3A_275 = arith.cmpi eq, %iota3A_255, %eq3A_274 : vector<16x1xi32>
      %jit3A_276 = arith.constant 2.048000e+03 : f32
      %jit3A_277 = arith.constant 0.000000e+00 : f32
      %broadcast_in_dim3A_278 = vector.broadcast %jit3A_276 : f32 to vector<16x1xf32>
      %broadcast_in_dim3A_279 = vector.broadcast %jit3A_277 : f32 to vector<16x1xf32>
      %select_n3A_280 = arith.select %eq3A_275, %broadcast_in_dim3A_278, %broadcast_in_dim3A_279 : vector<16x1xi1>, vector<16x1xf32>
      %jit3A_281 = arith.constant 1.000000e+00 : f32
      %broadcast_in_dim3A_282 = vector.broadcast %jit3A_281 : f32 to vector<16x1xf32>
      %select_n3A_283 = arith.select %lt3A_272, %broadcast_in_dim3A_282, %select_n3A_280 : vector<16x1xi1>, vector<16x1xf32>
      %get3A_284 = arith.constant 0 : index
      %get3A_285 = arith.constant 0 : index
      %get3A_286 = vector.load %arg13[%get3A_284, %get3A_285] : memref<1x2048xf32, #tpu.memory_space<vmem>>, vector<1x2048xf32>
      %get3A_287 = arith.constant 0 : index
      %get3A_288 = arith.constant 0 : index
      %get3A_289 = vector.load %arg11[%get3A_287, %get3A_288] : memref<1024x1024xf32, #tpu.memory_space<vmem>>, vector<1024x1024xf32>
      %dot_general3A_290 = arith.constant dense<0.000000e+00> : vector<16x1024xf32>
      %dot_general3A_291 = tpu.matmul %select_n3A_269, %get3A_289, %dot_general3A_290 {dimension_numbers = #tpu.dot_dimension_numbers<[1], [0], [0], [1], [0, 0, 1, 1], [], []>, transpose_lhs_hint = false} : vector<16x1024xf32>, vector<1024x1024xf32>, vector<16x1024xf32> -> vector<16x1024xf32>
      %slice3A_292 = vector.extract_strided_slice %get3A_286 {offsets = [0, 0], sizes = [1, 1024], strides = [1, 1]} : vector<1x2048xf32> to vector<1x1024xf32>
      %mul3A_293 = vector.broadcast %select_n3A_283 : vector<16x1xf32> to vector<16x1024xf32>
      %mul3A_294 = vector.broadcast %slice3A_292 : vector<1x1024xf32> to vector<16x1024xf32>
      %mul3A_295 = arith.mulf %mul3A_293, %mul3A_294 : vector<16x1024xf32>
      %add3A_296 = arith.addf %dot_general3A_291, %mul3A_295 : vector<16x1024xf32>
      %swap3A_297 = arith.constant 0 : index
      %swap3A_298 = arith.constant 0 : index
      %swap3A_299 = vector.load %arg22[%swap3A_297, %swap3A_298] : memref<16x2048xf32, #tpu.memory_space<vmem>>, vector<16x1024xf32>
      tpu.vector_store %arg22[%swap3A_297, %swap3A_298], %add3A_296 {strides = array<i32>} : memref<16x2048xf32, #tpu.memory_space<vmem>>, vector<16x1024xf32>,
      %get3A_300 = arith.constant 0 : index
      %get3A_301 = arith.constant 0 : index
      %get3A_302 = vector.load %arg12[%get3A_300, %get3A_301] : memref<1024x1024xf32, #tpu.memory_space<vmem>>, vector<1024x1024xf32>
      %dot_general3A_303 = arith.constant dense<0.000000e+00> : vector<16x1024xf32>
      %dot_general3A_304 = tpu.matmul %select_n3A_269, %get3A_302, %dot_general3A_303 {dimension_numbers = #tpu.dot_dimension_numbers<[1], [0], [0], [1], [0, 0, 1, 1], [], []>, transpose_lhs_hint = false} : vector<16x1024xf32>, vector<1024x1024xf32>, vector<16x1024xf32> -> vector<16x1024xf32>
      %slice3A_305 = vector.extract_strided_slice %get3A_286 {offsets = [0, 1024], sizes = [1, 1024], strides = [1, 1]} : vector<1x2048xf32> to vector<1x1024xf32>
      %mul3A_306 = vector.broadcast %select_n3A_283 : vector<16x1xf32> to vector<16x1024xf32>
      %mul3A_307 = vector.broadcast %slice3A_305 : vector<1x1024xf32> to vector<16x1024xf32>
      %mul3A_308 = arith.mulf %mul3A_306, %mul3A_307 : vector<16x1024xf32>
      %add3A_309 = arith.addf %dot_general3A_304, %mul3A_308 : vector<16x1024xf32>
      %swap3A_310 = arith.constant 0 : index
      %swap3A_311 = arith.constant 1024 : index
      %swap3A_312 = vector.load %arg22[%swap3A_310, %swap3A_311] : memref<16x2048xf32, #tpu.memory_space<vmem>>, vector<16x1024xf32>
      tpu.vector_store %arg22[%swap3A_310, %swap3A_311], %add3A_309 {strides = array<i32>} : memref<16x2048xf32, #tpu.memory_space<vmem>>, vector<16x1024xf32>,
    } else {
    }
    %get3A = arith.constant 0 : index
    %get3A_2 = arith.constant 0 : index
    %get3A_3 = vector.load %arg1[%get3A, %get3A_2] : memref<2048x128xbf16, #tpu.memory_space<vmem>>, vector<2048x128xbf16>
    %get3A_4 = arith.constant 0 : index
    %get3A_5 = arith.constant 0 : index
    %get3A_6 = vector.load %arg2[%get3A_4, %get3A_5] : memref<2048x128xbf16, #tpu.memory_space<vmem>>, vector<2048x128xbf16>
    %get3A_7 = arith.constant 0 : index
    %get3A_8 = arith.constant 0 : index
    %get3A_9 = vector.load %arg3[%get3A_7, %get3A_8] : memref<2048x128xbf16, #tpu.memory_space<vmem>>, vector<2048x128xbf16>
    %get3A_10 = arith.constant 0 : index
    %get3A_11 = arith.constant 0 : index
    %get3A_12 = vector.load %arg4[%get3A_10, %get3A_11] : memref<64x256xf32, #tpu.memory_space<vmem>>, vector<64x256xf32>
    %convert_element_type3A_13 = arith.truncf %get3A_12 : vector<64x256xf32> to vector<64x256xbf16>
    %get3A_14 = arith.constant 0 : index
    %get3A_15 = arith.constant 0 : index
    %get3A_16 = vector.load %arg5[%get3A_14, %get3A_15] : memref<1x256xf32, #tpu.memory_space<vmem>>, vector<1x256xf32>
    %get3A_17 = arith.constant 0 : index
    %get3A_18 = arith.constant 0 : index
    %get3A_19 = vector.load %arg6[%get3A_17, %get3A_18] : memref<64x256xf32, #tpu.memory_space<vmem>>, vector<64x256xf32>
    %convert_element_type3A_20 = arith.truncf %get3A_19 : vector<64x256xf32> to vector<64x256xbf16>
    %get3A_21 = arith.constant 0 : index
    %get3A_22 = arith.constant 0 : index
    %get3A_23 = vector.load %arg7[%get3A_21, %get3A_22] : memref<1x256xf32, #tpu.memory_space<vmem>>, vector<1x256xf32>
    %slice3A = vector.extract_strided_slice %get3A_3 {offsets = [0, 0], sizes = [2048, 64], strides = [1, 1]} : vector<2048x128xbf16> to vector<2048x64xbf16>
    %dot_general3A = arith.constant dense<0.000000e+00> : vector<2048x256xf32>
    %dot_general3A_24 = tpu.matmul %slice3A, %convert_element_type3A_13, %dot_general3A {dimension_numbers = #tpu.dot_dimension_numbers<[1], [0], [0], [1], [0, 0, 1, 1], [], []>, transpose_lhs_hint = false} : vector<2048x64xbf16>, vector<64x256xbf16>, vector<2048x256xf32> -> vector<2048x256xf32>
    %add3A = vector.broadcast %get3A_16 : vector<1x256xf32> to vector<2048x256xf32>
    %add3A_25 = arith.addf %dot_general3A_24, %add3A : vector<2048x256xf32>
    %gt3A = arith.constant 0.000000e+00 : f32
    %gt3A_26 = vector.broadcast %gt3A : f32 to vector<2048x256xf32>
    %gt3A_27 = arith.cmpf ogt, %add3A_25, %gt3A_26 : vector<2048x256xf32>
    %add3A_28 = arith.constant 1.000000e+00 : f32
    %add3A_29 = vector.broadcast %add3A_28 : f32 to vector<2048x256xf32>
    %add3A_30 = arith.addf %add3A_25, %add3A_29 : vector<2048x256xf32>
    %exp3A = math.exp %add3A_25 : vector<2048x256xf32>
    %select_n3A = arith.select %gt3A_27, %add3A_30, %exp3A : vector<2048x256xi1>, vector<2048x256xf32>
    %slice3A_31 = vector.extract_strided_slice %get3A_6 {offsets = [0, 0], sizes = [2048, 64], strides = [1, 1]} : vector<2048x128xbf16> to vector<2048x64xbf16>
    %dot_general3A_32 = arith.constant dense<0.000000e+00> : vector<2048x256xf32>
    %dot_general3A_33 = tpu.matmul %slice3A_31, %convert_element_type3A_20, %dot_general3A_32 {dimension_numbers = #tpu.dot_dimension_numbers<[1], [0], [0], [1], [0, 0, 1, 1], [], []>, transpose_lhs_hint = false} : vector<2048x64xbf16>, vector<64x256xbf16>, vector<2048x256xf32> -> vector<2048x256xf32>
    %add3A_34 = vector.broadcast %get3A_23 : vector<1x256xf32> to vector<2048x256xf32>
    %add3A_35 = arith.addf %dot_general3A_33, %add3A_34 : vector<2048x256xf32>
    %gt3A_36 = arith.constant 0.000000e+00 : f32
    %gt3A_37 = vector.broadcast %gt3A_36 : f32 to vector<2048x256xf32>
    %gt3A_38 = arith.cmpf ogt, %add3A_35, %gt3A_37 : vector<2048x256xf32>
    %add3A_39 = arith.constant 1.000000e+00 : f32
    %add3A_40 = vector.broadcast %add3A_39 : f32 to vector<2048x256xf32>
    %add3A_41 = arith.addf %add3A_35, %add3A_40 : vector<2048x256xf32>
    %exp3A_42 = math.exp %add3A_35 : vector<2048x256xf32>
    %select_n3A_43 = arith.select %gt3A_38, %add3A_41, %exp3A_42 : vector<2048x256xi1>, vector<2048x256xf32>
    %convert_element_type3A_44 = arith.truncf %select_n3A_43 : vector<2048x256xf32> to vector<2048x256xbf16>
    %slice3A_45 = vector.extract_strided_slice %get3A_9 {offsets = [0, 0], sizes = [2048, 64], strides = [1, 1]} : vector<2048x128xbf16> to vector<2048x64xbf16>
    %dot_general3A_46 = arith.constant dense<0.000000e+00> : vector<256x64xf32>
    %dot_general3A_47 = tpu.matmul %convert_element_type3A_44, %slice3A_45, %dot_general3A_46 {dimension_numbers = #tpu.dot_dimension_numbers<[0], [0], [1], [1], [0, 1, 1, 1], [], []>, transpose_lhs_hint = false} : vector<2048x256xbf16>, vector<2048x64xbf16>, vector<256x64xf32> -> vector<256x64xf32>
    %reduce_sum3A = arith.constant dense<0.000000e+00> : vector<256xf32>
    %reduce_sum3A_48 = vector.multi_reduction <add>, %select_n3A_43, %reduce_sum3A [0] : vector<2048x256xf32> to vector<256xf32>
    %broadcast_in_dim3A = vector.shape_cast %reduce_sum3A_48 : vector<256xf32> to vector<1x256xf32>
    %convert_element_type3A_49 = arith.truncf %select_n3A : vector<2048x256xf32> to vector<2048x256xbf16>
    %convert_element_type3A_50 = arith.truncf %dot_general3A_47 : vector<256x64xf32> to vector<256x64xbf16>
    %dot_general3A_51 = arith.constant dense<0.000000e+00> : vector<2048x64xf32>
    %dot_general3A_52 = tpu.matmul %convert_element_type3A_49, %convert_element_type3A_50, %dot_general3A_51 {dimension_numbers = #tpu.dot_dimension_numbers<[1], [0], [0], [1], [0, 0, 1, 1], [], []>, transpose_lhs_hint = false} : vector<2048x256xbf16>, vector<256x64xbf16>, vector<2048x64xf32> -> vector<2048x64xf32>
    %mul3A = vector.broadcast %broadcast_in_dim3A : vector<1x256xf32> to vector<2048x256xf32>
    %mul3A_53 = arith.mulf %select_n3A, %mul3A : vector<2048x256xf32>
    %reduce_sum3A_54 = arith.constant dense<0.000000e+00> : vector<2048xf32>
    %reduce_sum3A_55 = vector.multi_reduction <add>, %mul3A_53, %reduce_sum3A_54 [1] : vector<2048x256xf32> to vector<2048xf32>
    %broadcast_in_dim3A_56 = vector.shape_cast %reduce_sum3A_55 : vector<2048xf32> to vector<2048x1xf32>
    %add3A_57 = arith.constant 9.99999993E-9 : f32
    %add3A_58 = vector.broadcast %add3A_57 : f32 to vector<2048x1xf32>
    %add3A_59 = arith.addf %broadcast_in_dim3A_56, %add3A_58 : vector<2048x1xf32>
    %div3A = vector.broadcast %add3A_59 : vector<2048x1xf32> to vector<2048x64xf32>
    %div3A_60 = arith.divf %dot_general3A_52, %div3A : vector<2048x64xf32>
    %slice3A_61 = vector.extract_strided_slice %get3A_3 {offsets = [0, 64], sizes = [2048, 64], strides = [1, 1]} : vector<2048x128xbf16> to vector<2048x64xbf16>
    %dot_general3A_62 = arith.constant dense<0.000000e+00> : vector<2048x256xf32>
    %dot_general3A_63 = tpu.matmul %slice3A_61, %convert_element_type3A_13, %dot_general3A_62 {dimension_numbers = #tpu.dot_dimension_numbers<[1], [0], [0], [1], [0, 0, 1, 1], [], []>, transpose_lhs_hint = false} : vector<2048x64xbf16>, vector<64x256xbf16>, vector<2048x256xf32> -> vector<2048x256xf32>
    %add3A_64 = vector.broadcast %get3A_16 : vector<1x256xf32> to vector<2048x256xf32>
    %add3A_65 = arith.addf %dot_general3A_63, %add3A_64 : vector<2048x256xf32>
    %gt3A_66 = arith.constant 0.000000e+00 : f32
    %gt3A_67 = vector.broadcast %gt3A_66 : f32 to vector<2048x256xf32>
    %gt3A_68 = arith.cmpf ogt, %add3A_65, %gt3A_67 : vector<2048x256xf32>
    %add3A_69 = arith.constant 1.000000e+00 : f32
    %add3A_70 = vector.broadcast %add3A_69 : f32 to vector<2048x256xf32>
    %add3A_71 = arith.addf %add3A_65, %add3A_70 : vector<2048x256xf32>
    %exp3A_72 = math.exp %add3A_65 : vector<2048x256xf32>
    %select_n3A_73 = arith.select %gt3A_68, %add3A_71, %exp3A_72 : vector<2048x256xi1>, vector<2048x256xf32>
    %slice3A_74 = vector.extract_strided_slice %get3A_6 {offsets = [0, 64], sizes = [2048, 64], strides = [1, 1]} : vector<2048x128xbf16> to vector<2048x64xbf16>
    %dot_general3A_75 = arith.constant dense<0.000000e+00> : vector<2048x256xf32>
    %dot_general3A_76 = tpu.matmul %slice3A_74, %convert_element_type3A_20, %dot_general3A_75 {dimension_numbers = #tpu.dot_dimension_numbers<[1], [0], [0], [1], [0, 0, 1, 1], [], []>, transpose_lhs_hint = false} : vector<2048x64xbf16>, vector<64x256xbf16>, vector<2048x256xf32> -> vector<2048x256xf32>
    %add3A_77 = vector.broadcast %get3A_23 : vector<1x256xf32> to vector<2048x256xf32>
    %add3A_78 = arith.addf %dot_general3A_76, %add3A_77 : vector<2048x256xf32>
    %gt3A_79 = arith.constant 0.000000e+00 : f32
    %gt3A_80 = vector.broadcast %gt3A_79 : f32 to vector<2048x256xf32>
    %gt3A_81 = arith.cmpf ogt, %add3A_78, %gt3A_80 : vector<2048x256xf32>
    %add3A_82 = arith.constant 1.000000e+00 : f32
    %add3A_83 = vector.broadcast %add3A_82 : f32 to vector<2048x256xf32>
    %add3A_84 = arith.addf %add3A_78, %add3A_83 : vector<2048x256xf32>
    %exp3A_85 = math.exp %add3A_78 : vector<2048x256xf32>
    %select_n3A_86 = arith.select %gt3A_81, %add3A_84, %exp3A_85 : vector<2048x256xi1>, vector<2048x256xf32>
    %convert_element_type3A_87 = arith.truncf %select_n3A_86 : vector<2048x256xf32> to vector<2048x256xbf16>
    %slice3A_88 = vector.extract_strided_slice %get3A_9 {offsets = [0, 64], sizes = [2048, 64], strides = [1, 1]} : vector<2048x128xbf16> to vector<2048x64xbf16>
    %dot_general3A_89 = arith.constant dense<0.000000e+00> : vector<256x64xf32>
    %dot_general3A_90 = tpu.matmul %convert_element_type3A_87, %slice3A_88, %dot_general3A_89 {dimension_numbers = #tpu.dot_dimension_numbers<[0], [0], [1], [1], [0, 1, 1, 1], [], []>, transpose_lhs_hint = false} : vector<2048x256xbf16>, vector<2048x64xbf16>, vector<256x64xf32> -> vector<256x64xf32>
    %reduce_sum3A_91 = arith.constant dense<0.000000e+00> : vector<256xf32>
    %reduce_sum3A_92 = vector.multi_reduction <add>, %select_n3A_86, %reduce_sum3A_91 [0] : vector<2048x256xf32> to vector<256xf32>
    %broadcast_in_dim3A_93 = vector.shape_cast %reduce_sum3A_92 : vector<256xf32> to vector<1x256xf32>
    %convert_element_type3A_94 = arith.truncf %select_n3A_73 : vector<2048x256xf32> to vector<2048x256xbf16>
    %convert_element_type3A_95 = arith.truncf %dot_general3A_90 : vector<256x64xf32> to vector<256x64xbf16>
    %dot_general3A_96 = arith.constant dense<0.000000e+00> : vector<2048x64xf32>
    %dot_general3A_97 = tpu.matmul %convert_element_type3A_94, %convert_element_type3A_95, %dot_general3A_96 {dimension_numbers = #tpu.dot_dimension_numbers<[1], [0], [0], [1], [0, 0, 1, 1], [], []>, transpose_lhs_hint = false} : vector<2048x256xbf16>, vector<256x64xbf16>, vector<2048x64xf32> -> vector<2048x64xf32>
    %mul3A_98 = vector.broadcast %broadcast_in_dim3A_93 : vector<1x256xf32> to vector<2048x256xf32>
    %mul3A_99 = arith.mulf %select_n3A_73, %mul3A_98 : vector<2048x256xf32>
    %reduce_sum3A_100 = arith.constant dense<0.000000e+00> : vector<2048xf32>
    %reduce_sum3A_101 = vector.multi_reduction <add>, %mul3A_99, %reduce_sum3A_100 [1] : vector<2048x256xf32> to vector<2048xf32>
    %broadcast_in_dim3A_102 = vector.shape_cast %reduce_sum3A_101 : vector<2048xf32> to vector<2048x1xf32>
    %add3A_103 = arith.constant 9.99999993E-9 : f32
    %add3A_104 = vector.broadcast %add3A_103 : f32 to vector<2048x1xf32>
    %add3A_105 = arith.addf %broadcast_in_dim3A_102, %add3A_104 : vector<2048x1xf32>
    %div3A_106 = vector.broadcast %add3A_105 : vector<2048x1xf32> to vector<2048x64xf32>
    %div3A_107 = arith.divf %dot_general3A_97, %div3A_106 : vector<2048x64xf32>
    %concatenate3A = tpu.concatenate %div3A_60, %div3A_107 in 1 : vector<2048x64xf32>, vector<2048x64xf32> -> vector<2048x128xf32>
    %convert_element_type3A_108 = arith.truncf %concatenate3A : vector<2048x128xf32> to vector<2048x128xbf16>
    %swap3A = arith.constant 0 : index
    %swap3A_109 = arith.constant 0 : index
    %swap3A_110 = vector.load %arg19[%swap3A, %swap3A_109] : memref<2048x128xbf16, #tpu.memory_space<vmem>>, vector<2048x128xbf16>
    tpu.vector_store %arg19[%swap3A, %swap3A_109], %convert_element_type3A_108 {strides = array<i32>} : memref<2048x128xbf16, #tpu.memory_space<vmem>>, vector<2048x128xbf16>,
    %get3A_111 = arith.constant 0 : index
    %get3A_112 = arith.constant 0 : index
    %get3A_113 = vector.load %arg8[%get3A_111, %get3A_112] : memref<2048x128xbf16, #tpu.memory_space<vmem>>, vector<2048x128xbf16>
    %mul3A_114 = arith.constant 128 : i32
    %mul3A_115 = arith.muli %arg0, %mul3A_114 : i32
    %get3A_116 = arith.constant 0 : index
    %get3A_117 = arith.index_cast %mul3A_115 : i32 to index
    %get3A_118 = vector.load %arg22[%get3A_116, %get3A_117] : memref<16x2048xf32, #tpu.memory_space<vmem>>, vector<16x128xf32>
    %mul3A_119 = arith.constant 128 : i32
    %mul3A_120 = arith.muli %arg0, %mul3A_119 : i32
    %add3A_121 = arith.constant 1024 : i32
    %add3A_122 = arith.addi %add3A_121, %mul3A_120 : i32
    %get3A_123 = arith.constant 0 : index
    %get3A_124 = arith.index_cast %add3A_122 : i32 to index
    %get3A_125 = vector.load %arg22[%get3A_123, %get3A_124] : memref<16x2048xf32, #tpu.memory_space<vmem>>, vector<16x128xf32>
    %iota3A = tpu.iota {dimensions = array<i32: 1>} : vector<1x16xi32>
    %lt3A = arith.constant 10 : i32
    %lt3A_126 = vector.broadcast %lt3A : i32 to vector<1x16xi32>
    %lt3A_127 = arith.cmpi slt, %iota3A, %lt3A_126 : vector<1x16xi32>
    %iota3A_128 = tpu.iota {dimensions = array<i32: 0>} : vector<16x1xi32>
    %lt3A_129 = arith.constant 10 : i32
    %lt3A_130 = vector.broadcast %lt3A_129 : i32 to vector<16x1xi32>
    %lt3A_131 = arith.cmpi slt, %iota3A_128, %lt3A_130 : vector<16x1xi32>
    %slice3A_132 = vector.extract_strided_slice %get3A_118 {offsets = [0, 0], sizes = [16, 64], strides = [1, 1]} : vector<16x128xf32> to vector<16x64xf32>
    %slice3A_133 = vector.extract_strided_slice %get3A_125 {offsets = [0, 0], sizes = [16, 64], strides = [1, 1]} : vector<16x128xf32> to vector<16x64xf32>
    %slice3A_134 = vector.extract_strided_slice %get3A_113 {offsets = [0, 0], sizes = [2048, 64], strides = [1, 1]} : vector<2048x128xbf16> to vector<2048x64xbf16>
    %convert_element_type3A_135 = arith.truncf %slice3A_132 : vector<16x64xf32> to vector<16x64xbf16>
    %dot_general3A_136 = arith.constant dense<0.000000e+00> : vector<2048x16xf32>
    %dot_general3A_137 = tpu.matmul %slice3A_134, %convert_element_type3A_135, %dot_general3A_136 {dimension_numbers = #tpu.dot_dimension_numbers<[1], [1], [0], [0], [0, 0, 1, 0], [], []>, transpose_lhs_hint = false} : vector<2048x64xbf16>, vector<16x64xbf16>, vector<2048x16xf32> -> vector<2048x16xf32>
    %mul3A_138 = arith.constant 1.250000e-01 : f32
    %mul3A_139 = vector.broadcast %mul3A_138 : f32 to vector<2048x16xf32>
    %mul3A_140 = arith.mulf %dot_general3A_137, %mul3A_139 : vector<2048x16xf32>
    %jit3A = arith.constant 0xFF800000 : f32
    %broadcast_in_dim3A_141 = vector.shape_cast %lt3A_127 : vector<1x16xi1> to vector<1x16xi1>
    %broadcast_in_dim3A_142 = vector.broadcast %broadcast_in_dim3A_141 : vector<1x16xi1> to vector<2048x16xi1>
    %broadcast_in_dim3A_143 = vector.broadcast %jit3A : f32 to vector<2048x16xf32>
    %select_n3A_144 = arith.select %broadcast_in_dim3A_142, %mul3A_140, %broadcast_in_dim3A_143 : vector<2048x16xi1>, vector<2048x16xf32>
    %reduce_max3A = arith.constant dense<0xFF800000> : vector<2048xf32>
    %reduce_max3A_145 = vector.multi_reduction <maximumf>, %select_n3A_144, %reduce_max3A [1] : vector<2048x16xf32> to vector<2048xf32>
    %broadcast_in_dim3A_146 = vector.shape_cast %reduce_max3A_145 : vector<2048xf32> to vector<2048x1xf32>
    %max3A = arith.constant 0.000000e+00 : f32
    %max3A_147 = vector.broadcast %max3A : f32 to vector<2048x1xf32>
    %max3A_148 = arith.maximumf %broadcast_in_dim3A_146, %max3A_147 : vector<2048x1xf32>
    %sub3A = vector.broadcast %max3A_148 : vector<2048x1xf32> to vector<2048x16xf32>
    %sub3A_149 = arith.subf %select_n3A_144, %sub3A : vector<2048x16xf32>
    %exp3A_150 = math.exp %sub3A_149 : vector<2048x16xf32>
    %jit3A_151 = arith.constant 0.000000e+00 : f32
    %broadcast_in_dim3A_152 = vector.shape_cast %lt3A_127 : vector<1x16xi1> to vector<1x16xi1>
    %broadcast_in_dim3A_153 = vector.broadcast %broadcast_in_dim3A_152 : vector<1x16xi1> to vector<2048x16xi1>
    %broadcast_in_dim3A_154 = vector.broadcast %jit3A_151 : f32 to vector<2048x16xf32>
    %select_n3A_155 = arith.select %broadcast_in_dim3A_153, %exp3A_150, %broadcast_in_dim3A_154 : vector<2048x16xi1>, vector<2048x16xf32>
    %reduce_sum3A_156 = arith.constant dense<0.000000e+00> : vector<2048xf32>
    %reduce_sum3A_157 = vector.multi_reduction <add>, %select_n3A_155, %reduce_sum3A_156 [1] : vector<2048x16xf32> to vector<2048xf32>
    %broadcast_in_dim3A_158 = vector.shape_cast %reduce_sum3A_157 : vector<2048xf32> to vector<2048x1xf32>
    %neg3A = arith.constant 0.000000e+00 : f32
    %neg3A_159 = vector.broadcast %neg3A : f32 to vector<2048x1xf32>
    %neg3A_160 = arith.subf %neg3A_159, %max3A_148 : vector<2048x1xf32>
    %exp3A_161 = math.exp %neg3A_160 : vector<2048x1xf32>
    %jit3A_162 = arith.constant 0.000000e+00 : f32
    %broadcast_in_dim3A_163 = vector.shape_cast %lt3A_131 : vector<16x1xi1> to vector<16x1xi1>
    %broadcast_in_dim3A_164 = vector.broadcast %broadcast_in_dim3A_163 : vector<16x1xi1> to vector<16x64xi1>
    %broadcast_in_dim3A_165 = vector.broadcast %jit3A_162 : f32 to vector<16x64xf32>
    %select_n3A_166 = arith.select %broadcast_in_dim3A_164, %slice3A_133, %broadcast_in_dim3A_165 : vector<16x64xi1>, vector<16x64xf32>
    %reduce_sum3A_167 = arith.constant dense<0.000000e+00> : vector<64xf32>
    %reduce_sum3A_168 = vector.multi_reduction <add>, %select_n3A_166, %reduce_sum3A_167 [0] : vector<16x64xf32> to vector<64xf32>
    %broadcast_in_dim3A_169 = vector.shape_cast %reduce_sum3A_168 : vector<64xf32> to vector<1x64xf32>
    %slice3A_170 = vector.extract_strided_slice %slice3A_133 {offsets = [10, 0], sizes = [1, 64], strides = [1, 1]} : vector<16x64xf32> to vector<1x64xf32>
    %convert_element_type3A_171 = arith.truncf %select_n3A_155 : vector<2048x16xf32> to vector<2048x16xbf16>
    %convert_element_type3A_172 = arith.truncf %slice3A_133 : vector<16x64xf32> to vector<16x64xbf16>
    %dot_general3A_173 = arith.constant dense<0.000000e+00> : vector<2048x64xf32>
    %dot_general3A_174 = tpu.matmul %convert_element_type3A_171, %convert_element_type3A_172, %dot_general3A_173 {dimension_numbers = #tpu.dot_dimension_numbers<[1], [0], [0], [1], [0, 0, 1, 1], [], []>, transpose_lhs_hint = false} : vector<2048x16xbf16>, vector<16x64xbf16>, vector<2048x64xf32> -> vector<2048x64xf32>
    %sub3A_175 = arith.subf %slice3A_170, %broadcast_in_dim3A_169 : vector<1x64xf32>
    %mul3A_176 = vector.broadcast %exp3A_161 : vector<2048x1xf32> to vector<2048x64xf32>
    %mul3A_177 = vector.broadcast %sub3A_175 : vector<1x64xf32> to vector<2048x64xf32>
    %mul3A_178 = arith.mulf %mul3A_176, %mul3A_177 : vector<2048x64xf32>
    %add3A_179 = arith.addf %dot_general3A_174, %mul3A_178 : vector<2048x64xf32>
    %mul3A_180 = arith.constant 2.038000e+03 : f32
    %mul3A_181 = vector.broadcast %mul3A_180 : f32 to vector<2048x1xf32>
    %mul3A_182 = arith.mulf %exp3A_161, %mul3A_181 : vector<2048x1xf32>
    %add3A_183 = arith.addf %broadcast_in_dim3A_158, %mul3A_182 : vector<2048x1xf32>
    %div3A_184 = vector.broadcast %add3A_183 : vector<2048x1xf32> to vector<2048x64xf32>
    %div3A_185 = arith.divf %add3A_179, %div3A_184 : vector<2048x64xf32>
    %slice3A_186 = vector.extract_strided_slice %get3A_118 {offsets = [0, 64], sizes = [16, 64], strides = [1, 1]} : vector<16x128xf32> to vector<16x64xf32>
    %slice3A_187 = vector.extract_strided_slice %get3A_125 {offsets = [0, 64], sizes = [16, 64], strides = [1, 1]} : vector<16x128xf32> to vector<16x64xf32>
    %slice3A_188 = vector.extract_strided_slice %get3A_113 {offsets = [0, 64], sizes = [2048, 64], strides = [1, 1]} : vector<2048x128xbf16> to vector<2048x64xbf16>
    %convert_element_type3A_189 = arith.truncf %slice3A_186 : vector<16x64xf32> to vector<16x64xbf16>
    %dot_general3A_190 = arith.constant dense<0.000000e+00> : vector<2048x16xf32>
    %dot_general3A_191 = tpu.matmul %slice3A_188, %convert_element_type3A_189, %dot_general3A_190 {dimension_numbers = #tpu.dot_dimension_numbers<[1], [1], [0], [0], [0, 0, 1, 0], [], []>, transpose_lhs_hint = false} : vector<2048x64xbf16>, vector<16x64xbf16>, vector<2048x16xf32> -> vector<2048x16xf32>
    %mul3A_192 = arith.constant 1.250000e-01 : f32
    %mul3A_193 = vector.broadcast %mul3A_192 : f32 to vector<2048x16xf32>
    %mul3A_194 = arith.mulf %dot_general3A_191, %mul3A_193 : vector<2048x16xf32>
    %jit3A_195 = arith.constant 0xFF800000 : f32
    %broadcast_in_dim3A_196 = vector.shape_cast %lt3A_127 : vector<1x16xi1> to vector<1x16xi1>
    %broadcast_in_dim3A_197 = vector.broadcast %broadcast_in_dim3A_196 : vector<1x16xi1> to vector<2048x16xi1>
    %broadcast_in_dim3A_198 = vector.broadcast %jit3A_195 : f32 to vector<2048x16xf32>
    %select_n3A_199 = arith.select %broadcast_in_dim3A_197, %mul3A_194, %broadcast_in_dim3A_198 : vector<2048x16xi1>, vector<2048x16xf32>
    %reduce_max3A_200 = arith.constant dense<0xFF800000> : vector<2048xf32>
    %reduce_max3A_201 = vector.multi_reduction <maximumf>, %select_n3A_199, %reduce_max3A_200 [1] : vector<2048x16xf32> to vector<2048xf32>
    %broadcast_in_dim3A_202 = vector.shape_cast %reduce_max3A_201 : vector<2048xf32> to vector<2048x1xf32>
    %max3A_203 = arith.constant 0.000000e+00 : f32
    %max3A_204 = vector.broadcast %max3A_203 : f32 to vector<2048x1xf32>
    %max3A_205 = arith.maximumf %broadcast_in_dim3A_202, %max3A_204 : vector<2048x1xf32>
    %sub3A_206 = vector.broadcast %max3A_205 : vector<2048x1xf32> to vector<2048x16xf32>
    %sub3A_207 = arith.subf %select_n3A_199, %sub3A_206 : vector<2048x16xf32>
    %exp3A_208 = math.exp %sub3A_207 : vector<2048x16xf32>
    %jit3A_209 = arith.constant 0.000000e+00 : f32
    %broadcast_in_dim3A_210 = vector.shape_cast %lt3A_127 : vector<1x16xi1> to vector<1x16xi1>
    %broadcast_in_dim3A_211 = vector.broadcast %broadcast_in_dim3A_210 : vector<1x16xi1> to vector<2048x16xi1>
    %broadcast_in_dim3A_212 = vector.broadcast %jit3A_209 : f32 to vector<2048x16xf32>
    %select_n3A_213 = arith.select %broadcast_in_dim3A_211, %exp3A_208, %broadcast_in_dim3A_212 : vector<2048x16xi1>, vector<2048x16xf32>
    %reduce_sum3A_214 = arith.constant dense<0.000000e+00> : vector<2048xf32>
    %reduce_sum3A_215 = vector.multi_reduction <add>, %select_n3A_213, %reduce_sum3A_214 [1] : vector<2048x16xf32> to vector<2048xf32>
    %broadcast_in_dim3A_216 = vector.shape_cast %reduce_sum3A_215 : vector<2048xf32> to vector<2048x1xf32>
    %neg3A_217 = arith.constant 0.000000e+00 : f32
    %neg3A_218 = vector.broadcast %neg3A_217 : f32 to vector<2048x1xf32>
    %neg3A_219 = arith.subf %neg3A_218, %max3A_205 : vector<2048x1xf32>
    %exp3A_220 = math.exp %neg3A_219 : vector<2048x1xf32>
    %jit3A_221 = arith.constant 0.000000e+00 : f32
    %broadcast_in_dim3A_222 = vector.shape_cast %lt3A_131 : vector<16x1xi1> to vector<16x1xi1>
    %broadcast_in_dim3A_223 = vector.broadcast %broadcast_in_dim3A_222 : vector<16x1xi1> to vector<16x64xi1>
    %broadcast_in_dim3A_224 = vector.broadcast %jit3A_221 : f32 to vector<16x64xf32>
    %select_n3A_225 = arith.select %broadcast_in_dim3A_223, %slice3A_187, %broadcast_in_dim3A_224 : vector<16x64xi1>, vector<16x64xf32>
    %reduce_sum3A_226 = arith.constant dense<0.000000e+00> : vector<64xf32>
    %reduce_sum3A_227 = vector.multi_reduction <add>, %select_n3A_225, %reduce_sum3A_226 [0] : vector<16x64xf32> to vector<64xf32>
    %broadcast_in_dim3A_228 = vector.shape_cast %reduce_sum3A_227 : vector<64xf32> to vector<1x64xf32>
    %slice3A_229 = vector.extract_strided_slice %slice3A_187 {offsets = [10, 0], sizes = [1, 64], strides = [1, 1]} : vector<16x64xf32> to vector<1x64xf32>
    %convert_element_type3A_230 = arith.truncf %select_n3A_213 : vector<2048x16xf32> to vector<2048x16xbf16>
    %convert_element_type3A_231 = arith.truncf %slice3A_187 : vector<16x64xf32> to vector<16x64xbf16>
    %dot_general3A_232 = arith.constant dense<0.000000e+00> : vector<2048x64xf32>
    %dot_general3A_233 = tpu.matmul %convert_element_type3A_230, %convert_element_type3A_231, %dot_general3A_232 {dimension_numbers = #tpu.dot_dimension_numbers<[1], [0], [0], [1], [0, 0, 1, 1], [], []>, transpose_lhs_hint = false} : vector<2048x16xbf16>, vector<16x64xbf16>, vector<2048x64xf32> -> vector<2048x64xf32>
    %sub3A_234 = arith.subf %slice3A_229, %broadcast_in_dim3A_228 : vector<1x64xf32>
    %mul3A_235 = vector.broadcast %exp3A_220 : vector<2048x1xf32> to vector<2048x64xf32>
    %mul3A_236 = vector.broadcast %sub3A_234 : vector<1x64xf32> to vector<2048x64xf32>
    %mul3A_237 = arith.mulf %mul3A_235, %mul3A_236 : vector<2048x64xf32>
    %add3A_238 = arith.addf %dot_general3A_233, %mul3A_237 : vector<2048x64xf32>
    %mul3A_239 = arith.constant 2.038000e+03 : f32
    %mul3A_240 = vector.broadcast %mul3A_239 : f32 to vector<2048x1xf32>
    %mul3A_241 = arith.mulf %exp3A_220, %mul3A_240 : vector<2048x1xf32>
    %add3A_242 = arith.addf %broadcast_in_dim3A_216, %mul3A_241 : vector<2048x1xf32>
    %div3A_243 = vector.broadcast %add3A_242 : vector<2048x1xf32> to vector<2048x64xf32>
    %div3A_244 = arith.divf %add3A_238, %div3A_243 : vector<2048x64xf32>
    %concatenate3A_245 = tpu.concatenate %div3A_185, %div3A_244 in 1 : vector<2048x64xf32>, vector<2048x64xf32> -> vector<2048x128xf32>
    %convert_element_type3A_246 = arith.truncf %concatenate3A_245 : vector<2048x128xf32> to vector<2048x128xbf16>
    %swap3A_247 = arith.constant 0 : index
    %swap3A_248 = arith.constant 0 : index
    %swap3A_249 = vector.load %arg20[%swap3A_247, %swap3A_248] : memref<2048x128xbf16, #tpu.memory_space<vmem>>, vector<2048x128xbf16>
    tpu.vector_store %arg20[%swap3A_247, %swap3A_248], %convert_element_type3A_246 {strides = array<i32>} : memref<2048x128xbf16, #tpu.memory_space<vmem>>, vector<2048x128xbf16>,
    %eq3A_250 = arith.constant 0 : i32
    %eq3A_251 = arith.cmpi eq, %arg0, %eq3A_250 : i32
    %convert_element_type3A_252 = arith.extui %eq3A_251 : i1 to i32
    %cond3A_253 = arith.constant 0 : i32
    %cond3A_254 = arith.cmpi ne, %convert_element_type3A_252, %cond3A_253 : i32
    scf.if %cond3A_254 {
      %get3A_255 = arith.constant 0 : index
      %get3A_256 = arith.constant 0 : index
      %get3A_257 = vector.load %arg14[%get3A_255, %get3A_256] : memref<2048x1024xbf16, #tpu.memory_space<vmem>>, vector<2048x1024xbf16>
      %convert_element_type3A_258 = arith.extf %get3A_257 : vector<2048x1024xbf16> to vector<2048x1024xf32>
      %broadcast_in_dim3A_259 = arith.constant 0.000000e+00 : f32
      %broadcast_in_dim3A_260 = vector.broadcast %broadcast_in_dim3A_259 : f32 to vector<1x1024xf32>
      %slice3A_261 = vector.extract_strided_slice %convert_element_type3A_258 {offsets = [0, 0], sizes = [2047, 1024], strides = [1, 1]} : vector<2048x1024xf32> to vector<2047x1024xf32>
      %concatenate3A_262 = tpu.concatenate %broadcast_in_dim3A_260, %slice3A_261 in 0 : vector<1x1024xf32>, vector<2047x1024xf32> -> vector<2048x1024xf32>
      %slice3A_263 = vector.extract_strided_slice %convert_element_type3A_258 {offsets = [1, 0], sizes = [2047, 1024], strides = [1, 1]} : vector<2048x1024xf32> to vector<2047x1024xf32>
      %concatenate3A_264 = tpu.concatenate %slice3A_263, %broadcast_in_dim3A_260 in 0 : vector<2047x1024xf32>, vector<1x1024xf32> -> vector<2048x1024xf32>
      %get3A_265 = arith.constant 0 : index
      %get3A_266 = arith.constant 0 : index
      %get3A_267 = vector.load %arg15[%get3A_265, %get3A_266] : memref<3x1024xf32, #tpu.memory_space<vmem>>, vector<3x1024xf32>
      %slice3A_268 = vector.extract_strided_slice %get3A_267 {offsets = [0, 0], sizes = [1, 1024], strides = [1, 1]} : vector<3x1024xf32> to vector<1x1024xf32>
      %mul3A_269 = vector.broadcast %slice3A_268 : vector<1x1024xf32> to vector<2048x1024xf32>
      %mul3A_270 = arith.mulf %concatenate3A_262, %mul3A_269 : vector<2048x1024xf32>
      %slice3A_271 = vector.extract_strided_slice %get3A_267 {offsets = [1, 0], sizes = [1, 1024], strides = [1, 1]} : vector<3x1024xf32> to vector<1x1024xf32>
      %mul3A_272 = vector.broadcast %slice3A_271 : vector<1x1024xf32> to vector<2048x1024xf32>
      %mul3A_273 = arith.mulf %convert_element_type3A_258, %mul3A_272 : vector<2048x1024xf32>
      %add3A_274 = arith.addf %mul3A_270, %mul3A_273 : vector<2048x1024xf32>
      %slice3A_275 = vector.extract_strided_slice %get3A_267 {offsets = [2, 0], sizes = [1, 1024], strides = [1, 1]} : vector<3x1024xf32> to vector<1x1024xf32>
      %mul3A_276 = vector.broadcast %slice3A_275 : vector<1x1024xf32> to vector<2048x1024xf32>
      %mul3A_277 = arith.mulf %concatenate3A_264, %mul3A_276 : vector<2048x1024xf32>
      %add3A_278 = arith.addf %add3A_274, %mul3A_277 : vector<2048x1024xf32>
      %get3A_279 = arith.constant 0 : index
      %get3A_280 = arith.constant 0 : index
      %get3A_281 = vector.load %arg16[%get3A_279, %get3A_280] : memref<1x1024xf32, #tpu.memory_space<vmem>>, vector<1x1024xf32>
      %add3A_282 = vector.broadcast %get3A_281 : vector<1x1024xf32> to vector<2048x1024xf32>
      %add3A_283 = arith.addf %add3A_278, %add3A_282 : vector<2048x1024xf32>
      %convert_element_type3A_284 = arith.truncf %add3A_283 : vector<2048x1024xf32> to vector<2048x1024xbf16>
      %get3A_285 = arith.constant 0 : index
      %get3A_286 = arith.constant 0 : index
      %get3A_287 = vector.load %arg17[%get3A_285, %get3A_286] : memref<1024x1024xbf16, #tpu.memory_space<vmem>>, vector<1024x1024xbf16>
      %dot_general3A_288 = arith.constant dense<0.000000e+00> : vector<2048x1024xf32>
      %dot_general3A_289 = tpu.matmul %convert_element_type3A_284, %get3A_287, %dot_general3A_288 {dimension_numbers = #tpu.dot_dimension_numbers<[1], [0], [0], [1], [0, 0, 1, 1], [], []>, transpose_lhs_hint = false} : vector<2048x1024xbf16>, vector<1024x1024xbf16>, vector<2048x1024xf32> -> vector<2048x1024xf32>
      %get3A_290 = arith.constant 0 : index
      %get3A_291 = arith.constant 0 : index
      %get3A_292 = vector.load %arg18[%get3A_290, %get3A_291] : memref<1x1024xf32, #tpu.memory_space<vmem>>, vector<1x1024xf32>
      %add3A_293 = vector.broadcast %get3A_292 : vector<1x1024xf32> to vector<2048x1024xf32>
      %add3A_294 = arith.addf %dot_general3A_289, %add3A_293 : vector<2048x1024xf32>
      %mul3A_295 = arith.constant 5.000000e-01 : f32
      %mul3A_296 = vector.broadcast %mul3A_295 : f32 to vector<2048x1024xf32>
      %mul3A_297 = arith.mulf %mul3A_296, %add3A_294 : vector<2048x1024xf32>
      %mul3A_298 = arith.constant 0.707106769 : f32
      %mul3A_299 = vector.broadcast %mul3A_298 : f32 to vector<2048x1024xf32>
      %mul3A_300 = arith.mulf %add3A_294, %mul3A_299 : vector<2048x1024xf32>
      %erf3A = math.erf %mul3A_300 : vector<2048x1024xf32>
      %add3A_301 = arith.constant 1.000000e+00 : f32
      %add3A_302 = vector.broadcast %add3A_301 : f32 to vector<2048x1024xf32>
      %add3A_303 = arith.addf %add3A_302, %erf3A : vector<2048x1024xf32>
      %mul3A_304 = arith.mulf %mul3A_297, %add3A_303 : vector<2048x1024xf32>
      %convert_element_type3A_305 = arith.truncf %mul3A_304 : vector<2048x1024xf32> to vector<2048x1024xbf16>
      %swap3A_306 = arith.constant 0 : index
      %swap3A_307 = arith.constant 0 : index
      %swap3A_308 = vector.load %arg21[%swap3A_306, %swap3A_307] : memref<2048x1024xbf16, #tpu.memory_space<vmem>>, vector<2048x1024xbf16>
      tpu.vector_store %arg21[%swap3A_306, %swap3A_307], %convert_element_type3A_305 {strides = array<i32>} : memref<2048x1024xbf16, #tpu.memory_space<vmem>>, vector<2048x1024xbf16>,
    } else {
    }
    return
  }
  func.func @transform_0(%arg0: i32) -> (i32, i32) {
    %add3A = arith.constant 48 : i32
    %add3A_0 = arith.addi %add3A, %arg0 : i32
    %c0_i32 = arith.constant 0 : i32
    %c0_i32_1 = arith.constant 0 : i32
    return %c0_i32, %add3A_0 : i32, i32
  }
  func.func @transform_1(%arg0: i32) -> (i32, i32) {
    %add3A = arith.constant 56 : i32
    %add3A_0 = arith.addi %add3A, %arg0 : i32
    %c0_i32 = arith.constant 0 : i32
    %c0_i32_1 = arith.constant 0 : i32
    return %c0_i32, %add3A_0 : i32, i32
  }
  func.func @transform_2(%arg0: i32) -> (i32, i32) {
    %add3A = arith.constant 64 : i32
    %add3A_0 = arith.addi %add3A, %arg0 : i32
    %c0_i32 = arith.constant 0 : i32
    %c0_i32_1 = arith.constant 0 : i32
    return %c0_i32, %add3A_0 : i32, i32
  }
  func.func @transform_3(%arg0: i32) -> (i32, i32) {
    %c0_i32 = arith.constant 0 : i32
    %c0_i32_0 = arith.constant 0 : i32
    %c0_i32_1 = arith.constant 0 : i32
    return %c0_i32, %c0_i32_0 : i32, i32
  }
  func.func @transform_4(%arg0: i32) -> (i32, i32) {
    %c0_i32 = arith.constant 0 : i32
    %c0_i32_0 = arith.constant 0 : i32
    %c0_i32_1 = arith.constant 0 : i32
    return %c0_i32, %c0_i32_0 : i32, i32
  }
  func.func @transform_5(%arg0: i32) -> (i32, i32) {
    %c0_i32 = arith.constant 0 : i32
    %c0_i32_0 = arith.constant 0 : i32
    %c0_i32_1 = arith.constant 0 : i32
    return %c0_i32, %c0_i32_0 : i32, i32
  }
  func.func @transform_6(%arg0: i32) -> (i32, i32) {
    %c0_i32 = arith.constant 0 : i32
    %c0_i32_0 = arith.constant 0 : i32
    %c0_i32_1 = arith.constant 0 : i32
    return %c0_i32, %c0_i32_0 : i32, i32
  }
  func.func @transform_7(%arg0: i32) -> (i32, i32) {
    %add3A = arith.constant 72 : i32
    %add3A_0 = arith.addi %add3A, %arg0 : i32
    %c0_i32 = arith.constant 0 : i32
    %c0_i32_1 = arith.constant 0 : i32
    return %c0_i32, %add3A_0 : i32, i32
  }
  func.func @transform_8(%arg0: i32) -> (i32, i32) {
    %c0_i32 = arith.constant 0 : i32
    %c0_i32_0 = arith.constant 0 : i32
    %c0_i32_1 = arith.constant 0 : i32
    return %c0_i32, %c0_i32_0 : i32, i32
  }
  func.func @transform_9(%arg0: i32) -> (i32, i32) {
    %c0_i32 = arith.constant 0 : i32
    %c0_i32_0 = arith.constant 0 : i32
    %c0_i32_1 = arith.constant 0 : i32
    return %c0_i32, %c0_i32_0 : i32, i32
  }
  func.func @transform_10(%arg0: i32) -> (i32, i32) {
    %c0_i32 = arith.constant 0 : i32
    %c0_i32_0 = arith.constant 0 : i32
    %c0_i32_1 = arith.constant 0 : i32
    return %c0_i32, %c0_i32_0 : i32, i32
  }
  func.func @transform_11(%arg0: i32) -> (i32, i32) {
    %c0_i32 = arith.constant 0 : i32
    %c0_i32_0 = arith.constant 0 : i32
    %c0_i32_1 = arith.constant 0 : i32
    return %c0_i32, %c0_i32_0 : i32, i32
  }
  func.func @transform_12(%arg0: i32) -> (i32, i32) {
    %c0_i32 = arith.constant 0 : i32
    %c0_i32_0 = arith.constant 0 : i32
    %c0_i32_1 = arith.constant 0 : i32
    return %c0_i32, %c0_i32_0 : i32, i32
  }
  func.func @transform_13(%arg0: i32) -> (i32, i32) {
    %c0_i32 = arith.constant 0 : i32
    %c0_i32_0 = arith.constant 0 : i32
    %c0_i32_1 = arith.constant 0 : i32
    return %c0_i32, %c0_i32_0 : i32, i32
  }
  func.func @transform_14(%arg0: i32) -> (i32, i32) {
    %c0_i32 = arith.constant 0 : i32
    %c0_i32_0 = arith.constant 0 : i32
    %c0_i32_1 = arith.constant 0 : i32
    return %c0_i32, %c0_i32_0 : i32, i32
  }
  func.func @transform_15(%arg0: i32) -> (i32, i32) {
    %c0_i32 = arith.constant 0 : i32
    %c0_i32_0 = arith.constant 0 : i32
    %c0_i32_1 = arith.constant 0 : i32
    return %c0_i32, %c0_i32_0 : i32, i32
  }
  func.func @transform_16(%arg0: i32) -> (i32, i32) {
    %c0_i32 = arith.constant 0 : i32
    %c0_i32_0 = arith.constant 0 : i32
    %c0_i32_1 = arith.constant 0 : i32
    return %c0_i32, %c0_i32_0 : i32, i32
  }
  func.func @transform_17(%arg0: i32) -> (i32, i32) {
    %c0_i32 = arith.constant 0 : i32
    %c0_i32_0 = arith.constant 0 : i32
    %c0_i32_1 = arith.constant 0 : i32
    return %c0_i32, %c0_i32_0 : i32, i32
  }
  func.func @transform_18(%arg0: i32) -> (i32, i32) {
    %c0_i32 = arith.constant 0 : i32
    %c0_i32_0 = arith.constant 0 : i32
    return %c0_i32, %arg0 : i32, i32
  }
  func.func @transform_19(%arg0: i32) -> (i32, i32) {
    %c0_i32 = arith.constant 0 : i32
    %c0_i32_0 = arith.constant 0 : i32
    return %c0_i32, %arg0 : i32, i32
  }
  func.func @transform_20(%arg0: i32) -> (i32, i32) {
    %c0_i32 = arith.constant 0 : i32
    %c0_i32_0 = arith.constant 0 : i32
    %c0_i32_1 = arith.constant 0 : i32
    return %c0_i32, %c0_i32_0 : i32, i32
  }
}

module attributes {stable_mosaic.version = 14 : i64} {
  func.func @_out_body(%arg0: i32, %arg1: memref<512x128xf32, #tpu.memory_space<vmem>>, %arg2: memref<512x1024xbf16, #tpu.memory_space<vmem>>, %arg3: memref<512x1024xbf16, #tpu.memory_space<vmem>>, %arg4: memref<512x1024xbf16, #tpu.memory_space<vmem>>, %arg5: memref<512x1024xbf16, #tpu.memory_space<vmem>>, %arg6: memref<512x1024xbf16, #tpu.memory_space<vmem>>, %arg7: memref<1024x1024xbf16, #tpu.memory_space<vmem>>, %arg8: memref<1024x1024xbf16, #tpu.memory_space<vmem>>, %arg9: memref<1024x1024xbf16, #tpu.memory_space<vmem>>, %arg10: memref<1024x1024xbf16, #tpu.memory_space<vmem>>, %arg11: memref<1024x1024xbf16, #tpu.memory_space<vmem>>, %arg12: memref<8x1024xf32, #tpu.memory_space<vmem>>, %arg13: memref<512x1024xf32, #tpu.memory_space<vmem>>) attributes {dimension_semantics = [#tpu.dimension_semantics<arbitrary>], iteration_bounds = array<i64: 4>, scalar_prefetch = 0 : i64, scratch_operands = 0 : i64, tpu.core_type = #tpu.core_type<tc>, window_params = [{transform_indices = @transform_0, window_bounds = array<i64: 512, 128>}, {transform_indices = @transform_1, window_bounds = array<i64: 512, 1024>}, {transform_indices = @transform_2, window_bounds = array<i64: 512, 1024>}, {transform_indices = @transform_3, window_bounds = array<i64: 512, 1024>}, {transform_indices = @transform_4, window_bounds = array<i64: 512, 1024>}, {transform_indices = @transform_5, window_bounds = array<i64: 512, 1024>}, {pipeline_mode = #tpu.pipeline_mode<synchronous>, transform_indices = @transform_6, window_bounds = array<i64: 1024, 1024>}, {pipeline_mode = #tpu.pipeline_mode<synchronous>, transform_indices = @transform_7, window_bounds = array<i64: 1024, 1024>}, {pipeline_mode = #tpu.pipeline_mode<synchronous>, transform_indices = @transform_8, window_bounds = array<i64: 1024, 1024>}, {pipeline_mode = #tpu.pipeline_mode<synchronous>, transform_indices = @transform_9, window_bounds = array<i64: 1024, 1024>}, {pipeline_mode = #tpu.pipeline_mode<synchronous>, transform_indices = @transform_10, window_bounds = array<i64: 1024, 1024>}, {pipeline_mode = #tpu.pipeline_mode<synchronous>, transform_indices = @transform_11, window_bounds = array<i64: 8, 1024>}, {transform_indices = @transform_12, window_bounds = array<i64: 512, 1024>}]} {
    %get3A = arith.constant 0 : index
    %get3A_0 = arith.constant 0 : index
    %get3A_1 = vector.load %arg1[%get3A, %get3A_0] : memref<512x128xf32, #tpu.memory_space<vmem>>, vector<512x128xf32>
    %slice3A = vector.extract_strided_slice %get3A_1 {offsets = [0, 0], sizes = [512, 1], strides = [1, 1]} : vector<512x128xf32> to vector<512x1xf32>
    %slice3A_2 = vector.extract_strided_slice %get3A_1 {offsets = [0, 1], sizes = [512, 1], strides = [1, 1]} : vector<512x128xf32> to vector<512x1xf32>
    %max3A = arith.maximumf %slice3A, %slice3A_2 : vector<512x1xf32>
    %sub3A = arith.subf %slice3A, %max3A : vector<512x1xf32>
    %exp3A = math.exp %sub3A : vector<512x1xf32>
    %sub3A_3 = arith.subf %slice3A_2, %max3A : vector<512x1xf32>
    %exp3A_4 = math.exp %sub3A_3 : vector<512x1xf32>
    %add3A = arith.addf %exp3A, %exp3A_4 : vector<512x1xf32>
    %div3A = arith.divf %exp3A, %add3A : vector<512x1xf32>
    %div3A_5 = arith.divf %exp3A_4, %add3A : vector<512x1xf32>
    %slice3A_6 = vector.extract_strided_slice %get3A_1 {offsets = [0, 2], sizes = [512, 1], strides = [1, 1]} : vector<512x128xf32> to vector<512x1xf32>
    %slice3A_7 = vector.extract_strided_slice %get3A_1 {offsets = [0, 3], sizes = [512, 1], strides = [1, 1]} : vector<512x128xf32> to vector<512x1xf32>
    %max3A_8 = arith.maximumf %slice3A_6, %slice3A_7 : vector<512x1xf32>
    %sub3A_9 = arith.subf %slice3A_6, %max3A_8 : vector<512x1xf32>
    %exp3A_10 = math.exp %sub3A_9 : vector<512x1xf32>
    %sub3A_11 = arith.subf %slice3A_7, %max3A_8 : vector<512x1xf32>
    %exp3A_12 = math.exp %sub3A_11 : vector<512x1xf32>
    %add3A_13 = arith.addf %exp3A_10, %exp3A_12 : vector<512x1xf32>
    %div3A_14 = arith.divf %exp3A_10, %add3A_13 : vector<512x1xf32>
    %div3A_15 = arith.divf %exp3A_12, %add3A_13 : vector<512x1xf32>
    %slice3A_16 = vector.extract_strided_slice %get3A_1 {offsets = [0, 4], sizes = [512, 1], strides = [1, 1]} : vector<512x128xf32> to vector<512x1xf32>
    %slice3A_17 = vector.extract_strided_slice %get3A_1 {offsets = [0, 5], sizes = [512, 1], strides = [1, 1]} : vector<512x128xf32> to vector<512x1xf32>
    %max3A_18 = arith.maximumf %slice3A_16, %slice3A_17 : vector<512x1xf32>
    %sub3A_19 = arith.subf %slice3A_16, %max3A_18 : vector<512x1xf32>
    %exp3A_20 = math.exp %sub3A_19 : vector<512x1xf32>
    %sub3A_21 = arith.subf %slice3A_17, %max3A_18 : vector<512x1xf32>
    %exp3A_22 = math.exp %sub3A_21 : vector<512x1xf32>
    %add3A_23 = arith.addf %exp3A_20, %exp3A_22 : vector<512x1xf32>
    %div3A_24 = arith.divf %exp3A_20, %add3A_23 : vector<512x1xf32>
    %div3A_25 = arith.divf %exp3A_22, %add3A_23 : vector<512x1xf32>
    %mul3A = arith.mulf %div3A, %div3A_14 : vector<512x1xf32>
    %mul3A_26 = arith.mulf %div3A, %div3A_15 : vector<512x1xf32>
    %mul3A_27 = arith.mulf %div3A_5, %div3A_24 : vector<512x1xf32>
    %mul3A_28 = arith.mulf %div3A_5, %div3A_25 : vector<512x1xf32>
    %get3A_29 = arith.constant 0 : index
    %get3A_30 = arith.constant 0 : index
    %get3A_31 = vector.load %arg2[%get3A_29, %get3A_30] : memref<512x1024xbf16, #tpu.memory_space<vmem>>, vector<512x1024xbf16>
    %convert_element_type3A = arith.truncf %mul3A : vector<512x1xf32> to vector<512x1xbf16>
    %mul3A_32 = vector.broadcast %convert_element_type3A : vector<512x1xbf16> to vector<512x1024xbf16>
    %mul3A_33 = arith.mulf %mul3A_32, %get3A_31 : vector<512x1024xbf16>
    %get3A_34 = arith.constant 0 : index
    %get3A_35 = arith.constant 0 : index
    %get3A_36 = vector.load %arg7[%get3A_34, %get3A_35] : memref<1024x1024xbf16, #tpu.memory_space<vmem>>, vector<1024x1024xbf16>
    %dot_general3A = arith.constant dense<0.000000e+00> : vector<512x1024xf32>
    %dot_general3A_37 = tpu.matmul %mul3A_33, %get3A_36, %dot_general3A {dimension_numbers = #tpu.dot_dimension_numbers<[1], [0], [0], [1], [0, 0, 1, 1], [], []>, transpose_lhs_hint = false} : vector<512x1024xbf16>, vector<1024x1024xbf16>, vector<512x1024xf32> -> vector<512x1024xf32>
    %get3A_38 = arith.constant 0 : index
    %get3A_39 = arith.constant 0 : index
    %get3A_40 = vector.load %arg4[%get3A_38, %get3A_39] : memref<512x1024xbf16, #tpu.memory_space<vmem>>, vector<512x1024xbf16>
    %convert_element_type3A_41 = arith.truncf %mul3A_26 : vector<512x1xf32> to vector<512x1xbf16>
    %mul3A_42 = vector.broadcast %convert_element_type3A_41 : vector<512x1xbf16> to vector<512x1024xbf16>
    %mul3A_43 = arith.mulf %mul3A_42, %get3A_40 : vector<512x1024xbf16>
    %get3A_44 = arith.constant 0 : index
    %get3A_45 = arith.constant 0 : index
    %get3A_46 = vector.load %arg8[%get3A_44, %get3A_45] : memref<1024x1024xbf16, #tpu.memory_space<vmem>>, vector<1024x1024xbf16>
    %dot_general3A_47 = arith.constant dense<0.000000e+00> : vector<512x1024xf32>
    %dot_general3A_48 = tpu.matmul %mul3A_43, %get3A_46, %dot_general3A_47 {dimension_numbers = #tpu.dot_dimension_numbers<[1], [0], [0], [1], [0, 0, 1, 1], [], []>, transpose_lhs_hint = false} : vector<512x1024xbf16>, vector<1024x1024xbf16>, vector<512x1024xf32> -> vector<512x1024xf32>
    %add3A_49 = arith.addf %dot_general3A_37, %dot_general3A_48 : vector<512x1024xf32>
    %get3A_50 = arith.constant 0 : index
    %get3A_51 = arith.constant 0 : index
    %get3A_52 = vector.load %arg5[%get3A_50, %get3A_51] : memref<512x1024xbf16, #tpu.memory_space<vmem>>, vector<512x1024xbf16>
    %convert_element_type3A_53 = arith.truncf %mul3A_27 : vector<512x1xf32> to vector<512x1xbf16>
    %mul3A_54 = vector.broadcast %convert_element_type3A_53 : vector<512x1xbf16> to vector<512x1024xbf16>
    %mul3A_55 = arith.mulf %mul3A_54, %get3A_52 : vector<512x1024xbf16>
    %get3A_56 = arith.constant 0 : index
    %get3A_57 = arith.constant 0 : index
    %get3A_58 = vector.load %arg9[%get3A_56, %get3A_57] : memref<1024x1024xbf16, #tpu.memory_space<vmem>>, vector<1024x1024xbf16>
    %dot_general3A_59 = arith.constant dense<0.000000e+00> : vector<512x1024xf32>
    %dot_general3A_60 = tpu.matmul %mul3A_55, %get3A_58, %dot_general3A_59 {dimension_numbers = #tpu.dot_dimension_numbers<[1], [0], [0], [1], [0, 0, 1, 1], [], []>, transpose_lhs_hint = false} : vector<512x1024xbf16>, vector<1024x1024xbf16>, vector<512x1024xf32> -> vector<512x1024xf32>
    %add3A_61 = arith.addf %add3A_49, %dot_general3A_60 : vector<512x1024xf32>
    %get3A_62 = arith.constant 0 : index
    %get3A_63 = arith.constant 0 : index
    %get3A_64 = vector.load %arg3[%get3A_62, %get3A_63] : memref<512x1024xbf16, #tpu.memory_space<vmem>>, vector<512x1024xbf16>
    %convert_element_type3A_65 = arith.truncf %mul3A_28 : vector<512x1xf32> to vector<512x1xbf16>
    %mul3A_66 = vector.broadcast %convert_element_type3A_65 : vector<512x1xbf16> to vector<512x1024xbf16>
    %mul3A_67 = arith.mulf %mul3A_66, %get3A_64 : vector<512x1024xbf16>
    %get3A_68 = arith.constant 0 : index
    %get3A_69 = arith.constant 0 : index
    %get3A_70 = vector.load %arg10[%get3A_68, %get3A_69] : memref<1024x1024xbf16, #tpu.memory_space<vmem>>, vector<1024x1024xbf16>
    %dot_general3A_71 = arith.constant dense<0.000000e+00> : vector<512x1024xf32>
    %dot_general3A_72 = tpu.matmul %mul3A_67, %get3A_70, %dot_general3A_71 {dimension_numbers = #tpu.dot_dimension_numbers<[1], [0], [0], [1], [0, 0, 1, 1], [], []>, transpose_lhs_hint = false} : vector<512x1024xbf16>, vector<1024x1024xbf16>, vector<512x1024xf32> -> vector<512x1024xf32>
    %add3A_73 = arith.addf %add3A_61, %dot_general3A_72 : vector<512x1024xf32>
    %get3A_74 = arith.constant 0 : index
    %get3A_75 = arith.constant 0 : index
    %get3A_76 = vector.load %arg6[%get3A_74, %get3A_75] : memref<512x1024xbf16, #tpu.memory_space<vmem>>, vector<512x1024xbf16>
    %convert_element_type3A_77 = arith.truncf %mul3A_28 : vector<512x1xf32> to vector<512x1xbf16>
    %mul3A_78 = vector.broadcast %convert_element_type3A_77 : vector<512x1xbf16> to vector<512x1024xbf16>
    %mul3A_79 = arith.mulf %mul3A_78, %get3A_76 : vector<512x1024xbf16>
    %get3A_80 = arith.constant 0 : index
    %get3A_81 = arith.constant 0 : index
    %get3A_82 = vector.load %arg11[%get3A_80, %get3A_81] : memref<1024x1024xbf16, #tpu.memory_space<vmem>>, vector<1024x1024xbf16>
    %dot_general3A_83 = arith.constant dense<0.000000e+00> : vector<512x1024xf32>
    %dot_general3A_84 = tpu.matmul %mul3A_79, %get3A_82, %dot_general3A_83 {dimension_numbers = #tpu.dot_dimension_numbers<[1], [0], [0], [1], [0, 0, 1, 1], [], []>, transpose_lhs_hint = false} : vector<512x1024xbf16>, vector<1024x1024xbf16>, vector<512x1024xf32> -> vector<512x1024xf32>
    %add3A_85 = arith.addf %add3A_73, %dot_general3A_84 : vector<512x1024xf32>
    %get3A_86 = arith.constant 0 : index
    %get3A_87 = arith.constant 0 : index
    %get3A_88 = vector.load %arg12[%get3A_86, %get3A_87] : memref<8x1024xf32, #tpu.memory_space<vmem>>, vector<8x1024xf32>
    %slice3A_89 = vector.extract_strided_slice %get3A_88 {offsets = [0, 0], sizes = [1, 1024], strides = [1, 1]} : vector<8x1024xf32> to vector<1x1024xf32>
    %mul3A_90 = vector.broadcast %mul3A : vector<512x1xf32> to vector<512x1024xf32>
    %mul3A_91 = vector.broadcast %slice3A_89 : vector<1x1024xf32> to vector<512x1024xf32>
    %mul3A_92 = arith.mulf %mul3A_90, %mul3A_91 : vector<512x1024xf32>
    %slice3A_93 = vector.extract_strided_slice %get3A_88 {offsets = [1, 0], sizes = [1, 1024], strides = [1, 1]} : vector<8x1024xf32> to vector<1x1024xf32>
    %mul3A_94 = vector.broadcast %mul3A_26 : vector<512x1xf32> to vector<512x1024xf32>
    %mul3A_95 = vector.broadcast %slice3A_93 : vector<1x1024xf32> to vector<512x1024xf32>
    %mul3A_96 = arith.mulf %mul3A_94, %mul3A_95 : vector<512x1024xf32>
    %add3A_97 = arith.addf %mul3A_92, %mul3A_96 : vector<512x1024xf32>
    %slice3A_98 = vector.extract_strided_slice %get3A_88 {offsets = [2, 0], sizes = [1, 1024], strides = [1, 1]} : vector<8x1024xf32> to vector<1x1024xf32>
    %mul3A_99 = vector.broadcast %mul3A_27 : vector<512x1xf32> to vector<512x1024xf32>
    %mul3A_100 = vector.broadcast %slice3A_98 : vector<1x1024xf32> to vector<512x1024xf32>
    %mul3A_101 = arith.mulf %mul3A_99, %mul3A_100 : vector<512x1024xf32>
    %add3A_102 = arith.addf %add3A_97, %mul3A_101 : vector<512x1024xf32>
    %slice3A_103 = vector.extract_strided_slice %get3A_88 {offsets = [3, 0], sizes = [1, 1024], strides = [1, 1]} : vector<8x1024xf32> to vector<1x1024xf32>
    %mul3A_104 = vector.broadcast %mul3A_28 : vector<512x1xf32> to vector<512x1024xf32>
    %mul3A_105 = vector.broadcast %slice3A_103 : vector<1x1024xf32> to vector<512x1024xf32>
    %mul3A_106 = arith.mulf %mul3A_104, %mul3A_105 : vector<512x1024xf32>
    %add3A_107 = arith.addf %add3A_102, %mul3A_106 : vector<512x1024xf32>
    %add3A_108 = arith.addf %add3A_85, %add3A_107 : vector<512x1024xf32>
    %swap3A = arith.constant 0 : index
    %swap3A_109 = arith.constant 0 : index
    %swap3A_110 = vector.load %arg13[%swap3A, %swap3A_109] : memref<512x1024xf32, #tpu.memory_space<vmem>>, vector<512x1024xf32>
    tpu.vector_store %arg13[%swap3A, %swap3A_109], %add3A_108 {strides = array<i32>} : memref<512x1024xf32, #tpu.memory_space<vmem>>, vector<512x1024xf32>,
    return
  }
  func.func @transform_0(%arg0: i32) -> (i32, i32) {
    %c0_i32 = arith.constant 0 : i32
    %c0_i32_0 = arith.constant 0 : i32
    return %arg0, %c0_i32 : i32, i32
  }
  func.func @transform_1(%arg0: i32) -> (i32, i32) {
    %c0_i32 = arith.constant 0 : i32
    %c0_i32_0 = arith.constant 0 : i32
    return %arg0, %c0_i32 : i32, i32
  }
  func.func @transform_2(%arg0: i32) -> (i32, i32) {
    %c1_i32 = arith.constant 1 : i32
    %c0_i32 = arith.constant 0 : i32
    return %arg0, %c1_i32 : i32, i32
  }
  func.func @transform_3(%arg0: i32) -> (i32, i32) {
    %c0_i32 = arith.constant 0 : i32
    %c0_i32_0 = arith.constant 0 : i32
    return %arg0, %c0_i32 : i32, i32
  }
  func.func @transform_4(%arg0: i32) -> (i32, i32) {
    %c0_i32 = arith.constant 0 : i32
    %c0_i32_0 = arith.constant 0 : i32
    return %arg0, %c0_i32 : i32, i32
  }
  func.func @transform_5(%arg0: i32) -> (i32, i32) {
    %c0_i32 = arith.constant 0 : i32
    %c0_i32_0 = arith.constant 0 : i32
    return %arg0, %c0_i32 : i32, i32
  }
  func.func @transform_6(%arg0: i32) -> (i32, i32) {
    %c0_i32 = arith.constant 0 : i32
    %c0_i32_0 = arith.constant 0 : i32
    %c0_i32_1 = arith.constant 0 : i32
    return %c0_i32, %c0_i32_0 : i32, i32
  }
  func.func @transform_7(%arg0: i32) -> (i32, i32) {
    %c0_i32 = arith.constant 0 : i32
    %c0_i32_0 = arith.constant 0 : i32
    %c0_i32_1 = arith.constant 0 : i32
    return %c0_i32, %c0_i32_0 : i32, i32
  }
  func.func @transform_8(%arg0: i32) -> (i32, i32) {
    %c0_i32 = arith.constant 0 : i32
    %c0_i32_0 = arith.constant 0 : i32
    %c0_i32_1 = arith.constant 0 : i32
    return %c0_i32, %c0_i32_0 : i32, i32
  }
  func.func @transform_9(%arg0: i32) -> (i32, i32) {
    %c0_i32 = arith.constant 0 : i32
    %c0_i32_0 = arith.constant 0 : i32
    %c0_i32_1 = arith.constant 0 : i32
    return %c0_i32, %c0_i32_0 : i32, i32
  }
  func.func @transform_10(%arg0: i32) -> (i32, i32) {
    %c0_i32 = arith.constant 0 : i32
    %c0_i32_0 = arith.constant 0 : i32
    %c0_i32_1 = arith.constant 0 : i32
    return %c0_i32, %c0_i32_0 : i32, i32
  }
  func.func @transform_11(%arg0: i32) -> (i32, i32) {
    %c0_i32 = arith.constant 0 : i32
    %c0_i32_0 = arith.constant 0 : i32
    %c0_i32_1 = arith.constant 0 : i32
    return %c0_i32, %c0_i32_0 : i32, i32
  }
  func.func @transform_12(%arg0: i32) -> (i32, i32) {
    %c0_i32 = arith.constant 0 : i32
    %c0_i32_0 = arith.constant 0 : i32
    return %arg0, %c0_i32 : i32, i32
  }
}

</mosaic_0001>

<sc_bundles>
// kernel: kernel.8.cloned.1.call-start
scs
__scs_entry_jumppad:
0x0: {  	(pc) =	sbr.rel $0x88, $3  }
0x1: {  	(tag) =	ssettag $0x0;
	lr =	simm.s32 $0x1  }
0x2: {  	[smem:$0x3F6E] =	sst lr;
	_ =	strace $0xD0000000  }
0x3: {  	_ = 	snop  }
0x4: {  	_ = 	snop  }
0x5: {  	_ = 	snop  }
0x6: {  	_ = 	snop  }
0x7: {  	_ = 	snop  }
__scs_overlays_trampoline_lowered:
0x8: {  	[smem:$0x3F7D] =	sst s0  }
0x9: {  	[smem:$0x3F7E] =	sst s1  }
0xa: {  	[smem:$0x3F7F] =	sst s2  }
0xb: {  	[smem:$0x3F80] =	sst s3  }
0xc: {  	[smem:$0x3F81] =	sst s4  }
0xd: {  	[smem:$0x3F82] =	sst s5  }
0xe: {  	[smem:$0x3F83] =	sst s6  }
0xf: {  	[smem:$0x3F84] =	sst s7  }
0x10: {  	[smem:$0x3F85] =	sst s8  }
0x11: {  	[smem:$0x3F86] =	sst s9;
	s0 =	simm.s32 @!p0 $0x0  }
0x12: {  	s1 =	sld [smem:$0x3F6C];
	s0 =	simm.s32 @p0 $0x1  }
0x13: {  	[smem:$0x3F87] =	sst s0;
	s0 =	simm.s32 @!p1 $0x0  }
0x14: {  	s2 =	sld [smem:$0x3F6B];
	s0 =	simm.s32 @p1 $0x1  }
0x15: {  	[smem:$0x3F88] =	sst s0;
	s0 =	simm.s32 @!p2 $0x0  }
0x16: {  	s3 =	sld [smem:$0x3FDB];
	s0 =	simm.s32 @p2 $0x1  }
0x17: {  	s4 =	simm.s32 $0x1BF5;
	[smem:$0x3F8A] =	sst s0  }
0x18: {  	s0 =	sld [smem:$0x3F6D];
	_ =	swait.ge [sflag:s4], $0x0  }
0x19: {  	s7 =	sld [smem:$0x3F6E]  }
0x1a: {  	s8 =	sadd.s32 $0xFFFFE003, lr  }
0x1b: {  	s9 =	sadd.s32 $0xFFFFFEF7, lr;
	s5 =	simm.s32 $0xFFFFFFFF;
	p2 =	slt.u32 s8, $0xFFFFF086  }
0x1c: {  	p1 =	slt.u32 s9, $0xF7A;
	s5 =	simm.s32 @!p2 $0x0  }
0x1d: {  	s5 =	simm.s32 @p1 $0x1;
	p0 =	seq.s32 s7, s2  }
0x1e: {  	s7 =	smul.u32 @!p0 $0xF7A, s2;
	p2 =	seq.s32 @!p0 s5, $0x0  }
0x1f: {  	s9 =	smul.u32 $0xF7A, s1;
	s8 =	simm.s32 @!p0 $0x1BF5;
	p2 =	por !p2, p0  }
0x20: {  	[sflag:s8] =	ssyncset.s32 @!p0 $0xFFFFF086;
	s6 =	sadd.s32 @!p0 s3, s7;
	s7 =	simm.s32 @!p0 $0x108  }
0x21: {  	s3 =	sadd.s32 s3, s9;
	s6 =	sadd.s32 @!p0 $0x88, s6;
	s7 =	simm.s32 @p2 $0x1082  }
0x22: {  	[simem:s7], [sflag:s8] =	dma.local @!p0 [hbm:s6], $0xF7A  }
0x23: {  	s9 =	sor.u32 $0xD0000000, s2;
	s6 =	simm.s32 $0x108;
	_ =	swait.ge @!p0 [sflag:s8], $0x0  }
0x24: {  	s3 =	sadd.s32 $0x88, s3;
	s6 =	simm.s32 @!p1 $0x1082;
	[sflag:s4] =	ssyncset.s32 $0xFFFFF086  }
0x25: {  	[simem:s6], [sflag:s4] =	dma.local [hbm:s3], $0xF7A  }
0x26: {  	[smem:$0x3F6E] =	sst s1;
	(tag) =	ssettag s2;
	_ =	strace s9  }
0x27: {  	s1 =	sld [smem:$0x3F7E]  }
0x28: {  	s2 =	sld [smem:$0x3F7F]  }
0x29: {  	s4 =	sld [smem:$0x3F81]  }
0x2a: {  	p0 =	seq.s32 s5, $0x0;
	s5 =	sld [smem:$0x3F82]  }
0x2b: {  	s6 =	sld [smem:$0x3F83]  }
0x2c: {  	s7 =	sld [smem:$0x3F84]  }
0x2d: {  	s3 =	simm.s32 $0x108;
	s8 =	sld [smem:$0x3F85]  }
0x2e: {  	s3 =	simm.s32 @!p0 $0x1082;
	s9 =	sld [smem:$0x3F86]  }
0x2f: {  	lr =	sadd.s32 s0, s3;
	s0 =	sld [smem:$0x3F7D]  }
0x30: {  	s3 =	sld [smem:$0x3F80]  }
0x31: {  	[smem:$0x3F89] =	sst s10  }
0x32: {  	s10 =	sld [smem:$0x3F87];
	_ =	sdelay $0x3  }
0x33: {  	p0 =	seq.s32 s10, $0x1;
	s10 =	sld [smem:$0x3F89];
	_ =	sdelay $0x3  }
0x34: {  	[smem:$0x3F89] =	sst s10  }
0x35: {  	s10 =	sld [smem:$0x3F88];
	_ =	sdelay $0x3  }
0x36: {  	p1 =	seq.s32 s10, $0x1;
	s10 =	sld [smem:$0x3F89];
	_ =	sdelay $0x3  }
0x37: {  	[smem:$0x3F89] =	sst s10  }
0x38: {  	s10 =	sld [smem:$0x3F8A]  }
0x39: {  	_ = 	snop;
	(pc) =	sbr.ind lr, $3  }
0x3a: {  	_ = 	snop  }
0x3b: {  	_ = 	snop  }
0x3c: {  	p2 =	seq.s32 s10, $0x1;
	s10 =	sld [smem:$0x3F89]  }
0x3d: {  	_ =	shalt  }
0x3e: {  	_ =	shalt  }
0x3f: {  	_ =	shalt  }
0x40: {  	_ =	shalt  }
0x41: {  	_ =	shalt  }
0x42: {  	_ =	shalt  }
0x43: {  	_ =	shalt  }
0x44: {  	_ =	shalt  }
0x45: {  	_ =	shalt  }
0x46: {  	_ =	shalt  }
0x47: {  	_ =	shalt  }
0x48: {  	_ =	shalt  }
0x49: {  	_ =	shalt  }
0x4a: {  	_ =	shalt  }
0x4b: {  	_ =	shalt  }
0x4c: {  	_ =	shalt  }
0x4d: {  	_ =	shalt  }
0x4e: {  	_ =	shalt  }
0x4f: {  	_ =	shalt  }
0x50: {  	_ =	shalt  }
0x51: {  	_ =	shalt  }
0x52: {  	_ =	shalt  }
0x53: {  	_ =	shalt  }
0x54: {  	_ =	shalt  }
0x55: {  	_ =	shalt  }
0x56: {  	_ =	shalt  }
0x57: {  	_ =	shalt  }
0x58: {  	_ =	shalt  }
0x59: {  	_ =	shalt  }
0x5a: {  	_ =	shalt  }
0x5b: {  	_ =	shalt  }
0x5c: {  	_ =	shalt  }
0x5d: {  	_ =	shalt  }
0x5e: {  	_ =	shalt  }
0x5f: {  	_ =	shalt  }
0x60: {  	_ =	shalt  }
0x61: {  	_ =	shalt  }
0x62: {  	_ =	shalt  }
0x63: {  	_ =	shalt  }
0x64: {  	_ =	shalt  }
0x65: {  	_ =	shalt  }
0x66: {  	_ =	shalt  }
0x67: {  	_ =	shalt  }
0x68: {  	_ =	shalt  }
0x69: {  	_ =	shalt  }
0x6a: {  	_ =	shalt  }
0x6b: {  	_ =	shalt  }
0x6c: {  	_ =	shalt  }
0x6d: {  	_ =	shalt  }
0x6e: {  	_ =	shalt  }
0x6f: {  	_ =	shalt  }
0x70: {  	_ =	shalt  }
0x71: {  	_ =	shalt  }
0x72: {  	_ =	shalt  }
0x73: {  	_ =	shalt  }
0x74: {  	_ =	shalt  }
0x75: {  	_ =	shalt  }
0x76: {  	_ =	shalt  }
0x77: {  	_ =	shalt  }
0x78: {  	_ =	shalt  }
0x79: {  	_ =	shalt  }
0x7a: {  	_ =	shalt  }
0x7b: {  	_ =	shalt  }
0x7c: {  	_ =	shalt  }
0x7d: {  	_ =	shalt  }
0x7e: {  	_ =	shalt  }
0x7f: {  	_ =	shalt  }
0x80: {  	_ =	shalt  }
0x81: {  	_ =	shalt  }
0x82: {  	_ =	shalt  }
0x83: {  	_ =	shalt  }
0x84: {  	_ =	shalt  }
0x85: {  	_ =	shalt  }
0x86: {  	_ =	shalt  }
0x87: {  	_ =	shalt  }
.Lfunc_end0:
.L_simem_size_0:
called_computation_lowered:
.L_overlay_start_0:
0x88: {  	s2 =	sld [smem:$0x3FD9]  }
0x89: {  	s3 =	sld [smem:$0x3FFE];
	_ =	sdelay $0x1  }
0x8a: {  	s1 =	srdreg.scid  }
0x8b: {  	s0 =	sand.u32 $0x1, s1  }
0x8c: {  	s17 =	sshll.u32 s0, $0xA;
	s2 =	sadd.s32 s3, s2  }
0x8d: {  	s2 =	sadd.s32 s2, s17  }
0x8e: {  	[smem:$0x3F95] =	sst s2  }
0x8f: {  	_ = 	snop  }
0x90: {  	s2 =	sld [smem:$0x3FC9];
	(tm) =	ssettm $0x1  }
0x91: {  	s18 =	sld [smem:$0x3FFB];
	_ =	sdelay $0x3  }
0x92: {  	_ =	strace s18  }
0x93: {  	s3 =	sld [smem:$0x3FFC];
	_ =	sdelay $0x3  }
0x94: {  	_ =	strace s3  }
0x95: {  	s3 =	sld [smem:$0x3FFD];
	_ =	sdelay $0x3  }
0x96: {  	_ =	strace s3  }
0x97: {  	_ =	strace $0x8FFFFFFF  }
0x98: {  	s19 =	sld [smem:$0x3FDB];
	_ =	sdelay $0x1  }
0x99: {  	s4 =	simm.s32 $_scs_section_size  }
0x9a: {  	s5 =	simm.s32 $_size__tile_overlayer_lowered;
	s6 =	simm.s32 $_tile_overlayer_lowered  }
0x9b: {  	s22 =	simm.s32 $0x1BFF;
	s21 =	sshll.u32 s6, $0x1;
	s3 =	sadd.s32 s4, s19  }
0x9c: {  	s7 =	simm.s32 $0x0;
	s20 =	sshll.u32 s5, $0x1;
	s5 =	sadd.s32 s21, s3  }
0x9d: {  	[timem:s7], [sflag:s22] =	dma.local [hbm:s5], s20  }
0x9e: {  	_ =	swait.ge [sflag:s22], s20  }
0x9f: {  	s4 =	ssub.s32 $0x0, s20;
	[sflag:s22] =	ssyncset.done $0x0  }
0xa0: {  	[sflag:s22] =	ssyncadd.s32 s4;
	_ =	sdelay $0x1  }
0xa1: {  	s23 =	simm.s32 $0x1B8B  }
0xa2: {  	_ =	swait.ge [sflag:s23], $0x1  }
0xa3: {  	[sflag:s23] =	ssyncset.done $0x0  }
0xa4: {  	s25 =	simm.s32 $0x1B8E;
	s24 =	sld [smem:$0x3FFE];
	[sflag:s23] =	ssyncadd.s32 $0xFFFFFFFF  }
0xa5: {  	s26 =	simm.s32 $execute0_lowered;
	[smem:$0x3FD2] =	sst s25  }
0xa6: {  	s5 =	sshll.u32 s26, $0x1;
	_ =	strace $0x80000046;
	[dreg:$0x1] =	wrdreg $0xFFFFFFFF  }
0xa7: {  	s28 =	simm.s32 $_size_execute0_lowered;
	s3 =	sadd.s32 s3, s5;
	[dreg:$0x0] =	wrdreg $0x0  }
0xa8: {  	s5 =	sshll.u32 s28, $0x1;
	[dreg:$0x2] =	wrdreg s3  }
0xa9: {  	[dreg:$0x3] =	wrdreg s5  }
0xaa: {  	[dreg:$0x4] =	wrdreg $0xC0  }
0xab: {  	_ =	task [dreg:s7], $0x5FFFF  }
0xac: {  	[dreg:$0x1] =	wrdreg $0xFFFFFFFF  }
0xad: {  	[dreg:$0x0] =	wrdreg $0x60  }
0xae: {  	[dreg:$0x2] =	wrdreg s24  }
0xaf: {  	[dreg:$0x3] =	wrdreg s2  }
0xb0: {  	[dreg:$0x4] =	wrdreg $0x9  }
0xb1: {  	_ =	task.clear_ibuf [dreg:s7], $0x5FFFF;
	_ =	strace $0x90000046  }
0xb2: {  	s29 =	simm.s32 $0x9;
	_ =	strace $0x80000048  }
0xb3: {  	_ =	swait.ge [sflag:s29], $0x1  }
0xb4: {  	[sflag:s29] =	ssyncadd.s32 $0xFFFFFFFF  }
0xb5: {  	_ =	strace $0x90000048  }
0xb6: {  	_ =	sfence  }
0xb7: {  	s30 =	sld [smem:$0x0];
	_ =	sdelay $0x2  }
0xb8: {  	s31 =	sshll.u32 s1, $0xD;
	s1 =	sshrl.u32 s1, $0x2  }
0xb9: {  	s3 =	sand.u32 $0x4000, s31;
	s1 =	sadd.s32 s1, s30  }
0xba: {  	s0 =	sor.u32 s3, s0;
	s1 =	sshll.u32 s1, $0x11  }
0xbb: {  	s0 =	sor.u32 s1, s0  }
0xbc: {  	s0 =	sadd.s32 $0x8F2B, s0  }
0xbd: {  	[sflag:s0] =	ssyncadd.remote.s32 $0x1  }
0xbe: {  	_ =	sfence.sel $0xFFFF  }
0xbf: {  	[dreg:$0x0] =	wrdreg $0xFFFFFFFF;
	(pc) =	sbr.abs _section_cstart, $3  }
0xc0: {  	[dreg:$0x1] =	wrdreg $0xFFFFFFFF  }
0xc1: {  	_ =	task.clear_ibuf [dreg:s7], $0x2FFFF;
	_ =	strace $0x9FFFFFFF  }
0xc2: {  	(tm) =	ssettm $0x7FFFFFFF  }
0xc3: {  	_ =	shalt  }
tec
execute0_lowered:
.L_overlay_start_1:
0x0: {  	(tag) =	ssettag $0x1  }
0x1: {  	s0 =	srdreg.scid  }
0x2: {  	s3 =	sand.u32 $0x1, s0;
	s0 =	stileid.u32  }
0x3: {  	s5 =	sshll.u32 s0, $0x1;
	s6 =	ssub.s32 $0x0, s3  }
0x4: {  	p0 =	sne.s32 s5, s6  }
.Ltmp0:
0x5: {  	_ = 	snop;
	(pc) =	sbr.rel @p0 .LBB2_63-.Ltmp0, $4  }
0x6: {  	_ = 	snop  }
0x7: {  	s4 =	rddreg [dreg:$0x0]  }
0x8: {  	s2 =	rddreg [dreg:$0x1]  }
0x9: {  	s1 =	rddreg [dreg:$0x2];
	_ =	strace $0x80000047  }
0xa: {  	v0 =	vimm.s32 $0xEFCDAB89;
	v1 =	vimm.s32 $0x67452301;
	v2 =	vimm.s32 $0xDCFE98BA  }
0xb: {  	v3 =	vimm.s32 $0x54761032;
	v4 =	vimm.s32 $0xBA98FEDC;
	v5 =	vimm.s32 $0xFEDCBA98  }
0xc: {  	v6 =	vimm.s32 $0x32107654;
	v7 =	vimm.s32 $0x76543210;
	vm0 =	vcmask $0x328  }
0xd: {  	vm1 =	vcmask $0x728;
	vm2 =	vcmask $0xB28;
	vm3 =	vcmask $0xF28  }
0xe: {  	vm4 =	vcmask $0x1328;
	vm5 =	vcmask $0x1728;
	vm6 =	vcmask $0x1B28  }
0xf: {  	vm7 =	vcmask $0x1F28;
	vm8 =	vcmask $0x2328;
	v0 =	vunpack.c.l.s4.s8 v0  }
0x10: {  	s6 =	ssub.s32 $0x2, s3;
	s3 =	sadd.s32 $0x28600, s4;
	s4 =	sadd.s32 $0x28800, s4;
	v1 =	vunpack.c.l.s4.s8 v1;
	v2 =	vunpack.c.l.s4.s8 v2;
	v3 =	vunpack.c.l.s4.s8 v3  }
0x11: {  	s5 =	sadd.s32 $0x100, s2;
	s9 =	simm.s32 $0x0;
	s10 =	simm.s32 $0x2;
	v5 =	vunpack.c.l.s4.s8 v5;
	v4 =	vunpack.c.l.s4.s8 v4;
	v6 =	vunpack.c.l.s4.s8 v6  }
0x12: {  	s11 =	simm.s32 $0x880;
	s12 =	simm.s32 $0x1080;
	s13 =	simm.s32 $0x1880;
	v7 =	vunpack.c.l.s4.s8 v7;
	v0 =	vunpack.c.0.s8.s32 v0;
	v1 =	vunpack.c.0.s8.s32 v1  }
0x13: {  	s14 =	simm.s32 $0x2080;
	s15 =	simm.s32 $0x2880;
	s16 =	simm.s32 $0x3080;
	v2 =	vunpack.c.0.s8.s32 v2;
	v3 =	vunpack.c.0.s8.s32 v3;
	v5 =	vunpack.c.0.s8.s32 v5  }
0x14: {  	s17 =	simm.s32 $0x3880;
	s18 =	simm.s32 $0x4080;
	s7 =	sshrl.u32 s6, $0x1;
	v4 =	vunpack.c.0.s8.s32 v4;
	v6 =	vunpack.c.0.s8.s32 v6;
	v7 =	vunpack.c.0.s8.s32 v7  }
0x15: {  	s19 =	simm.s32 $0x1;
	s20 =	simm.s32 $0x0;
	s8 =	ssub.s32 s6, s7;
	v0 =	vcombine.low v1, v0;
	v1 =	vcombine.low v3, v2;
	v3 =	vand.u32 $0xF, v5  }
0x16: {  	s6 =	sadd.s32 $0x200, s2;
	s7 =	sadd.s32 $0x300, s2;
	s8 =	smax.u32 s8, $0x1;
	v2 =	vcombine.low v6, v4;
	v4 =	vlaneseq.u32;
	v3 =	vcombine.low v3, v7  }
.LBB2_2:
0x17: {  	[tilespmem:s9], [sflag:$0x2] =	stream.linear.gather [hbm4b:s3+s9], $0x800, $0x38;
	[tilespmem:$0x4880] =	vst v63  }
0x18: {  	_ =	swait.ge [sflag:s10], $0x800  }
0x19: {  	[sflag:s10] =	ssyncset.done $0x0  }
0x1a: {  	s22 =	simm.s32 $0x0;
	[sflag:s10] =	ssyncadd.s32 $0xFFFFF800  }
0x1b: {  	v5 =	vimm.f32 $-3.000000010e+38;
	s21 =	simm.s32 $0x40;
	v6 =	vld [tilespmem:s22+$0x0]  }
.LBB2_3:
0x1c: {  	p0 =	sne.s32 s21, $0x1FC0  }
.Ltmp1:
0x1d: {  	_ = 	snop;
	(pc) =	sbr.rel @p0 .LBB2_3-.Ltmp1, $3  }
0x1e: {  	_ =	sdelay $0x1  }
0x1f: {  	s22 =	sshra.s32 s21, $0x2;
	s21 =	sadd.s32 $0x40, s21;
	v5 =	vmax.f32 v5, v6  }
0x20: {  	v6 =	vld [tilespmem:s22+$0x0]  }
0x21: {  	_ =	sdelay $0x3  }
0x22: {  	v5 =	vmax.f32 v5, v6  }
0x23: {  	v6 =	vperm.xlane v5, v0;
	_ =	sdelay $0x1  }
0x24: {  	v5 =	vmax.f32 v5, v6  }
0x25: {  	v6 =	vperm.xlane v5, v1;
	_ =	sdelay $0x1  }
0x26: {  	v5 =	vmax.f32 v5, v6  }
0x27: {  	s22 =	simm.s32 $0x0;
	v6 =	vperm.xlane v5, v2  }
0x28: {  	v7 =	vld [tilespmem:s22+$0x0]  }
0x29: {  	v5 =	vmax.f32 v5, v6  }
0x2a: {  	v6 =	vperm.xlane v5, v3;
	_ =	sdelay $0x1  }
0x2b: {  	v6 =	vmax.f32 v5, v6  }
0x2c: {  	s21 =	simm.s32 $0x10;
	v5 =	vimm.s32 $0x40000000;
	vm9 =	veq.f32 v7, v6;
	v7 =	vor.u32 s22, v4;
	s22 =	simm.s32 $0x10  }
.LBB2_5:
0x2d: {  	v8 =	vld [tilespmem:s22+$0x0];
	p0 =	sne.s32 s21, $0x7F0;
	v7 =	vnsel vm9, $0x40000000, v7;
	s23 =	smov.u32 s21;
	s21 =	sadd.s32 $0x10, s21  }
.Ltmp2:
0x2e: {  	vm9 =	vlt.s32 v5, v7;
	(pc) =	sbr.rel @p0 .LBB2_5-.Ltmp2, $2  }
0x2f: {  	v5 =	vsel vm9, v5, v7;
	_ =	sdelay $0x2  }
0x30: {  	s22 =	sadd.s32 $0x10, s22;
	v7 =	vor.u32 s23, v4;
	vm9 =	veq.f32 v8, v6  }
0x31: {  	v6 =	vnsel vm9, $0x40000000, v7  }
0x32: {  	vm9 =	vlt.s32 v5, v6  }
0x33: {  	v5 =	vsel vm9, v5, v6  }
0x34: {  	v6 =	vperm.xlane v5, v0;
	_ =	sdelay $0x1  }
0x35: {  	vm9 =	vlt.s32 v5, v6  }
0x36: {  	v5 =	vsel vm9, v5, v6  }
0x37: {  	v6 =	vperm.xlane v5, v1;
	_ =	sdelay $0x1  }
0x38: {  	vm9 =	vlt.s32 v5, v6  }
0x39: {  	v5 =	vsel vm9, v5, v6  }
0x3a: {  	v6 =	vperm.xlane v5, v2;
	_ =	sdelay $0x1  }
0x3b: {  	vm9 =	vlt.s32 v5, v6  }
0x3c: {  	v5 =	vsel vm9, v5, v6  }
0x3d: {  	v6 =	vperm.xlane v5, v3;
	_ =	sdelay $0x1  }
0x3e: {  	s21 =	simm.s32 $0x0;
	vm9 =	vlt.s32 v5, v6  }
0x3f: {  	s23 =	simm.s32 $0x10;
	s22 =	simm.s32 $0x0;
	v5 =	vsel vm9, v5, v6;
	v6 =	vld [tilespmem:s21+$0x0]  }
.LBB2_7:
0x40: {  	p0 =	sne.s32 s23, $0x7F0;
	_ =	sdelay $0x1  }
.Ltmp3:
0x41: {  	v7 =	vor.u32 s21, v4;
	s21 =	smov.u32 s23;
	(pc) =	sbr.rel @p0 .LBB2_7-.Ltmp3, $4  }
0x42: {  	vm9 =	veq.s32 v7, v5  }
0x43: {  	v6 =	vsel vm9, $0xFF61B1E6, v6  }
0x44: {  	[tilespmem:s22+$0x0] =	vst v6;
	s22 =	sadd.s32 $0x10, s22  }
0x45: {  	s23 =	sadd.s32 $0x10, s23;
	v6 =	vld [tilespmem:s22+$0x0]  }
0x46: {  	_ =	sdelay $0x1  }
0x47: {  	v7 =	vor.u32 s21, v4  }
0x48: {  	vm9 =	veq.s32 v7, v5  }
0x49: {  	v6 =	vsel vm9, $0xFF61B1E6, v6  }
0x4a: {  	s31 =	simm.s32 $0x0;
	[tilespmem:s22+$0x0] =	vst v6  }
0x4b: {  	s21 =	simm.s32 $0x40;
	v6 =	vimm.f32 $-3.000000010e+38;
	v7 =	vld [tilespmem:s31+$0x0]  }
.LBB2_9:
0x4c: {  	p0 =	sne.s32 s21, $0x1FC0  }
.Ltmp4:
0x4d: {  	_ = 	snop;
	(pc) =	sbr.rel @p0 .LBB2_9-.Ltmp4, $3  }
0x4e: {  	_ =	sdelay $0x1  }
0x4f: {  	s22 =	sshra.s32 s21, $0x2;
	s21 =	sadd.s32 $0x40, s21;
	v6 =	vmax.f32 v6, v7  }
0x50: {  	v7 =	vld [tilespmem:s22+$0x0]  }
0x51: {  	_ =	sdelay $0x3  }
0x52: {  	v6 =	vmax.f32 v6, v7  }
0x53: {  	v7 =	vperm.xlane v6, v0;
	_ =	sdelay $0x1  }
0x54: {  	v6 =	vmax.f32 v6, v7  }
0x55: {  	v7 =	vperm.xlane v6, v1;
	_ =	sdelay $0x1  }
0x56: {  	v6 =	vmax.f32 v6, v7  }
0x57: {  	s22 =	simm.s32 $0x0;
	v7 =	vperm.xlane v6, v2  }
0x58: {  	v8 =	vld [tilespmem:s22+$0x0]  }
0x59: {  	v6 =	vmax.f32 v6, v7  }
0x5a: {  	v7 =	vperm.xlane v6, v3;
	_ =	sdelay $0x1  }
0x5b: {  	v7 =	vmax.f32 v6, v7  }
0x5c: {  	s21 =	simm.s32 $0x10;
	v6 =	vimm.s32 $0x40000000;
	vm9 =	veq.f32 v8, v7;
	v8 =	vor.u32 s22, v4;
	s22 =	simm.s32 $0x10  }
.LBB2_11:
0x5d: {  	v9 =	vld [tilespmem:s22+$0x0];
	p0 =	sne.s32 s21, $0x7F0;
	v8 =	vnsel vm9, $0x40000000, v8;
	s23 =	smov.u32 s21;
	s21 =	sadd.s32 $0x10, s21  }
.Ltmp5:
0x5e: {  	vm9 =	vlt.s32 v6, v8;
	(pc) =	sbr.rel @p0 .LBB2_11-.Ltmp5, $2  }
0x5f: {  	v6 =	vsel vm9, v6, v8;
	_ =	sdelay $0x2  }
0x60: {  	s22 =	sadd.s32 $0x10, s22;
	v8 =	vor.u32 s23, v4;
	vm9 =	veq.f32 v9, v7  }
0x61: {  	v7 =	vnsel vm9, $0x40000000, v8  }
0x62: {  	vm9 =	vlt.s32 v6, v7  }
0x63: {  	v6 =	vsel vm9, v6, v7  }
0x64: {  	v7 =	vperm.xlane v6, v0;
	_ =	sdelay $0x1  }
0x65: {  	vm9 =	vlt.s32 v6, v7  }
0x66: {  	v6 =	vsel vm9, v6, v7  }
0x67: {  	v7 =	vperm.xlane v6, v1;
	_ =	sdelay $0x1  }
0x68: {  	vm9 =	vlt.s32 v6, v7  }
0x69: {  	v6 =	vsel vm9, v6, v7  }
0x6a: {  	v7 =	vperm.xlane v6, v2;
	_ =	sdelay $0x1  }
0x6b: {  	vm9 =	vlt.s32 v6, v7  }
0x6c: {  	v6 =	vsel vm9, v6, v7  }
0x6d: {  	v7 =	vperm.xlane v6, v3;
	_ =	sdelay $0x1  }
0x6e: {  	s21 =	simm.s32 $0x0;
	vm9 =	vlt.s32 v6, v7  }
0x6f: {  	s23 =	simm.s32 $0x10;
	s22 =	simm.s32 $0x0;
	v6 =	vsel vm9, v6, v7;
	v7 =	vld [tilespmem:s21+$0x0]  }
.LBB2_13:
0x70: {  	p0 =	sne.s32 s23, $0x7F0;
	_ =	sdelay $0x1  }
.Ltmp6:
0x71: {  	v8 =	vor.u32 s21, v4;
	s21 =	smov.u32 s23;
	(pc) =	sbr.rel @p0 .LBB2_13-.Ltmp6, $4  }
0x72: {  	vm9 =	veq.s32 v8, v6  }
0x73: {  	v7 =	vsel vm9, $0xFF61B1E6, v7  }
0x74: {  	[tilespmem:s22+$0x0] =	vst v7;
	s22 =	sadd.s32 $0x10, s22  }
0x75: {  	s23 =	sadd.s32 $0x10, s23;
	v7 =	vld [tilespmem:s22+$0x0]  }
0x76: {  	_ =	sdelay $0x1  }
0x77: {  	v8 =	vor.u32 s21, v4  }
0x78: {  	vm9 =	veq.s32 v8, v6  }
0x79: {  	v7 =	vsel vm9, $0xFF61B1E6, v7  }
0x7a: {  	s31 =	simm.s32 $0x0;
	[tilespmem:s22+$0x0] =	vst v7  }
0x7b: {  	s21 =	simm.s32 $0x40;
	v7 =	vimm.f32 $-3.000000010e+38;
	v8 =	vld [tilespmem:s31+$0x0]  }
.LBB2_15:
0x7c: {  	p0 =	sne.s32 s21, $0x1FC0  }
.Ltmp7:
0x7d: {  	_ = 	snop;
	(pc) =	sbr.rel @p0 .LBB2_15-.Ltmp7, $3  }
0x7e: {  	_ =	sdelay $0x1  }
0x7f: {  	s22 =	sshra.s32 s21, $0x2;
	s21 =	sadd.s32 $0x40, s21;
	v7 =	vmax.f32 v7, v8  }
0x80: {  	v8 =	vld [tilespmem:s22+$0x0]  }
0x81: {  	_ =	sdelay $0x3  }
0x82: {  	v7 =	vmax.f32 v7, v8  }
0x83: {  	v8 =	vperm.xlane v7, v0;
	_ =	sdelay $0x1  }
0x84: {  	v7 =	vmax.f32 v7, v8  }
0x85: {  	v8 =	vperm.xlane v7, v1;
	_ =	sdelay $0x1  }
0x86: {  	v7 =	vmax.f32 v7, v8  }
0x87: {  	s22 =	simm.s32 $0x0;
	v8 =	vperm.xlane v7, v2  }
0x88: {  	v9 =	vld [tilespmem:s22+$0x0]  }
0x89: {  	v7 =	vmax.f32 v7, v8  }
0x8a: {  	v8 =	vperm.xlane v7, v3;
	_ =	sdelay $0x1  }
0x8b: {  	v8 =	vmax.f32 v7, v8  }
0x8c: {  	s21 =	simm.s32 $0x10;
	v7 =	vimm.s32 $0x40000000;
	vm9 =	veq.f32 v9, v8;
	v9 =	vor.u32 s22, v4;
	s22 =	simm.s32 $0x10  }
.LBB2_17:
0x8d: {  	v10 =	vld [tilespmem:s22+$0x0];
	p0 =	sne.s32 s21, $0x7F0;
	v9 =	vnsel vm9, $0x40000000, v9;
	s23 =	smov.u32 s21;
	s21 =	sadd.s32 $0x10, s21  }
.Ltmp8:
0x8e: {  	vm9 =	vlt.s32 v7, v9;
	(pc) =	sbr.rel @p0 .LBB2_17-.Ltmp8, $2  }
0x8f: {  	v7 =	vsel vm9, v7, v9;
	_ =	sdelay $0x2  }
0x90: {  	s22 =	sadd.s32 $0x10, s22;
	v9 =	vor.u32 s23, v4;
	vm9 =	veq.f32 v10, v8  }
0x91: {  	v8 =	vnsel vm9, $0x40000000, v9  }
0x92: {  	vm9 =	vlt.s32 v7, v8  }
0x93: {  	v7 =	vsel vm9, v7, v8  }
0x94: {  	v8 =	vperm.xlane v7, v0;
	_ =	sdelay $0x1  }
0x95: {  	vm9 =	vlt.s32 v7, v8  }
0x96: {  	v7 =	vsel vm9, v7, v8  }
0x97: {  	v8 =	vperm.xlane v7, v1;
	_ =	sdelay $0x1  }
0x98: {  	vm9 =	vlt.s32 v7, v8  }
0x99: {  	v7 =	vsel vm9, v7, v8  }
0x9a: {  	v8 =	vperm.xlane v7, v2;
	_ =	sdelay $0x1  }
0x9b: {  	vm9 =	vlt.s32 v7, v8  }
0x9c: {  	v7 =	vsel vm9, v7, v8  }
0x9d: {  	v8 =	vperm.xlane v7, v3;
	_ =	sdelay $0x1  }
0x9e: {  	s21 =	simm.s32 $0x0;
	vm9 =	vlt.s32 v7, v8  }
0x9f: {  	s23 =	simm.s32 $0x10;
	s22 =	simm.s32 $0x0;
	v7 =	vsel vm9, v7, v8;
	v8 =	vld [tilespmem:s21+$0x0]  }
.LBB2_19:
0xa0: {  	p0 =	sne.s32 s23, $0x7F0;
	_ =	sdelay $0x1  }
.Ltmp9:
0xa1: {  	v9 =	vor.u32 s21, v4;
	s21 =	smov.u32 s23;
	(pc) =	sbr.rel @p0 .LBB2_19-.Ltmp9, $4  }
0xa2: {  	vm9 =	veq.s32 v9, v7  }
0xa3: {  	v8 =	vsel vm9, $0xFF61B1E6, v8  }
0xa4: {  	[tilespmem:s22+$0x0] =	vst v8;
	s22 =	sadd.s32 $0x10, s22  }
0xa5: {  	s23 =	sadd.s32 $0x10, s23;
	v8 =	vld [tilespmem:s22+$0x0]  }
0xa6: {  	_ =	sdelay $0x1  }
0xa7: {  	v9 =	vor.u32 s21, v4  }
0xa8: {  	vm9 =	veq.s32 v9, v7  }
0xa9: {  	v8 =	vsel vm9, $0xFF61B1E6, v8  }
0xaa: {  	s31 =	simm.s32 $0x0;
	[tilespmem:s22+$0x0] =	vst v8  }
0xab: {  	s21 =	simm.s32 $0x40;
	v8 =	vimm.f32 $-3.000000010e+38;
	v9 =	vld [tilespmem:s31+$0x0]  }
.LBB2_21:
0xac: {  	p0 =	sne.s32 s21, $0x1FC0  }
.Ltmp10:
0xad: {  	_ = 	snop;
	(pc) =	sbr.rel @p0 .LBB2_21-.Ltmp10, $3  }
0xae: {  	_ =	sdelay $0x1  }
0xaf: {  	s22 =	sshra.s32 s21, $0x2;
	s21 =	sadd.s32 $0x40, s21;
	v8 =	vmax.f32 v8, v9  }
0xb0: {  	v9 =	vld [tilespmem:s22+$0x0]  }
0xb1: {  	_ =	sdelay $0x3  }
0xb2: {  	v8 =	vmax.f32 v8, v9  }
0xb3: {  	v9 =	vperm.xlane v8, v0;
	_ =	sdelay $0x1  }
0xb4: {  	v8 =	vmax.f32 v8, v9  }
0xb5: {  	v9 =	vperm.xlane v8, v1;
	_ =	sdelay $0x1  }
0xb6: {  	v8 =	vmax.f32 v8, v9  }
0xb7: {  	s22 =	simm.s32 $0x0;
	v9 =	vperm.xlane v8, v2  }
0xb8: {  	v10 =	vld [tilespmem:s22+$0x0]  }
0xb9: {  	v8 =	vmax.f32 v8, v9  }
0xba: {  	v9 =	vperm.xlane v8, v3;
	_ =	sdelay $0x1  }
0xbb: {  	v9 =	vmax.f32 v8, v9  }
0xbc: {  	s21 =	simm.s32 $0x10;
	v8 =	vimm.s32 $0x40000000;
	vm9 =	veq.f32 v10, v9;
	v10 =	vor.u32 s22, v4;
	s22 =	simm.s32 $0x10  }
.LBB2_23:
0xbd: {  	v11 =	vld [tilespmem:s22+$0x0];
	p0 =	sne.s32 s21, $0x7F0;
	v10 =	vnsel vm9, $0x40000000, v10;
	s23 =	smov.u32 s21;
	s21 =	sadd.s32 $0x10, s21  }
.Ltmp11:
0xbe: {  	vm9 =	vlt.s32 v8, v10;
	(pc) =	sbr.rel @p0 .LBB2_23-.Ltmp11, $2  }
0xbf: {  	v8 =	vsel vm9, v8, v10;
	_ =	sdelay $0x2  }
0xc0: {  	s22 =	sadd.s32 $0x10, s22;
	v10 =	vor.u32 s23, v4;
	vm9 =	veq.f32 v11, v9  }
0xc1: {  	v9 =	vnsel vm9, $0x40000000, v10  }
0xc2: {  	vm9 =	vlt.s32 v8, v9  }
0xc3: {  	v8 =	vsel vm9, v8, v9  }
0xc4: {  	v9 =	vperm.xlane v8, v0;
	_ =	sdelay $0x1  }
0xc5: {  	vm9 =	vlt.s32 v8, v9  }
0xc6: {  	v8 =	vsel vm9, v8, v9  }
0xc7: {  	v9 =	vperm.xlane v8, v1;
	_ =	sdelay $0x1  }
0xc8: {  	vm9 =	vlt.s32 v8, v9  }
0xc9: {  	v8 =	vsel vm9, v8, v9  }
0xca: {  	v9 =	vperm.xlane v8, v2;
	_ =	sdelay $0x1  }
0xcb: {  	vm9 =	vlt.s32 v8, v9  }
0xcc: {  	v8 =	vsel vm9, v8, v9  }
0xcd: {  	v9 =	vperm.xlane v8, v3;
	_ =	sdelay $0x1  }
0xce: {  	s21 =	simm.s32 $0x0;
	vm9 =	vlt.s32 v8, v9  }
0xcf: {  	s23 =	simm.s32 $0x10;
	s22 =	simm.s32 $0x0;
	v8 =	vsel vm9, v8, v9;
	v9 =	vld [tilespmem:s21+$0x0]  }
.LBB2_25:
0xd0: {  	p0 =	sne.s32 s23, $0x7F0;
	_ =	sdelay $0x1  }
.Ltmp12:
0xd1: {  	v10 =	vor.u32 s21, v4;
	s21 =	smov.u32 s23;
	(pc) =	sbr.rel @p0 .LBB2_25-.Ltmp12, $4  }
0xd2: {  	vm9 =	veq.s32 v10, v8  }
0xd3: {  	v9 =	vsel vm9, $0xFF61B1E6, v9  }
0xd4: {  	[tilespmem:s22+$0x0] =	vst v9;
	s22 =	sadd.s32 $0x10, s22  }
0xd5: {  	s23 =	sadd.s32 $0x10, s23;
	v9 =	vld [tilespmem:s22+$0x0]  }
0xd6: {  	_ =	sdelay $0x1  }
0xd7: {  	v10 =	vor.u32 s21, v4  }
0xd8: {  	vm9 =	veq.s32 v10, v8  }
0xd9: {  	v9 =	vsel vm9, $0xFF61B1E6, v9  }
0xda: {  	s31 =	simm.s32 $0x0;
	[tilespmem:s22+$0x0] =	vst v9  }
0xdb: {  	s21 =	simm.s32 $0x40;
	v9 =	vimm.f32 $-3.000000010e+38;
	v10 =	vld [tilespmem:s31+$0x0]  }
.LBB2_27:
0xdc: {  	p0 =	sne.s32 s21, $0x1FC0  }
.Ltmp13:
0xdd: {  	_ = 	snop;
	(pc) =	sbr.rel @p0 .LBB2_27-.Ltmp13, $3  }
0xde: {  	_ =	sdelay $0x1  }
0xdf: {  	s22 =	sshra.s32 s21, $0x2;
	s21 =	sadd.s32 $0x40, s21;
	v9 =	vmax.f32 v9, v10  }
0xe0: {  	v10 =	vld [tilespmem:s22+$0x0]  }
0xe1: {  	_ =	sdelay $0x3  }
0xe2: {  	v9 =	vmax.f32 v9, v10  }
0xe3: {  	v10 =	vperm.xlane v9, v0;
	_ =	sdelay $0x1  }
0xe4: {  	v9 =	vmax.f32 v9, v10  }
0xe5: {  	v10 =	vperm.xlane v9, v1;
	_ =	sdelay $0x1  }
0xe6: {  	v9 =	vmax.f32 v9, v10  }
0xe7: {  	s22 =	simm.s32 $0x0;
	v10 =	vperm.xlane v9, v2  }
0xe8: {  	v11 =	vld [tilespmem:s22+$0x0]  }
0xe9: {  	v9 =	vmax.f32 v9, v10  }
0xea: {  	v10 =	vperm.xlane v9, v3;
	_ =	sdelay $0x1  }
0xeb: {  	v10 =	vmax.f32 v9, v10  }
0xec: {  	s21 =	simm.s32 $0x10;
	v9 =	vimm.s32 $0x40000000;
	vm9 =	veq.f32 v11, v10;
	v11 =	vor.u32 s22, v4;
	s22 =	simm.s32 $0x10  }
.LBB2_29:
0xed: {  	v12 =	vld [tilespmem:s22+$0x0];
	p0 =	sne.s32 s21, $0x7F0;
	v11 =	vnsel vm9, $0x40000000, v11;
	s23 =	smov.u32 s21;
	s21 =	sadd.s32 $0x10, s21  }
.Ltmp14:
0xee: {  	vm9 =	vlt.s32 v9, v11;
	(pc) =	sbr.rel @p0 .LBB2_29-.Ltmp14, $2  }
0xef: {  	v9 =	vsel vm9, v9, v11;
	_ =	sdelay $0x2  }
0xf0: {  	s22 =	sadd.s32 $0x10, s22;
	v11 =	vor.u32 s23, v4;
	vm9 =	veq.f32 v12, v10  }
0xf1: {  	v10 =	vnsel vm9, $0x40000000, v11  }
0xf2: {  	vm9 =	vlt.s32 v9, v10  }
0xf3: {  	v9 =	vsel vm9, v9, v10  }
0xf4: {  	v10 =	vperm.xlane v9, v0;
	_ =	sdelay $0x1  }
0xf5: {  	vm9 =	vlt.s32 v9, v10  }
0xf6: {  	v9 =	vsel vm9, v9, v10  }
0xf7: {  	v10 =	vperm.xlane v9, v1;
	_ =	sdelay $0x1  }
0xf8: {  	vm9 =	vlt.s32 v9, v10  }
0xf9: {  	v9 =	vsel vm9, v9, v10  }
0xfa: {  	v10 =	vperm.xlane v9, v2;
	_ =	sdelay $0x1  }
0xfb: {  	vm9 =	vlt.s32 v9, v10  }
0xfc: {  	v9 =	vsel vm9, v9, v10  }
0xfd: {  	v10 =	vperm.xlane v9, v3;
	_ =	sdelay $0x1  }
0xfe: {  	s21 =	simm.s32 $0x0;
	vm9 =	vlt.s32 v9, v10  }
0xff: {  	s23 =	simm.s32 $0x10;
	s22 =	simm.s32 $0x0;
	v9 =	vsel vm9, v9, v10;
	v10 =	vld [tilespmem:s21+$0x0]  }
.LBB2_31:
0x100: {  	p0 =	sne.s32 s23, $0x7F0;
	_ =	sdelay $0x1  }
.Ltmp15:
0x101: {  	v11 =	vor.u32 s21, v4;
	s21 =	smov.u32 s23;
	(pc) =	sbr.rel @p0 .LBB2_31-.Ltmp15, $4  }
0x102: {  	vm9 =	veq.s32 v11, v9  }
0x103: {  	v10 =	vsel vm9, $0xFF61B1E6, v10  }
0x104: {  	[tilespmem:s22+$0x0] =	vst v10;
	s22 =	sadd.s32 $0x10, s22  }
0x105: {  	s23 =	sadd.s32 $0x10, s23;
	v10 =	vld [tilespmem:s22+$0x0]  }
0x106: {  	_ =	sdelay $0x1  }
0x107: {  	v11 =	vor.u32 s21, v4  }
0x108: {  	vm9 =	veq.s32 v11, v9  }
0x109: {  	v10 =	vsel vm9, $0xFF61B1E6, v10  }
0x10a: {  	s31 =	simm.s32 $0x0;
	[tilespmem:s22+$0x0] =	vst v10  }
0x10b: {  	s21 =	simm.s32 $0x40;
	v10 =	vimm.f32 $-3.000000010e+38;
	v11 =	vld [tilespmem:s31+$0x0]  }
.LBB2_33:
0x10c: {  	p0 =	sne.s32 s21, $0x1FC0  }
.Ltmp16:
0x10d: {  	_ = 	snop;
	(pc) =	sbr.rel @p0 .LBB2_33-.Ltmp16, $3  }
0x10e: {  	_ =	sdelay $0x1  }
0x10f: {  	s22 =	sshra.s32 s21, $0x2;
	s21 =	sadd.s32 $0x40, s21;
	v10 =	vmax.f32 v10, v11  }
0x110: {  	v11 =	vld [tilespmem:s22+$0x0]  }
0x111: {  	_ =	sdelay $0x3  }
0x112: {  	v10 =	vmax.f32 v10, v11  }
0x113: {  	v11 =	vperm.xlane v10, v0;
	_ =	sdelay $0x1  }
0x114: {  	v10 =	vmax.f32 v10, v11  }
0x115: {  	v11 =	vperm.xlane v10, v1;
	_ =	sdelay $0x1  }
0x116: {  	v10 =	vmax.f32 v10, v11  }
0x117: {  	s22 =	simm.s32 $0x0;
	v11 =	vperm.xlane v10, v2  }
0x118: {  	v12 =	vld [tilespmem:s22+$0x0]  }
0x119: {  	v10 =	vmax.f32 v10, v11  }
0x11a: {  	v11 =	vperm.xlane v10, v3;
	_ =	sdelay $0x1  }
0x11b: {  	v11 =	vmax.f32 v10, v11  }
0x11c: {  	s21 =	simm.s32 $0x10;
	v10 =	vimm.s32 $0x40000000;
	vm9 =	veq.f32 v12, v11;
	v12 =	vor.u32 s22, v4;
	s22 =	simm.s32 $0x10  }
.LBB2_35:
0x11d: {  	v13 =	vld [tilespmem:s22+$0x0];
	p0 =	sne.s32 s21, $0x7F0;
	v12 =	vnsel vm9, $0x40000000, v12;
	s23 =	smov.u32 s21;
	s21 =	sadd.s32 $0x10, s21  }
.Ltmp17:
0x11e: {  	vm9 =	vlt.s32 v10, v12;
	(pc) =	sbr.rel @p0 .LBB2_35-.Ltmp17, $2  }
0x11f: {  	v10 =	vsel vm9, v10, v12;
	_ =	sdelay $0x2  }
0x120: {  	s22 =	sadd.s32 $0x10, s22;
	v12 =	vor.u32 s23, v4;
	vm9 =	veq.f32 v13, v11  }
0x121: {  	v11 =	vnsel vm9, $0x40000000, v12  }
0x122: {  	vm9 =	vlt.s32 v10, v11  }
0x123: {  	v10 =	vsel vm9, v10, v11  }
0x124: {  	v11 =	vperm.xlane v10, v0;
	_ =	sdelay $0x1  }
0x125: {  	vm9 =	vlt.s32 v10, v11  }
0x126: {  	v10 =	vsel vm9, v10, v11  }
0x127: {  	v11 =	vperm.xlane v10, v1;
	_ =	sdelay $0x1  }
0x128: {  	vm9 =	vlt.s32 v10, v11  }
0x129: {  	v10 =	vsel vm9, v10, v11  }
0x12a: {  	v11 =	vperm.xlane v10, v2;
	_ =	sdelay $0x1  }
0x12b: {  	vm9 =	vlt.s32 v10, v11  }
0x12c: {  	v10 =	vsel vm9, v10, v11  }
0x12d: {  	v11 =	vperm.xlane v10, v3;
	_ =	sdelay $0x1  }
0x12e: {  	s21 =	simm.s32 $0x0;
	vm9 =	vlt.s32 v10, v11  }
0x12f: {  	s23 =	simm.s32 $0x10;
	s22 =	simm.s32 $0x0;
	v10 =	vsel vm9, v10, v11;
	v11 =	vld [tilespmem:s21+$0x0]  }
.LBB2_37:
0x130: {  	p0 =	sne.s32 s23, $0x7F0;
	_ =	sdelay $0x1  }
.Ltmp18:
0x131: {  	v12 =	vor.u32 s21, v4;
	s21 =	smov.u32 s23;
	(pc) =	sbr.rel @p0 .LBB2_37-.Ltmp18, $4  }
0x132: {  	vm9 =	veq.s32 v12, v10  }
0x133: {  	v11 =	vsel vm9, $0xFF61B1E6, v11  }
0x134: {  	[tilespmem:s22+$0x0] =	vst v11;
	s22 =	sadd.s32 $0x10, s22  }
0x135: {  	s23 =	sadd.s32 $0x10, s23;
	v11 =	vld [tilespmem:s22+$0x0]  }
0x136: {  	_ =	sdelay $0x1  }
0x137: {  	v12 =	vor.u32 s21, v4  }
0x138: {  	vm9 =	veq.s32 v12, v10  }
0x139: {  	v11 =	vsel vm9, $0xFF61B1E6, v11  }
0x13a: {  	s31 =	simm.s32 $0x0;
	[tilespmem:s22+$0x0] =	vst v11  }
0x13b: {  	s21 =	simm.s32 $0x40;
	v11 =	vimm.f32 $-3.000000010e+38;
	v12 =	vld [tilespmem:s31+$0x0]  }
.LBB2_39:
0x13c: {  	p0 =	sne.s32 s21, $0x1FC0  }
.Ltmp19:
0x13d: {  	_ = 	snop;
	(pc) =	sbr.rel @p0 .LBB2_39-.Ltmp19, $3  }
0x13e: {  	_ =	sdelay $0x1  }
0x13f: {  	s22 =	sshra.s32 s21, $0x2;
	s21 =	sadd.s32 $0x40, s21;
	v11 =	vmax.f32 v11, v12  }
0x140: {  	v12 =	vld [tilespmem:s22+$0x0]  }
0x141: {  	_ =	sdelay $0x3  }
0x142: {  	v11 =	vmax.f32 v11, v12  }
0x143: {  	v12 =	vperm.xlane v11, v0;
	_ =	sdelay $0x1  }
0x144: {  	v11 =	vmax.f32 v11, v12  }
0x145: {  	v12 =	vperm.xlane v11, v1;
	_ =	sdelay $0x1  }
0x146: {  	v11 =	vmax.f32 v11, v12  }
0x147: {  	s22 =	simm.s32 $0x0;
	v12 =	vperm.xlane v11, v2  }
0x148: {  	v13 =	vld [tilespmem:s22+$0x0]  }
0x149: {  	v11 =	vmax.f32 v11, v12  }
0x14a: {  	v12 =	vperm.xlane v11, v3;
	_ =	sdelay $0x1  }
0x14b: {  	v12 =	vmax.f32 v11, v12  }
0x14c: {  	s21 =	simm.s32 $0x10;
	v11 =	vimm.s32 $0x40000000;
	vm9 =	veq.f32 v13, v12;
	v13 =	vor.u32 s22, v4;
	s22 =	simm.s32 $0x10  }
.LBB2_41:
0x14d: {  	v14 =	vld [tilespmem:s22+$0x0];
	p0 =	sne.s32 s21, $0x7F0;
	v13 =	vnsel vm9, $0x40000000, v13;
	s23 =	smov.u32 s21;
	s21 =	sadd.s32 $0x10, s21  }
.Ltmp20:
0x14e: {  	vm9 =	vlt.s32 v11, v13;
	(pc) =	sbr.rel @p0 .LBB2_41-.Ltmp20, $2  }
0x14f: {  	v11 =	vsel vm9, v11, v13;
	_ =	sdelay $0x2  }
0x150: {  	s22 =	sadd.s32 $0x10, s22;
	v13 =	vor.u32 s23, v4;
	vm9 =	veq.f32 v14, v12  }
0x151: {  	v12 =	vnsel vm9, $0x40000000, v13  }
0x152: {  	vm9 =	vlt.s32 v11, v12  }
0x153: {  	v11 =	vsel vm9, v11, v12  }
0x154: {  	v12 =	vperm.xlane v11, v0;
	_ =	sdelay $0x1  }
0x155: {  	vm9 =	vlt.s32 v11, v12  }
0x156: {  	v11 =	vsel vm9, v11, v12  }
0x157: {  	v12 =	vperm.xlane v11, v1;
	_ =	sdelay $0x1  }
0x158: {  	vm9 =	vlt.s32 v11, v12  }
0x159: {  	v11 =	vsel vm9, v11, v12  }
0x15a: {  	v12 =	vperm.xlane v11, v2;
	_ =	sdelay $0x1  }
0x15b: {  	vm9 =	vlt.s32 v11, v12  }
0x15c: {  	v11 =	vsel vm9, v11, v12  }
0x15d: {  	v12 =	vperm.xlane v11, v3;
	_ =	sdelay $0x1  }
0x15e: {  	s21 =	simm.s32 $0x0;
	vm9 =	vlt.s32 v11, v12  }
0x15f: {  	s23 =	simm.s32 $0x10;
	s22 =	simm.s32 $0x0;
	v11 =	vsel vm9, v11, v12;
	v12 =	vld [tilespmem:s21+$0x0]  }
.LBB2_43:
0x160: {  	p0 =	sne.s32 s23, $0x7F0;
	_ =	sdelay $0x1  }
.Ltmp21:
0x161: {  	v13 =	vor.u32 s21, v4;
	s21 =	smov.u32 s23;
	(pc) =	sbr.rel @p0 .LBB2_43-.Ltmp21, $4  }
0x162: {  	vm9 =	veq.s32 v13, v11  }
0x163: {  	v12 =	vsel vm9, $0xFF61B1E6, v12  }
0x164: {  	[tilespmem:s22+$0x0] =	vst v12;
	s22 =	sadd.s32 $0x10, s22  }
0x165: {  	s23 =	sadd.s32 $0x10, s23;
	v12 =	vld [tilespmem:s22+$0x0]  }
0x166: {  	_ =	sdelay $0x1  }
0x167: {  	v13 =	vor.u32 s21, v4  }
0x168: {  	vm9 =	veq.s32 v13, v11  }
0x169: {  	v12 =	vsel vm9, $0xFF61B1E6, v12  }
0x16a: {  	s31 =	simm.s32 $0x0;
	[tilespmem:s22+$0x0] =	vst v12  }
0x16b: {  	s21 =	simm.s32 $0x40;
	v12 =	vimm.f32 $-3.000000010e+38;
	v13 =	vld [tilespmem:s31+$0x0]  }
.LBB2_45:
0x16c: {  	p0 =	sne.s32 s21, $0x1FC0  }
.Ltmp22:
0x16d: {  	_ = 	snop;
	(pc) =	sbr.rel @p0 .LBB2_45-.Ltmp22, $3  }
0x16e: {  	_ =	sdelay $0x1  }
0x16f: {  	s22 =	sshra.s32 s21, $0x2;
	s21 =	sadd.s32 $0x40, s21;
	v12 =	vmax.f32 v12, v13  }
0x170: {  	v13 =	vld [tilespmem:s22+$0x0]  }
0x171: {  	_ =	sdelay $0x3  }
0x172: {  	v12 =	vmax.f32 v12, v13  }
0x173: {  	v13 =	vperm.xlane v12, v0;
	_ =	sdelay $0x1  }
0x174: {  	v12 =	vmax.f32 v12, v13  }
0x175: {  	v13 =	vperm.xlane v12, v1;
	_ =	sdelay $0x1  }
0x176: {  	v12 =	vmax.f32 v12, v13  }
0x177: {  	s22 =	simm.s32 $0x0;
	v13 =	vperm.xlane v12, v2  }
0x178: {  	v14 =	vld [tilespmem:s22+$0x0]  }
0x179: {  	v12 =	vmax.f32 v12, v13  }
0x17a: {  	v13 =	vperm.xlane v12, v3;
	_ =	sdelay $0x1  }
0x17b: {  	v13 =	vmax.f32 v12, v13  }
0x17c: {  	s21 =	simm.s32 $0x10;
	v12 =	vimm.s32 $0x40000000;
	vm9 =	veq.f32 v14, v13;
	v14 =	vor.u32 s22, v4;
	s22 =	simm.s32 $0x10  }
.LBB2_47:
0x17d: {  	v15 =	vld [tilespmem:s22+$0x0];
	p0 =	sne.s32 s21, $0x7F0;
	v14 =	vnsel vm9, $0x40000000, v14;
	s23 =	smov.u32 s21;
	s21 =	sadd.s32 $0x10, s21  }
.Ltmp23:
0x17e: {  	vm9 =	vlt.s32 v12, v14;
	(pc) =	sbr.rel @p0 .LBB2_47-.Ltmp23, $2  }
0x17f: {  	v12 =	vsel vm9, v12, v14;
	_ =	sdelay $0x2  }
0x180: {  	s22 =	sadd.s32 $0x10, s22;
	v14 =	vor.u32 s23, v4;
	vm9 =	veq.f32 v15, v13  }
0x181: {  	v13 =	vnsel vm9, $0x40000000, v14  }
0x182: {  	vm9 =	vlt.s32 v12, v13  }
0x183: {  	v12 =	vsel vm9, v12, v13  }
0x184: {  	v13 =	vperm.xlane v12, v0;
	_ =	sdelay $0x1  }
0x185: {  	vm9 =	vlt.s32 v12, v13  }
0x186: {  	v12 =	vsel vm9, v12, v13  }
0x187: {  	v13 =	vperm.xlane v12, v1;
	_ =	sdelay $0x1  }
0x188: {  	vm9 =	vlt.s32 v12, v13  }
0x189: {  	v12 =	vsel vm9, v12, v13  }
0x18a: {  	v13 =	vperm.xlane v12, v2;
	_ =	sdelay $0x1  }
0x18b: {  	vm9 =	vlt.s32 v12, v13  }
0x18c: {  	v12 =	vsel vm9, v12, v13  }
0x18d: {  	v13 =	vperm.xlane v12, v3;
	_ =	sdelay $0x1  }
0x18e: {  	s21 =	simm.s32 $0x0;
	vm9 =	vlt.s32 v12, v13  }
0x18f: {  	s23 =	simm.s32 $0x10;
	s22 =	simm.s32 $0x0;
	v12 =	vsel vm9, v12, v13;
	v13 =	vld [tilespmem:s21+$0x0]  }
.LBB2_49:
0x190: {  	p0 =	sne.s32 s23, $0x7F0;
	_ =	sdelay $0x1  }
.Ltmp24:
0x191: {  	v14 =	vor.u32 s21, v4;
	s21 =	smov.u32 s23;
	(pc) =	sbr.rel @p0 .LBB2_49-.Ltmp24, $4  }
0x192: {  	vm9 =	veq.s32 v14, v12  }
0x193: {  	v13 =	vsel vm9, $0xFF61B1E6, v13  }
0x194: {  	[tilespmem:s22+$0x0] =	vst v13;
	s22 =	sadd.s32 $0x10, s22  }
0x195: {  	s23 =	sadd.s32 $0x10, s23;
	v13 =	vld [tilespmem:s22+$0x0]  }
0x196: {  	_ =	sdelay $0x1  }
0x197: {  	v14 =	vor.u32 s21, v4  }
0x198: {  	vm9 =	veq.s32 v14, v12  }
0x199: {  	v13 =	vsel vm9, $0xFF61B1E6, v13  }
0x19a: {  	s31 =	simm.s32 $0x0;
	[tilespmem:s22+$0x0] =	vst v13  }
0x19b: {  	s21 =	simm.s32 $0x40;
	v13 =	vimm.f32 $-3.000000010e+38;
	v14 =	vld [tilespmem:s31+$0x0]  }
.LBB2_51:
0x19c: {  	p0 =	sne.s32 s21, $0x1FC0  }
.Ltmp25:
0x19d: {  	_ = 	snop;
	(pc) =	sbr.rel @p0 .LBB2_51-.Ltmp25, $3  }
0x19e: {  	_ =	sdelay $0x1  }
0x19f: {  	s22 =	sshra.s32 s21, $0x2;
	s21 =	sadd.s32 $0x40, s21;
	v13 =	vmax.f32 v13, v14  }
0x1a0: {  	v14 =	vld [tilespmem:s22+$0x0]  }
0x1a1: {  	_ =	sdelay $0x3  }
0x1a2: {  	v13 =	vmax.f32 v13, v14  }
0x1a3: {  	v14 =	vperm.xlane v13, v0;
	_ =	sdelay $0x1  }
0x1a4: {  	v13 =	vmax.f32 v13, v14  }
0x1a5: {  	v14 =	vperm.xlane v13, v1;
	_ =	sdelay $0x1  }
0x1a6: {  	v13 =	vmax.f32 v13, v14  }
0x1a7: {  	s22 =	simm.s32 $0x0;
	v14 =	vperm.xlane v13, v2  }
0x1a8: {  	v15 =	vld [tilespmem:s22+$0x0]  }
0x1a9: {  	v13 =	vmax.f32 v13, v14  }
0x1aa: {  	v14 =	vperm.xlane v13, v3;
	_ =	sdelay $0x1  }
0x1ab: {  	v14 =	vmax.f32 v13, v14  }
0x1ac: {  	s21 =	simm.s32 $0x10;
	v13 =	vimm.s32 $0x40000000;
	vm9 =	veq.f32 v15, v14;
	v15 =	vor.u32 s22, v4;
	s22 =	simm.s32 $0x10  }
.LBB2_53:
0x1ad: {  	v16 =	vld [tilespmem:s22+$0x0];
	p0 =	sne.s32 s21, $0x7F0;
	v15 =	vnsel vm9, $0x40000000, v15;
	s23 =	smov.u32 s21;
	s21 =	sadd.s32 $0x10, s21  }
.Ltmp26:
0x1ae: {  	vm9 =	vlt.s32 v13, v15;
	(pc) =	sbr.rel @p0 .LBB2_53-.Ltmp26, $2  }
0x1af: {  	v13 =	vsel vm9, v13, v15;
	_ =	sdelay $0x2  }
0x1b0: {  	s22 =	sadd.s32 $0x10, s22;
	v15 =	vor.u32 s23, v4;
	vm9 =	veq.f32 v16, v14  }
0x1b1: {  	v14 =	vnsel vm9, $0x40000000, v15  }
0x1b2: {  	vm9 =	vlt.s32 v13, v14  }
0x1b3: {  	v13 =	vsel vm9, v13, v14  }
0x1b4: {  	v14 =	vperm.xlane v13, v0;
	_ =	sdelay $0x1  }
0x1b5: {  	vm9 =	vlt.s32 v13, v14  }
0x1b6: {  	v13 =	vsel vm9, v13, v14  }
0x1b7: {  	v14 =	vperm.xlane v13, v1;
	_ =	sdelay $0x1  }
0x1b8: {  	vm9 =	vlt.s32 v13, v14  }
0x1b9: {  	v13 =	vsel vm9, v13, v14  }
0x1ba: {  	v14 =	vperm.xlane v13, v2;
	_ =	sdelay $0x1  }
0x1bb: {  	vm9 =	vlt.s32 v13, v14  }
0x1bc: {  	v13 =	vsel vm9, v13, v14  }
0x1bd: {  	v14 =	vperm.xlane v13, v3;
	_ =	sdelay $0x1  }
0x1be: {  	s21 =	simm.s32 $0x0;
	vm9 =	vlt.s32 v13, v14  }
0x1bf: {  	s23 =	simm.s32 $0x10;
	s22 =	simm.s32 $0x0;
	v13 =	vsel vm9, v13, v14;
	v14 =	vld [tilespmem:s21+$0x0]  }
.LBB2_55:
0x1c0: {  	p0 =	sne.s32 s23, $0x7F0;
	_ =	sdelay $0x1  }
.Ltmp27:
0x1c1: {  	v15 =	vor.u32 s21, v4;
	s21 =	smov.u32 s23;
	(pc) =	sbr.rel @p0 .LBB2_55-.Ltmp27, $4  }
0x1c2: {  	vm9 =	veq.s32 v15, v13  }
0x1c3: {  	v14 =	vsel vm9, $0xFF61B1E6, v14  }
0x1c4: {  	[tilespmem:s22+$0x0] =	vst v14;
	s22 =	sadd.s32 $0x10, s22  }
0x1c5: {  	s23 =	sadd.s32 $0x10, s23;
	v14 =	vld [tilespmem:s22+$0x0]  }
0x1c6: {  	_ =	sdelay $0x1  }
0x1c7: {  	v15 =	vor.u32 s21, v4  }
0x1c8: {  	vm9 =	veq.s32 v15, v13  }
0x1c9: {  	v14 =	vsel vm9, $0xFF61B1E6, v14  }
0x1ca: {  	s31 =	simm.s32 $0x0;
	[tilespmem:s22+$0x0] =	vst v14  }
0x1cb: {  	s21 =	simm.s32 $0x40;
	v14 =	vimm.f32 $-3.000000010e+38;
	v15 =	vld [tilespmem:s31+$0x0]  }
.LBB2_57:
0x1cc: {  	p0 =	sne.s32 s21, $0x1FC0  }
.Ltmp28:
0x1cd: {  	_ = 	snop;
	(pc) =	sbr.rel @p0 .LBB2_57-.Ltmp28, $3  }
0x1ce: {  	_ =	sdelay $0x1  }
0x1cf: {  	s22 =	sshra.s32 s21, $0x2;
	s21 =	sadd.s32 $0x40, s21;
	v14 =	vmax.f32 v14, v15  }
0x1d0: {  	v15 =	vld [tilespmem:s22+$0x0]  }
0x1d1: {  	_ =	sdelay $0x3  }
0x1d2: {  	v14 =	vmax.f32 v14, v15  }
0x1d3: {  	v15 =	vperm.xlane v14, v0;
	_ =	sdelay $0x1  }
0x1d4: {  	v14 =	vmax.f32 v14, v15  }
0x1d5: {  	v15 =	vperm.xlane v14, v1;
	_ =	sdelay $0x1  }
0x1d6: {  	v14 =	vmax.f32 v14, v15  }
0x1d7: {  	s22 =	simm.s32 $0x0;
	v15 =	vperm.xlane v14, v2  }
0x1d8: {  	v16 =	vld [tilespmem:s22+$0x0]  }
0x1d9: {  	v14 =	vmax.f32 v14, v15  }
0x1da: {  	v15 =	vperm.xlane v14, v3;
	_ =	sdelay $0x1  }
0x1db: {  	v15 =	vmax.f32 v14, v15  }
0x1dc: {  	s21 =	simm.s32 $0x10;
	v14 =	vimm.s32 $0x40000000;
	vm9 =	veq.f32 v16, v15;
	v16 =	vor.u32 s22, v4;
	s22 =	simm.s32 $0x10  }
.LBB2_59:
0x1dd: {  	v17 =	vld [tilespmem:s22+$0x0];
	p0 =	sne.s32 s21, $0x7F0;
	v16 =	vnsel vm9, $0x40000000, v16;
	s23 =	smov.u32 s21;
	s21 =	sadd.s32 $0x10, s21  }
.Ltmp29:
0x1de: {  	vm9 =	vlt.s32 v14, v16;
	(pc) =	sbr.rel @p0 .LBB2_59-.Ltmp29, $2  }
0x1df: {  	v14 =	vsel vm9, v14, v16;
	_ =	sdelay $0x2  }
0x1e0: {  	s22 =	sadd.s32 $0x10, s22;
	v16 =	vor.u32 s23, v4;
	vm9 =	veq.f32 v17, v15  }
0x1e1: {  	v15 =	vnsel vm9, $0x40000000, v16  }
0x1e2: {  	vm9 =	vlt.s32 v14, v15  }
0x1e3: {  	v14 =	vsel vm9, v14, v15  }
0x1e4: {  	v15 =	vperm.xlane v14, v0;
	_ =	sdelay $0x1  }
0x1e5: {  	vm9 =	vlt.s32 v14, v15  }
0x1e6: {  	v14 =	vsel vm9, v14, v15  }
0x1e7: {  	v15 =	vperm.xlane v14, v1;
	_ =	sdelay $0x1  }
0x1e8: {  	vm9 =	vlt.s32 v14, v15  }
0x1e9: {  	v14 =	vsel vm9, v14, v15  }
0x1ea: {  	v15 =	vperm.xlane v14, v2;
	_ =	sdelay $0x1  }
0x1eb: {  	vm9 =	vlt.s32 v14, v15  }
0x1ec: {  	v14 =	vsel vm9, v14, v15  }
0x1ed: {  	v15 =	vperm.xlane v14, v3;
	_ =	sdelay $0x1  }
0x1ee: {  	s22 =	simm.s32 $0x0;
	vm9 =	vlt.s32 v14, v15  }
0x1ef: {  	s23 =	simm.s32 $0x10;
	s21 =	simm.s32 $0x0;
	v14 =	vsel vm9, v14, v15;
	v15 =	vld [tilespmem:s22+$0x0]  }
.LBB2_61:
0x1f0: {  	p0 =	sne.s32 s23, $0x7F0;
	_ =	sdelay $0x1  }
.Ltmp30:
0x1f1: {  	v16 =	vor.u32 s22, v4;
	s22 =	smov.u32 s23;
	(pc) =	sbr.rel @p0 .LBB2_61-.Ltmp30, $4  }
0x1f2: {  	vm9 =	veq.s32 v16, v14  }
0x1f3: {  	v15 =	vsel vm9, $0xFF61B1E6, v15  }
0x1f4: {  	[tilespmem:s21+$0x0] =	vst v15;
	s21 =	sadd.s32 $0x10, s21  }
0x1f5: {  	s23 =	sadd.s32 $0x10, s23;
	v15 =	vld [tilespmem:s21+$0x0]  }
0x1f6: {  	vm9 =	vmmov $0x1  }
0x1f7: {  	v5 =	vnsel vm9, $0x0, v5  }
0x1f8: {  	v5 =	vsel vm0, v5, v6  }
0x1f9: {  	v5 =	vsel vm1, v5, v7  }
0x1fa: {  	v5 =	vsel vm2, v5, v8  }
0x1fb: {  	v5 =	vsel vm3, v5, v9  }
0x1fc: {  	v5 =	vsel vm4, v5, v10  }
0x1fd: {  	v5 =	vsel vm5, v5, v11  }
0x1fe: {  	v5 =	vsel vm6, v5, v12  }
0x1ff: {  	v5 =	vsel vm7, v5, v13  }
0x200: {  	v5 =	vsel vm8, v5, v14  }
0x201: {  	v6 =	vshll.u32 v5, $0x3  }
0x202: {  	v7 =	vand.u32 $0x7, v5;
	v6 =	vand.u32 $0xFFFFFFC0, v6  }
0x203: {  	v62 =	vshrl.u32 v4, $0x3;
	v6 =	vor.u32 v7, v6;
	v7 =	vand.u32 $0x7, v4  }
0x204: {  	v8 =	vmul.u32 $0x8, v62;
	v7 =	vperm.xlane v6, v7;
	_ =	sdelay $0x1  }
0x205: {  	v63 =	vor.u32 s22, v4;
	v7 =	vadd.s32 v8, v7  }
0x206: {  	vm9 =	veq.s32 v63, v14  }
0x207: {  	v9 =	vsel vm9, $0xFF61B1E6, v15  }
0x208: {  	[tilespmem:s21+$0x0] =	vst v9  }
0x209: {  	vm9 =	vmmov $0xffff;
	[tilespmem:$0x800] =	vst v5  }
0x20a: {  	v5 =	vor.u32 $0x8, v4;
	[tilespmem:s11], [sflag:$0x1] =	stream.indirect_vreg.gather [hbm4b:s2+s9], $0x80, v7, vm9, $0xb8;
	[tilespmem:$0x4880] =	vst v63  }
0x20b: {  	v5 =	vperm.xlane v6, v5  }
0x20c: {  	[tilespmem:s12], [sflag:$0x1] =	stream.indirect_vreg.gather [hbm4b:s5+s9], $0x80, v7, vm9, $0xb8;
	[tilespmem:$0x4880] =	vst v63  }
0x20d: {  	v5 =	vadd.s32 v8, v5  }
0x20e: {  	[tilespmem:s13], [sflag:$0x1] =	stream.indirect_vreg.gather [hbm4b:s6+s9], $0x80, v7, vm9, $0xb8;
	[tilespmem:$0x4880] =	vst v63  }
0x20f: {  	_ = 	snop  }
0x210: {  	[tilespmem:s14], [sflag:$0x1] =	stream.indirect_vreg.gather [hbm4b:s7+s9], $0x80, v7, vm9, $0xb8;
	[tilespmem:$0x4880] =	vst v63  }
0x211: {  	_ = 	snop  }
0x212: {  	[tilespmem:s15], [sflag:$0x1] =	stream.indirect_vreg.gather [hbm4b:s2+s9], $0x80, v5, vm9, $0xb8;
	[tilespmem:$0x4880] =	vst v63  }
0x213: {  	_ = 	snop  }
0x214: {  	[tilespmem:s16], [sflag:$0x1] =	stream.indirect_vreg.gather [hbm4b:s5+s9], $0x80, v5, vm9, $0xb8;
	[tilespmem:$0x4880] =	vst v63  }
0x215: {  	_ = 	snop  }
0x216: {  	[tilespmem:s17], [sflag:$0x1] =	stream.indirect_vreg.gather [hbm4b:s6+s9], $0x80, v5, vm9, $0xb8;
	[tilespmem:$0x4880] =	vst v63  }
0x217: {  	_ = 	snop  }
0x218: {  	[tilespmem:s18], [sflag:$0x1] =	stream.indirect_vreg.gather [hbm4b:s7+s9], $0x80, v5, vm9, $0xb8;
	[tilespmem:$0x4880] =	vst v63  }
0x219: {  	s20 =	sadd.s32 $0x1, s20;
	_ =	swait.ge [sflag:s19], $0x4000  }
0x21a: {  	p0 =	sne.s32 s20, s8;
	[sflag:s19] =	ssyncset.done $0x0  }
.Ltmp31:
0x21b: {  	[sflag:s19] =	ssyncadd.s32 $0xFFFFC000;
	(pc) =	sbr.rel @p0 .LBB2_2-.Ltmp31, $4  }
0x21c: {  	[hbm4b:s4+s9] =	stream.linear.scatter [tilespmem:s11], [sflag:$0x2], $0x4000, $0x38;
	[tilespmem:$0x4880] =	vst v63  }
0x21d: {  	_ =	swait.ge [sflag:s10], $0x4000  }
0x21e: {  	[sflag:s10] =	ssyncset.done $0x0  }
0x21f: {  	[sflag:s10] =	ssyncadd.s32 $0xFFFFC000  }
.LBB2_63:
0x220: {  	_ =	sfence.sel $0x180000  }
0x221: {  	[bflag:$0x0] =	sbarrier.arrive $0xFFFF  }
0x222: {  	p0 =	sne.s32 s0, $0x0;
	_ =	strace $0x90000047  }
0x223: {  	s0 =	sadd.s32 @!p0 $0x100000, s1;
	[bflag:$0x2] =	sbarrier.arrive $0xFFFF  }
0x224: {  	[sflag:s0] =	ssyncadd.tile.s32 @!p0 $0x1;
	_ =	shalt  }
.Lfunc_end2:
_tile_overlayer_lowered:
.L_overlay_start_2:
0x225: {  	(tag) =	ssettag $0x2  }
0x226: {  	s0 =	rddreg [dreg:$0x0];
	s2 =	stileid.u32  }
0x227: {  	s1 =	rddreg [dreg:$0x1];
	p0 =	sne.s32 s2, $0x0  }
0x228: {  	s3 =	rddreg [dreg:$0x2];
	[bflag:$0x3] =	sbarrier.arrive $0xFFFF;
	s2 =	simm.s32 @!p0 $0x1C02  }
0x229: {  	[timem:s3], [sflag:s2] =	dma.local @!p0 [hbm:s0], s1  }
0x22a: {  	s0 =	simm.s32 @!p0 $0x2  }
0x22b: {  	_ =	swait.ge @!p0 [sflag:s0], s1  }
0x22c: {  	s1 =	ssub.s32 @!p0 $0x0, s1;
	[sflag:s0] =	ssyncset.done @!p0 $0x0  }
0x22d: {  	[sflag:s0] =	ssyncadd.s32 @!p0 s1  }
0x22e: {  	[bflag:$0x3] =	sbarrier.arrive $0xFFFF  }
0x22f: {  	_ =	shalt  }

</sc_bundles>
